<compile_context>
chip_gen: v7x
topology: tpu7x:2x2x1
jax: 0.10.2.dev20260603
libtpu: 0.0.44.dev20260713+nightly
codegen_flags: <defaults>
</compile_context>

<pallas_src>
import functools

import jax
import jax.numpy as jnp
from jax import lax
from jax.experimental import pallas as pl
from jax.experimental.pallas import tpu as pltpu
from jax.experimental.pallas import tpu_sc as plsc

NC = 2
NS = 16
NW = NC * NS
LANES = 16
K_E = 80



def _mm_body(x_ref, w_ref, o_ref):
    o_ref[...] = jnp.dot(x_ref[...], w_ref[...],
                         preferred_element_type=jnp.float32)


def _tc_matmul(x_pad, w_pad, blk):
    np_, d = x_pad.shape
    cols = w_pad.shape[1]
    return pl.pallas_call(
        _mm_body,
        grid=(np_ // blk,),
        in_specs=[
            pl.BlockSpec((blk, d), lambda i: (i, 0)),
            pl.BlockSpec((d, cols), lambda i: (0, 0)),
        ],
        out_specs=pl.BlockSpec((blk, cols), lambda i: (i, 0)),
        out_shape=jax.ShapeDtypeStruct((np_, cols), jnp.float32),
    )(x_pad, w_pad)


def _y_body(degp_ref, xw_ref, y_ref):
    deg = 1.0 + jnp.sum(degp_ref[...], axis=0)
    dinv = lax.rsqrt(deg)
    y_ref[...] = xw_ref[:, :128] * dinv[:, None]


def _tc_scale(degp, xw256, blk):
    np_ = xw256.shape[0]
    return pl.pallas_call(
        _y_body,
        grid=(np_ // blk,),
        in_specs=[
            pl.BlockSpec((NW, blk), lambda i: (0, i)),
            pl.BlockSpec((blk, 256), lambda i: (i, 0)),
        ],
        out_specs=pl.BlockSpec((blk, 128), lambda i: (i, 0)),
        out_shape=jax.ShapeDtypeStruct((np_, 128), jnp.float32),
    )(degp, xw256)


def _out_body(degp_ref, p_ref, xw_ref, cb_ref, o_ref):
    deg = 1.0 + jnp.sum(degp_ref[...], axis=0)
    dinv = lax.rsqrt(deg)[:, None]
    ps = p_ref[0] + p_ref[1]
    o_ref[...] = dinv * (ps + dinv * xw_ref[:, :128]) + cb_ref[0:1, :]


def _tc_combine(degp, parts, xw256, convb, blk):
    np_ = xw256.shape[0]
    return pl.pallas_call(
        _out_body,
        grid=(np_ // blk,),
        in_specs=[
            pl.BlockSpec((NW, blk), lambda i: (0, i)),
            pl.BlockSpec((2, blk, 128), lambda i: (0, i, 0)),
            pl.BlockSpec((blk, 256), lambda i: (i, 0)),
            pl.BlockSpec((8, 128), lambda i: (0, 0)),
        ],
        out_specs=pl.BlockSpec((blk, 128), lambda i: (i, 0)),
        out_shape=jax.ShapeDtypeStruct((np_, 128), jnp.float32),
    )(degp, parts, xw256, convb)



def _attn_deg_kernel(a, b, row, col, np_, e):
    ept = e // NW
    mesh = plsc.VectorSubcoreMesh(core_axis_name="c", subcore_axis_name="s")

    @functools.partial(
        pl.kernel,
        out_type=[
            jax.ShapeDtypeStruct((e,), jnp.float32),
            jax.ShapeDtypeStruct((NW, np_), jnp.float32),
        ],
        mesh=mesh,
        compiler_params=pltpu.CompilerParams(needs_layout_passes=False),
        scratch_types=[
            pltpu.VMEM((K_E,), jnp.int32),
            pltpu.VMEM((K_E,), jnp.int32),
            pltpu.VMEM((K_E,), jnp.float32),
            pltpu.VMEM((K_E,), jnp.float32),
            pltpu.VMEM((K_E,), jnp.float32),
            pltpu.VMEM((np_,), jnp.float32),
            pltpu.SemaphoreType.DMA,
            pltpu.SemaphoreType.DMA,
        ],
    )
    def k2(a_hbm, b_hbm, row_hbm, col_hbm, attn_hbm, degp_hbm,
           ridx, cidx, av, bv, at, degv, sem1, sem2):
        wid = lax.axis_index("s") * NC + lax.axis_index("c")
        base = wid * ept

        def zero(i, _):
            degv[pl.ds(i * LANES, LANES)] = jnp.zeros((LANES,), jnp.float32)
            return 0
        lax.fori_loop(0, np_ // LANES, zero, 0)

        def chunk(ci, _):
            off = base + ci * K_E
            pltpu.sync_copy(row_hbm.at[pl.ds(off, K_E)], ridx)
            pltpu.sync_copy(col_hbm.at[pl.ds(off, K_E)], cidx)
            cp1 = pltpu.async_copy(a_hbm.at[ridx], av, sem1)
            cp2 = pltpu.async_copy(b_hbm.at[cidx], bv, sem2)
            cp1.wait()
            cp2.wait()

            def inner(m, _):
                s = pl.ds(m * LANES, LANES)
                z = av[s] + bv[s]
                sig = 1.0 / (1.0 + jnp.exp(-z))
                at[s] = sig
                plsc.addupdate_scatter(degv, [cidx[s]], sig)
                return 0
            lax.fori_loop(0, K_E // LANES, inner, 0)
            pltpu.sync_copy(at, attn_hbm.at[pl.ds(off, K_E)])
            return 0
        lax.fori_loop(0, ept // K_E, chunk, 0)
        pltpu.sync_copy(degv, degp_hbm.at[wid])

    return k2(a, b, row, col)


def _gather_scatter_kernel(y, row, col, attn, np_, e):
    ept = e // NW
    rows_per_tile = np_ // NS
    mesh = plsc.VectorSubcoreMesh(core_axis_name="c", subcore_axis_name="s")

    @functools.partial(
        pl.kernel,
        out_type=jax.ShapeDtypeStruct((NC, np_, 128), jnp.float32),
        mesh=mesh,
        compiler_params=pltpu.CompilerParams(needs_layout_passes=False),
        scratch_types=[
            pltpu.VMEM((K_E,), jnp.int32),
            pltpu.VMEM((K_E,), jnp.int32),
            pltpu.VMEM((K_E,), jnp.float32),
            pltpu.VMEM((K_E, 128), jnp.float32),
            pltpu.VMEM_SHARED((np_, 128), jnp.float32),
            pltpu.SemaphoreType.DMA,
        ],
    )
    def k4(y_hbm, row_hbm, col_hbm, attn_hbm, parts_hbm,
           ridx, cidx, atb, rows, acc, gsem):
        cid = lax.axis_index("c")
        sid = lax.axis_index("s")
        wid = sid * NC + cid
        base = wid * ept

        def zrow(i, _):
            for j in range(8):
                rows[i, pl.ds(j * LANES, LANES)] = jnp.zeros((LANES,),
                                                             jnp.float32)
            return 0
        lax.fori_loop(0, K_E, zrow, 0)
        r0 = sid * rows_per_tile
        for j in range(rows_per_tile // K_E):
            pltpu.sync_copy(rows, acc.at[pl.ds(r0 + j * K_E, K_E)])
        plsc.subcore_barrier()

        def chunk(ci, _):
            off = base + ci * K_E
            pltpu.sync_copy(row_hbm.at[pl.ds(off, K_E)], ridx)
            pltpu.sync_copy(col_hbm.at[pl.ds(off, K_E)], cidx)
            pltpu.sync_copy(attn_hbm.at[pl.ds(off, K_E)], atb)
            pltpu.async_copy(y_hbm.at[ridx], rows, gsem).wait()

            def scale(m, _):
                av16 = atb[pl.ds(m * LANES, LANES)]
                for t in range(LANES):
                    ei = m * LANES + t
                    s = av16[t]
                    for j in range(8):
                        d = pl.ds(j * LANES, LANES)
                        rows[ei, d] = rows[ei, d] * s
                return 0
            lax.fori_loop(0, K_E // LANES, scale, 0)
            pltpu.sync_copy(rows, acc.at[cidx], add=True)
            return 0
        lax.fori_loop(0, ept // K_E, chunk, 0)

        plsc.subcore_barrier()
        for j in range(rows_per_tile // K_E):
            rr = r0 + j * K_E
            pltpu.sync_copy(acc.at[pl.ds(rr, K_E)], rows)
            pltpu.sync_copy(rows, parts_hbm.at[cid, pl.ds(rr, K_E)])

    return k4(y, row, col, attn)



def kernel(x, edge_index, lin_w, lin_b, conv_w, conv_b):
    n, d = x.shape
    e = edge_index.shape[1]
    blk = 1280
    np_ = ((n + blk - 1) // blk) * blk

    x_pad = jnp.zeros((np_, d), jnp.float32).at[:n].set(x)
    w_pad = (jnp.zeros((d, 256), jnp.float32)
             .at[:, :128].set(conv_w.T)
             .at[:, 128].set(lin_w[0, :d])
             .at[:, 129].set(lin_w[0, d:]))

    xw256 = _tc_matmul(x_pad, w_pad, blk)
    a = xw256[:, 128] + lin_b[0]
    b = xw256[:, 129]
    row = edge_index[0]
    col = edge_index[1]

    attn, degp = _attn_deg_kernel(a, b, row, col, np_, e)
    y = _tc_scale(degp, xw256, blk)
    parts = _gather_scatter_kernel(y, row, col, attn, np_, e)

    convb = jnp.broadcast_to(conv_b[None, :], (8, 128))
    res = _tc_combine(degp, parts, xw256, convb, blk)
    return res[:n]

# --- scband reference (transcript-rebuilt; emitter-appended) ---
"""Pipeline reference for scband-attention-gcn-90907277787612 (READ-ONLY COPY).

The authoritative reference and input builder live on the scoring server;
editing this copy changes nothing except your own understanding.
"""

import jax, jax.numpy as jnp
import numpy as np

N = 10000
E = 320000
D_IN = 128
D_OUT = 128


def setup_inputs(seed: int = 0) -> dict:
    key = jax.random.key(seed)
    ks = jax.random.split(key, 6)
    x = jax.random.normal(ks[0], (N, D_IN), dtype=jnp.float32)
    edge_index = jax.random.randint(ks[1], (2, E), 0, N, dtype=jnp.int32)
    # attention scoring linear: Linear(2*in_dim, 1)
    lin_w = jax.random.normal(ks[2], (1, 2 * D_IN), dtype=jnp.float32) * (1.0 / np.sqrt(2 * D_IN))
    lin_b = jnp.zeros((1,), dtype=jnp.float32)
    # GCNConv weight (bias separate, lin has no bias in PyG GCNConv)
    conv_w = jax.random.normal(ks[3], (D_OUT, D_IN), dtype=jnp.float32) * (1.0 / np.sqrt(D_IN))
    conv_b = jnp.zeros((D_OUT,), dtype=jnp.float32)
    return {"x": x, "edge_index": edge_index, "lin_w": lin_w, "lin_b": lin_b, "conv_w": conv_w, "conv_b": conv_b}


def reference(x, edge_index, lin_w, lin_b, conv_w, conv_b):
    row = edge_index[0]
    col = edge_index[1]
    # per-edge attention: sigmoid(Linear(cat([x[src], x[dst]])))
    cat = jnp.concatenate([jnp.take(x, row, axis=0), jnp.take(x, col, axis=0)], axis=1)
    attn = jax.nn.sigmoid(cat @ lin_w.T + lin_b)[:, 0]
    # GCNConv(x, edge_index, edge_weight=attn)
    xw = x @ conv_w.T
    n = x.shape[0]
    loop = jnp.arange(n, dtype=row.dtype)
    r2 = jnp.concatenate([row, loop])
    c2 = jnp.concatenate([col, loop])
    ew = jnp.concatenate([attn, jnp.ones((n,), dtype=x.dtype)])
    deg = jax.ops.segment_sum(ew, c2, num_segments=n)
    deg_safe = jnp.where(deg > 0, deg, 1.0)
    dinv = jnp.where(deg > 0, 1.0 / jnp.sqrt(deg_safe), 0.0)
    norm = jnp.take(dinv, r2) * ew * jnp.take(dinv, c2)
    msgs = norm[:, None] * jnp.take(xw, r2, axis=0)
    out = jax.ops.segment_sum(msgs, c2, num_segments=n) + conv_b
    return out

if __name__ == "__main__":
    import jax
    _d = setup_inputs()
    print(jax.jit(kernel)(*tuple(_d.values())))

</pallas_src>

<mosaic_0001>
#map = affine_map<(d0, d1) -> (0)>
#map1 = affine_map<(d0, d1) -> (0, 0)>
module attributes {stable_mosaic.version = 14 : i64} {
  func.func @k2(%arg0: i32, %arg1: i32, %arg2: memref<10240xf32, #tpu.memory_space<hbm>>, %arg3: memref<10240xf32, #tpu.memory_space<hbm>>, %arg4: memref<320000xi32, #tpu.memory_space<hbm>>, %arg5: memref<320000xi32, #tpu.memory_space<hbm>>, %arg6: memref<320000xf32, #tpu.memory_space<hbm>>, %arg7: memref<32x10240xf32, #tpu.memory_space<hbm>>, %arg8: memref<80xi32, #tpu.memory_space<vmem>>, %arg9: memref<80xi32, #tpu.memory_space<vmem>>, %arg10: memref<80xf32, #tpu.memory_space<vmem>>, %arg11: memref<80xf32, #tpu.memory_space<vmem>>, %arg12: memref<80xf32, #tpu.memory_space<vmem>>, %arg13: memref<10240xf32, #tpu.memory_space<vmem>>, %arg14: memref<!tpu.dma_semaphore, #tpu.memory_space<semaphore_mem>>, %arg15: memref<!tpu.dma_semaphore, #tpu.memory_space<semaphore_mem>>) attributes {dimension_semantics = [#tpu.dimension_semantics<core_parallel>, #tpu.dimension_semantics<subcore_parallel>], iteration_bounds = array<i64: 2, 16>, scalar_prefetch = 0 : i64, scratch_operands = 8 : i64, tpu.core_type = #tpu.core_type<sc_vector_subcore>, window_params = [{transform_indices = #map}, {transform_indices = #map}, {transform_indices = #map}, {transform_indices = #map}, {transform_indices = #map}, {transform_indices = #map1}]} {
    %mul3A = arith.constant 2 : i32
    %mul3A_0 = arith.muli %arg1, %mul3A : i32
    %add3A = arith.addi %mul3A_0, %arg0 : i32
    %mul3A_1 = arith.constant 10000 : i32
    %mul3A_2 = arith.muli %add3A, %mul3A_1 : i32
    %scan3A = arith.constant 0 : i32
    %scan3A_3 = arith.constant 0 : i32
    %scan3A_4 = arith.constant 640 : i32
    %scan3A_5 = arith.addi %scan3A_3, %scan3A_4 : i32
    %scan3A_6 = arith.constant 1 : i32
    %scan3A_7 = scf.for %scan3A_16 = %scan3A_3 to %scan3A_5 step %scan3A_6 iter_args(%scan3A_17 = %scan3A) -> (i32)  : i32 {
      %broadcast_in_dim3A = arith.constant 0.000000e+00 : f32
      %broadcast_in_dim3A_18 = vector.broadcast %broadcast_in_dim3A : f32 to vector<16xf32>
      %mul3A_19 = arith.constant 16 : i32
      %mul3A_20 = arith.muli %scan3A_16, %mul3A_19 : i32
      %swap3A = arith.index_cast %mul3A_20 : i32 to index
      %swap3A_21 = tpu.vector_load %arg13[%swap3A] {strides = array<i32>} : memref<10240xf32, #tpu.memory_space<vmem>>, vector<16xf32>,
      tpu.vector_store %arg13[%swap3A], %broadcast_in_dim3A_18 {strides = array<i32>} : memref<10240xf32, #tpu.memory_space<vmem>>, vector<16xf32>,
      %scan3A_22 = arith.constant 0 : i32
      scf.yield %scan3A_22 : i32
    }
    %scan3A_8 = arith.constant 640 : i32
    %scan3A_9 = arith.constant 0 : i32
    %scan3A_10 = arith.constant 0 : i32
    %scan3A_11 = arith.constant 125 : i32
    %scan3A_12 = arith.addi %scan3A_10, %scan3A_11 : i32
    %scan3A_13 = arith.constant 1 : i32
    %scan3A_14 = scf.for %scan3A_16 = %scan3A_10 to %scan3A_12 step %scan3A_13 iter_args(%scan3A_17 = %scan3A_9) -> (i32)  : i32 {
      %mul3A_18 = arith.constant 80 : i32
      %mul3A_19 = arith.muli %scan3A_16, %mul3A_18 : i32
      %add3A_20 = arith.addi %mul3A_2, %mul3A_19 : i32
      "tpu.region"() ({
        %run_scoped3A = tpu.sem_alloc : memref<!tpu.dma_semaphore, #tpu.memory_space<semaphore_mem>>
        %dma_start3A_35 = tpu.memref_slice %arg4[%add3A_20] : memref<320000xi32, #tpu.memory_space<hbm>> -> memref<80xi32, #tpu.memory_space<hbm>>
        %dma_start3A_36 = tpu.memref_slice %arg4[%add3A_20] : memref<320000xi32, #tpu.memory_space<hbm>> -> memref<80xi32, #tpu.memory_space<hbm>>
        tpu.enqueue_dma source(%dma_start3A_36 : memref<80xi32, #tpu.memory_space<hbm>>) target(%arg8 : memref<80xi32, #tpu.memory_space<vmem>>) target_semaphore(%run_scoped3A : memref<!tpu.dma_semaphore, #tpu.memory_space<semaphore_mem>>)
        %dma_wait3A_37 = tpu.memref_slice %arg4[%add3A_20] : memref<320000xi32, #tpu.memory_space<hbm>> -> memref<80xi32, #tpu.memory_space<hbm>>
        %dma_wait3A_38 = tpu.memref_slice %arg4[%add3A_20] : memref<320000xi32, #tpu.memory_space<hbm>> -> memref<80xi32, #tpu.memory_space<hbm>>
        tpu.wait_dma2 semaphore(%run_scoped3A : memref<!tpu.dma_semaphore, #tpu.memory_space<semaphore_mem>>) src(%dma_wait3A_38 : memref<80xi32, #tpu.memory_space<hbm>>) dst(%arg8 : memref<80xi32, #tpu.memory_space<vmem>>)
        tpu.yield
      }) : () -> ()
      "tpu.region"() ({
        %run_scoped3A = tpu.sem_alloc : memref<!tpu.dma_semaphore, #tpu.memory_space<semaphore_mem>>
        %dma_start3A_35 = tpu.memref_slice %arg5[%add3A_20] : memref<320000xi32, #tpu.memory_space<hbm>> -> memref<80xi32, #tpu.memory_space<hbm>>
        %dma_start3A_36 = tpu.memref_slice %arg5[%add3A_20] : memref<320000xi32, #tpu.memory_space<hbm>> -> memref<80xi32, #tpu.memory_space<hbm>>
        tpu.enqueue_dma source(%dma_start3A_36 : memref<80xi32, #tpu.memory_space<hbm>>) target(%arg9 : memref<80xi32, #tpu.memory_space<vmem>>) target_semaphore(%run_scoped3A : memref<!tpu.dma_semaphore, #tpu.memory_space<semaphore_mem>>)
        %dma_wait3A_37 = tpu.memref_slice %arg5[%add3A_20] : memref<320000xi32, #tpu.memory_space<hbm>> -> memref<80xi32, #tpu.memory_space<hbm>>
        %dma_wait3A_38 = tpu.memref_slice %arg5[%add3A_20] : memref<320000xi32, #tpu.memory_space<hbm>> -> memref<80xi32, #tpu.memory_space<hbm>>
        tpu.wait_dma2 semaphore(%run_scoped3A : memref<!tpu.dma_semaphore, #tpu.memory_space<semaphore_mem>>) src(%dma_wait3A_38 : memref<80xi32, #tpu.memory_space<hbm>>) dst(%arg9 : memref<80xi32, #tpu.memory_space<vmem>>)
        tpu.yield
      }) : () -> ()
      %dma_start3A = arith.constant 0 : i32
      %dma_start3A_21 = tpu.memref_slice %arg2[%dma_start3A] : memref<10240xf32, #tpu.memory_space<hbm>> -> memref<10240xf32, #tpu.memory_space<hbm>>
      tpu.enqueue_indirect_dma source(%dma_start3A_21 : memref<10240xf32, #tpu.memory_space<hbm>>) target(%arg10 : memref<80xf32, #tpu.memory_space<vmem>>) offsets(%arg8 : memref<80xi32, #tpu.memory_space<vmem>>) semaphore(%arg14 : memref<!tpu.dma_semaphore, #tpu.memory_space<semaphore_mem>>)
      %dma_start3A_22 = arith.constant 0 : i32
      %dma_start3A_23 = tpu.memref_slice %arg3[%dma_start3A_22] : memref<10240xf32, #tpu.memory_space<hbm>> -> memref<10240xf32, #tpu.memory_space<hbm>>
      tpu.enqueue_indirect_dma source(%dma_start3A_23 : memref<10240xf32, #tpu.memory_space<hbm>>) target(%arg11 : memref<80xf32, #tpu.memory_space<vmem>>) offsets(%arg9 : memref<80xi32, #tpu.memory_space<vmem>>) semaphore(%arg15 : memref<!tpu.dma_semaphore, #tpu.memory_space<semaphore_mem>>)
      %dma_wait3A = arith.constant 0 : i32
      %dma_wait3A_24 = tpu.memref_slice %arg2[%dma_wait3A] : memref<10240xf32, #tpu.memory_space<hbm>> -> memref<10240xf32, #tpu.memory_space<hbm>>
      tpu.wait_indirect_dma semaphore(%arg14 : memref<!tpu.dma_semaphore, #tpu.memory_space<semaphore_mem>>) src(%dma_wait3A_24 : memref<10240xf32, #tpu.memory_space<hbm>>) dst(%arg10 : memref<80xf32, #tpu.memory_space<vmem>>)
      %dma_wait3A_25 = arith.constant 0 : i32
      %dma_wait3A_26 = tpu.memref_slice %arg3[%dma_wait3A_25] : memref<10240xf32, #tpu.memory_space<hbm>> -> memref<10240xf32, #tpu.memory_space<hbm>>
      tpu.wait_indirect_dma semaphore(%arg15 : memref<!tpu.dma_semaphore, #tpu.memory_space<semaphore_mem>>) src(%dma_wait3A_26 : memref<10240xf32, #tpu.memory_space<hbm>>) dst(%arg11 : memref<80xf32, #tpu.memory_space<vmem>>)
      %scan3A_27 = arith.constant 0 : i32
      %scan3A_28 = arith.constant 0 : i32
      %scan3A_29 = arith.constant 5 : i32
      %scan3A_30 = arith.addi %scan3A_28, %scan3A_29 : i32
      %scan3A_31 = arith.constant 1 : i32
      %scan3A_32 = scf.for %scan3A_35 = %scan3A_28 to %scan3A_30 step %scan3A_31 iter_args(%scan3A_36 = %scan3A_27) -> (i32)  : i32 {
        %mul3A_37 = arith.constant 16 : i32
        %mul3A_38 = arith.muli %scan3A_35, %mul3A_37 : i32
        %get3A = arith.index_cast %mul3A_38 : i32 to index
        %get3A_39 = tpu.vector_load %arg10[%get3A] {strides = array<i32>} : memref<80xf32, #tpu.memory_space<vmem>>, vector<16xf32>,
        %get3A_40 = arith.index_cast %mul3A_38 : i32 to index
        %get3A_41 = tpu.vector_load %arg11[%get3A_40] {strides = array<i32>} : memref<80xf32, #tpu.memory_space<vmem>>, vector<16xf32>,
        %add3A_42 = arith.addf %get3A_39, %get3A_41 : vector<16xf32>
        %neg3A = arith.constant 0.000000e+00 : f32
        %neg3A_43 = vector.broadcast %neg3A : f32 to vector<16xf32>
        %neg3A_44 = arith.subf %neg3A_43, %add3A_42 : vector<16xf32>
        %exp3A = math.exp %neg3A_44 : vector<16xf32>
        %add3A_45 = arith.constant 1.000000e+00 : f32
        %add3A_46 = vector.broadcast %add3A_45 : f32 to vector<16xf32>
        %add3A_47 = arith.addf %add3A_46, %exp3A : vector<16xf32>
        %div3A = arith.constant 1.000000e+00 : f32
        %div3A_48 = vector.broadcast %div3A : f32 to vector<16xf32>
        %div3A_49 = arith.divf %div3A_48, %add3A_47 : vector<16xf32>
        %swap3A = arith.index_cast %mul3A_38 : i32 to index
        %swap3A_50 = tpu.vector_load %arg12[%swap3A] {strides = array<i32>} : memref<80xf32, #tpu.memory_space<vmem>>, vector<16xf32>,
        tpu.vector_store %arg12[%swap3A], %div3A_49 {strides = array<i32>} : memref<80xf32, #tpu.memory_space<vmem>>, vector<16xf32>,
        %get3A_51 = arith.index_cast %mul3A_38 : i32 to index
        %get3A_52 = tpu.vector_load %arg9[%get3A_51] {strides = array<i32>} : memref<80xi32, #tpu.memory_space<vmem>>, vector<16xi32>,
        tpu.vector_store_idx %arg13[%get3A_52], %div3A_49 {add = true} : memref<10240xf32, #tpu.memory_space<vmem>>[vector<16xi32>], vector<16xf32>,
        %scan3A_53 = arith.constant 0 : i32
        scf.yield %scan3A_53 : i32
      }
      %scan3A_33 = arith.constant 5 : i32
      "tpu.region"() ({
        %run_scoped3A = tpu.sem_alloc : memref<!tpu.dma_semaphore, #tpu.memory_space<semaphore_mem>>
        %dma_start3A_35 = tpu.memref_slice %arg6[%add3A_20] : memref<320000xf32, #tpu.memory_space<hbm>> -> memref<80xf32, #tpu.memory_space<hbm>>
        %dma_start3A_36 = tpu.memref_slice %arg6[%add3A_20] : memref<320000xf32, #tpu.memory_space<hbm>> -> memref<80xf32, #tpu.memory_space<hbm>>
        tpu.enqueue_dma source(%arg12 : memref<80xf32, #tpu.memory_space<vmem>>) target(%dma_start3A_36 : memref<80xf32, #tpu.memory_space<hbm>>) target_semaphore(%run_scoped3A : memref<!tpu.dma_semaphore, #tpu.memory_space<semaphore_mem>>)
        %dma_wait3A_37 = tpu.memref_slice %arg6[%add3A_20] : memref<320000xf32, #tpu.memory_space<hbm>> -> memref<80xf32, #tpu.memory_space<hbm>>
        %dma_wait3A_38 = tpu.memref_slice %arg6[%add3A_20] : memref<320000xf32, #tpu.memory_space<hbm>> -> memref<80xf32, #tpu.memory_space<hbm>>
        tpu.wait_dma2 semaphore(%run_scoped3A : memref<!tpu.dma_semaphore, #tpu.memory_space<semaphore_mem>>) src(%arg12 : memref<80xf32, #tpu.memory_space<vmem>>) dst(%dma_wait3A_38 : memref<80xf32, #tpu.memory_space<hbm>>)
        tpu.yield
      }) : () -> ()
      %scan3A_34 = arith.constant 0 : i32
      scf.yield %scan3A_34 : i32
    }
    %scan3A_15 = arith.constant 125 : i32
    "tpu.region"() ({
      %run_scoped3A = tpu.sem_alloc : memref<!tpu.dma_semaphore, #tpu.memory_space<semaphore_mem>>
      %dma_start3A = arith.constant 0 : i32
      %dma_start3A_16 = tpu.memref_slice %arg7[%add3A, %dma_start3A] : memref<32x10240xf32, #tpu.memory_space<hbm>> -> memref<1x10240xf32, #tpu.memory_space<hbm>>
      %dma_start3A_17 = tpu.memref_squeeze %dma_start3A_16 : memref<1x10240xf32, #tpu.memory_space<hbm>> -> memref<10240xf32, #tpu.memory_space<hbm>>
      %dma_start3A_18 = arith.constant 0 : i32
      %dma_start3A_19 = tpu.memref_slice %arg7[%add3A, %dma_start3A_18] : memref<32x10240xf32, #tpu.memory_space<hbm>> -> memref<1x10240xf32, #tpu.memory_space<hbm>>
      %dma_start3A_20 = tpu.memref_squeeze %dma_start3A_19 : memref<1x10240xf32, #tpu.memory_space<hbm>> -> memref<10240xf32, #tpu.memory_space<hbm>>
      tpu.enqueue_dma source(%arg13 : memref<10240xf32, #tpu.memory_space<vmem>>) target(%dma_start3A_20 : memref<10240xf32, #tpu.memory_space<hbm>>) target_semaphore(%run_scoped3A : memref<!tpu.dma_semaphore, #tpu.memory_space<semaphore_mem>>)
      %dma_wait3A = arith.constant 0 : i32
      %dma_wait3A_21 = tpu.memref_slice %arg7[%add3A, %dma_wait3A] : memref<32x10240xf32, #tpu.memory_space<hbm>> -> memref<1x10240xf32, #tpu.memory_space<hbm>>
      %dma_wait3A_22 = tpu.memref_squeeze %dma_wait3A_21 : memref<1x10240xf32, #tpu.memory_space<hbm>> -> memref<10240xf32, #tpu.memory_space<hbm>>
      %dma_wait3A_23 = arith.constant 0 : i32
      %dma_wait3A_24 = tpu.memref_slice %arg7[%add3A, %dma_wait3A_23] : memref<32x10240xf32, #tpu.memory_space<hbm>> -> memref<1x10240xf32, #tpu.memory_space<hbm>>
      %dma_wait3A_25 = tpu.memref_squeeze %dma_wait3A_24 : memref<1x10240xf32, #tpu.memory_space<hbm>> -> memref<10240xf32, #tpu.memory_space<hbm>>
      tpu.wait_dma2 semaphore(%run_scoped3A : memref<!tpu.dma_semaphore, #tpu.memory_space<semaphore_mem>>) src(%arg13 : memref<10240xf32, #tpu.memory_space<vmem>>) dst(%dma_wait3A_25 : memref<10240xf32, #tpu.memory_space<hbm>>)
      tpu.yield
    }) : () -> ()
    return
  }
}

#map = affine_map<(d0, d1) -> (0, 0)>
#map1 = affine_map<(d0, d1) -> (0)>
#map2 = affine_map<(d0, d1) -> (0, 0, 0)>
module attributes {stable_mosaic.version = 14 : i64} {
  func.func @k4(%arg0: i32, %arg1: i32, %arg2: memref<10240x128xf32, #tpu.memory_space<hbm>>, %arg3: memref<320000xi32, #tpu.memory_space<hbm>>, %arg4: memref<320000xi32, #tpu.memory_space<hbm>>, %arg5: memref<320000xf32, #tpu.memory_space<hbm>>, %arg6: memref<2x10240x128xf32, #tpu.memory_space<hbm>>, %arg7: memref<80xi32, #tpu.memory_space<vmem>>, %arg8: memref<80xi32, #tpu.memory_space<vmem>>, %arg9: memref<80xf32, #tpu.memory_space<vmem>>, %arg10: memref<80x128xf32, #tpu.memory_space<vmem>>, %arg11: memref<10240x128xf32, #tpu.memory_space<vmem_shared>>, %arg12: memref<!tpu.dma_semaphore, #tpu.memory_space<semaphore_mem>>) attributes {dimension_semantics = [#tpu.dimension_semantics<core_parallel>, #tpu.dimension_semantics<subcore_parallel>], iteration_bounds = array<i64: 2, 16>, scalar_prefetch = 0 : i64, scratch_operands = 6 : i64, tpu.core_type = #tpu.core_type<sc_vector_subcore>, window_params = [{transform_indices = #map}, {transform_indices = #map1}, {transform_indices = #map1}, {transform_indices = #map1}, {transform_indices = #map2}]} {
    %mul3A = arith.constant 2 : i32
    %mul3A_0 = arith.muli %arg1, %mul3A : i32
    %add3A = arith.addi %mul3A_0, %arg0 : i32
    %mul3A_1 = arith.constant 10000 : i32
    %mul3A_2 = arith.muli %add3A, %mul3A_1 : i32
    %scan3A = arith.constant 0 : i32
    %scan3A_3 = arith.constant 0 : i32
    %scan3A_4 = arith.constant 80 : i32
    %scan3A_5 = arith.addi %scan3A_3, %scan3A_4 : i32
    %scan3A_6 = arith.constant 1 : i32
    %scan3A_7 = scf.for %scan3A_51 = %scan3A_3 to %scan3A_5 step %scan3A_6 iter_args(%scan3A_52 = %scan3A) -> (i32)  : i32 {
      %broadcast_in_dim3A = arith.constant 0.000000e+00 : f32
      %broadcast_in_dim3A_53 = vector.broadcast %broadcast_in_dim3A : f32 to vector<16xf32>
      %swap3A = arith.index_cast %scan3A_51 : i32 to index
      %swap3A_54 = arith.constant 0 : index
      %swap3A_55 = tpu.vector_load %arg10[%swap3A, %swap3A_54] {strides = array<i32>} : memref<80x128xf32, #tpu.memory_space<vmem>>, vector<16xf32>,
      tpu.vector_store %arg10[%swap3A, %swap3A_54], %broadcast_in_dim3A_53 {strides = array<i32>} : memref<80x128xf32, #tpu.memory_space<vmem>>, vector<16xf32>,
      %broadcast_in_dim3A_56 = arith.constant 0.000000e+00 : f32
      %broadcast_in_dim3A_57 = vector.broadcast %broadcast_in_dim3A_56 : f32 to vector<16xf32>
      %swap3A_58 = arith.index_cast %scan3A_51 : i32 to index
      %swap3A_59 = arith.constant 16 : index
      %swap3A_60 = tpu.vector_load %arg10[%swap3A_58, %swap3A_59] {strides = array<i32>} : memref<80x128xf32, #tpu.memory_space<vmem>>, vector<16xf32>,
      tpu.vector_store %arg10[%swap3A_58, %swap3A_59], %broadcast_in_dim3A_57 {strides = array<i32>} : memref<80x128xf32, #tpu.memory_space<vmem>>, vector<16xf32>,
      %broadcast_in_dim3A_61 = arith.constant 0.000000e+00 : f32
      %broadcast_in_dim3A_62 = vector.broadcast %broadcast_in_dim3A_61 : f32 to vector<16xf32>
      %swap3A_63 = arith.index_cast %scan3A_51 : i32 to index
      %swap3A_64 = arith.constant 32 : index
      %swap3A_65 = tpu.vector_load %arg10[%swap3A_63, %swap3A_64] {strides = array<i32>} : memref<80x128xf32, #tpu.memory_space<vmem>>, vector<16xf32>,
      tpu.vector_store %arg10[%swap3A_63, %swap3A_64], %broadcast_in_dim3A_62 {strides = array<i32>} : memref<80x128xf32, #tpu.memory_space<vmem>>, vector<16xf32>,
      %broadcast_in_dim3A_66 = arith.constant 0.000000e+00 : f32
      %broadcast_in_dim3A_67 = vector.broadcast %broadcast_in_dim3A_66 : f32 to vector<16xf32>
      %swap3A_68 = arith.index_cast %scan3A_51 : i32 to index
      %swap3A_69 = arith.constant 48 : index
      %swap3A_70 = tpu.vector_load %arg10[%swap3A_68, %swap3A_69] {strides = array<i32>} : memref<80x128xf32, #tpu.memory_space<vmem>>, vector<16xf32>,
      tpu.vector_store %arg10[%swap3A_68, %swap3A_69], %broadcast_in_dim3A_67 {strides = array<i32>} : memref<80x128xf32, #tpu.memory_space<vmem>>, vector<16xf32>,
      %broadcast_in_dim3A_71 = arith.constant 0.000000e+00 : f32
      %broadcast_in_dim3A_72 = vector.broadcast %broadcast_in_dim3A_71 : f32 to vector<16xf32>
      %swap3A_73 = arith.index_cast %scan3A_51 : i32 to index
      %swap3A_74 = arith.constant 64 : index
      %swap3A_75 = tpu.vector_load %arg10[%swap3A_73, %swap3A_74] {strides = array<i32>} : memref<80x128xf32, #tpu.memory_space<vmem>>, vector<16xf32>,
      tpu.vector_store %arg10[%swap3A_73, %swap3A_74], %broadcast_in_dim3A_72 {strides = array<i32>} : memref<80x128xf32, #tpu.memory_space<vmem>>, vector<16xf32>,
      %broadcast_in_dim3A_76 = arith.constant 0.000000e+00 : f32
      %broadcast_in_dim3A_77 = vector.broadcast %broadcast_in_dim3A_76 : f32 to vector<16xf32>
      %swap3A_78 = arith.index_cast %scan3A_51 : i32 to index
      %swap3A_79 = arith.constant 80 : index
      %swap3A_80 = tpu.vector_load %arg10[%swap3A_78, %swap3A_79] {strides = array<i32>} : memref<80x128xf32, #tpu.memory_space<vmem>>, vector<16xf32>,
      tpu.vector_store %arg10[%swap3A_78, %swap3A_79], %broadcast_in_dim3A_77 {strides = array<i32>} : memref<80x128xf32, #tpu.memory_space<vmem>>, vector<16xf32>,
      %broadcast_in_dim3A_81 = arith.constant 0.000000e+00 : f32
      %broadcast_in_dim3A_82 = vector.broadcast %broadcast_in_dim3A_81 : f32 to vector<16xf32>
      %swap3A_83 = arith.index_cast %scan3A_51 : i32 to index
      %swap3A_84 = arith.constant 96 : index
      %swap3A_85 = tpu.vector_load %arg10[%swap3A_83, %swap3A_84] {strides = array<i32>} : memref<80x128xf32, #tpu.memory_space<vmem>>, vector<16xf32>,
      tpu.vector_store %arg10[%swap3A_83, %swap3A_84], %broadcast_in_dim3A_82 {strides = array<i32>} : memref<80x128xf32, #tpu.memory_space<vmem>>, vector<16xf32>,
      %broadcast_in_dim3A_86 = arith.constant 0.000000e+00 : f32
      %broadcast_in_dim3A_87 = vector.broadcast %broadcast_in_dim3A_86 : f32 to vector<16xf32>
      %swap3A_88 = arith.index_cast %scan3A_51 : i32 to index
      %swap3A_89 = arith.constant 112 : index
      %swap3A_90 = tpu.vector_load %arg10[%swap3A_88, %swap3A_89] {strides = array<i32>} : memref<80x128xf32, #tpu.memory_space<vmem>>, vector<16xf32>,
      tpu.vector_store %arg10[%swap3A_88, %swap3A_89], %broadcast_in_dim3A_87 {strides = array<i32>} : memref<80x128xf32, #tpu.memory_space<vmem>>, vector<16xf32>,
      %scan3A_91 = arith.constant 0 : i32
      scf.yield %scan3A_91 : i32
    }
    %scan3A_8 = arith.constant 80 : i32
    %mul3A_9 = arith.constant 640 : i32
    %mul3A_10 = arith.muli %arg1, %mul3A_9 : i32
    %add3A_11 = arith.constant 0 : i32
    %add3A_12 = arith.addi %mul3A_10, %add3A_11 : i32
    "tpu.region"() ({
      %run_scoped3A = tpu.sem_alloc : memref<!tpu.dma_semaphore, #tpu.memory_space<semaphore_mem>>
      %dma_start3A = arith.constant 0 : i32
      %dma_start3A_51 = tpu.memref_slice %arg11[%add3A_12, %dma_start3A] : memref<10240x128xf32, #tpu.memory_space<vmem_shared>> -> memref<80x128xf32, #tpu.memory_space<vmem_shared>>
      %dma_start3A_52 = arith.constant 0 : i32
      %dma_start3A_53 = tpu.memref_slice %arg11[%add3A_12, %dma_start3A_52] : memref<10240x128xf32, #tpu.memory_space<vmem_shared>> -> memref<80x128xf32, #tpu.memory_space<vmem_shared>>
      tpu.enqueue_dma source(%arg10 : memref<80x128xf32, #tpu.memory_space<vmem>>) target(%dma_start3A_53 : memref<80x128xf32, #tpu.memory_space<vmem_shared>>) target_semaphore(%run_scoped3A : memref<!tpu.dma_semaphore, #tpu.memory_space<semaphore_mem>>)
      %dma_wait3A = arith.constant 0 : i32
      %dma_wait3A_54 = tpu.memref_slice %arg11[%add3A_12, %dma_wait3A] : memref<10240x128xf32, #tpu.memory_space<vmem_shared>> -> memref<80x128xf32, #tpu.memory_space<vmem_shared>>
      %dma_wait3A_55 = arith.constant 0 : i32
      %dma_wait3A_56 = tpu.memref_slice %arg11[%add3A_12, %dma_wait3A_55] : memref<10240x128xf32, #tpu.memory_space<vmem_shared>> -> memref<80x128xf32, #tpu.memory_space<vmem_shared>>
      tpu.wait_dma2 semaphore(%run_scoped3A : memref<!tpu.dma_semaphore, #tpu.memory_space<semaphore_mem>>) src(%arg10 : memref<80x128xf32, #tpu.memory_space<vmem>>) dst(%dma_wait3A_56 : memref<80x128xf32, #tpu.memory_space<vmem_shared>>)
      tpu.yield
    }) : () -> ()
    %add3A_13 = arith.constant 80 : i32
    %add3A_14 = arith.addi %mul3A_10, %add3A_13 : i32
    "tpu.region"() ({
      %run_scoped3A = tpu.sem_alloc : memref<!tpu.dma_semaphore, #tpu.memory_space<semaphore_mem>>
      %dma_start3A = arith.constant 0 : i32
      %dma_start3A_51 = tpu.memref_slice %arg11[%add3A_14, %dma_start3A] : memref<10240x128xf32, #tpu.memory_space<vmem_shared>> -> memref<80x128xf32, #tpu.memory_space<vmem_shared>>
      %dma_start3A_52 = arith.constant 0 : i32
      %dma_start3A_53 = tpu.memref_slice %arg11[%add3A_14, %dma_start3A_52] : memref<10240x128xf32, #tpu.memory_space<vmem_shared>> -> memref<80x128xf32, #tpu.memory_space<vmem_shared>>
      tpu.enqueue_dma source(%arg10 : memref<80x128xf32, #tpu.memory_space<vmem>>) target(%dma_start3A_53 : memref<80x128xf32, #tpu.memory_space<vmem_shared>>) target_semaphore(%run_scoped3A : memref<!tpu.dma_semaphore, #tpu.memory_space<semaphore_mem>>)
      %dma_wait3A = arith.constant 0 : i32
      %dma_wait3A_54 = tpu.memref_slice %arg11[%add3A_14, %dma_wait3A] : memref<10240x128xf32, #tpu.memory_space<vmem_shared>> -> memref<80x128xf32, #tpu.memory_space<vmem_shared>>
      %dma_wait3A_55 = arith.constant 0 : i32
      %dma_wait3A_56 = tpu.memref_slice %arg11[%add3A_14, %dma_wait3A_55] : memref<10240x128xf32, #tpu.memory_space<vmem_shared>> -> memref<80x128xf32, #tpu.memory_space<vmem_shared>>
      tpu.wait_dma2 semaphore(%run_scoped3A : memref<!tpu.dma_semaphore, #tpu.memory_space<semaphore_mem>>) src(%arg10 : memref<80x128xf32, #tpu.memory_space<vmem>>) dst(%dma_wait3A_56 : memref<80x128xf32, #tpu.memory_space<vmem_shared>>)
      tpu.yield
    }) : () -> ()
    %add3A_15 = arith.constant 160 : i32
    %add3A_16 = arith.addi %mul3A_10, %add3A_15 : i32
    "tpu.region"() ({
      %run_scoped3A = tpu.sem_alloc : memref<!tpu.dma_semaphore, #tpu.memory_space<semaphore_mem>>
      %dma_start3A = arith.constant 0 : i32
      %dma_start3A_51 = tpu.memref_slice %arg11[%add3A_16, %dma_start3A] : memref<10240x128xf32, #tpu.memory_space<vmem_shared>> -> memref<80x128xf32, #tpu.memory_space<vmem_shared>>
      %dma_start3A_52 = arith.constant 0 : i32
      %dma_start3A_53 = tpu.memref_slice %arg11[%add3A_16, %dma_start3A_52] : memref<10240x128xf32, #tpu.memory_space<vmem_shared>> -> memref<80x128xf32, #tpu.memory_space<vmem_shared>>
      tpu.enqueue_dma source(%arg10 : memref<80x128xf32, #tpu.memory_space<vmem>>) target(%dma_start3A_53 : memref<80x128xf32, #tpu.memory_space<vmem_shared>>) target_semaphore(%run_scoped3A : memref<!tpu.dma_semaphore, #tpu.memory_space<semaphore_mem>>)
      %dma_wait3A = arith.constant 0 : i32
      %dma_wait3A_54 = tpu.memref_slice %arg11[%add3A_16, %dma_wait3A] : memref<10240x128xf32, #tpu.memory_space<vmem_shared>> -> memref<80x128xf32, #tpu.memory_space<vmem_shared>>
      %dma_wait3A_55 = arith.constant 0 : i32
      %dma_wait3A_56 = tpu.memref_slice %arg11[%add3A_16, %dma_wait3A_55] : memref<10240x128xf32, #tpu.memory_space<vmem_shared>> -> memref<80x128xf32, #tpu.memory_space<vmem_shared>>
      tpu.wait_dma2 semaphore(%run_scoped3A : memref<!tpu.dma_semaphore, #tpu.memory_space<semaphore_mem>>) src(%arg10 : memref<80x128xf32, #tpu.memory_space<vmem>>) dst(%dma_wait3A_56 : memref<80x128xf32, #tpu.memory_space<vmem_shared>>)
      tpu.yield
    }) : () -> ()
    %add3A_17 = arith.constant 240 : i32
    %add3A_18 = arith.addi %mul3A_10, %add3A_17 : i32
    "tpu.region"() ({
      %run_scoped3A = tpu.sem_alloc : memref<!tpu.dma_semaphore, #tpu.memory_space<semaphore_mem>>
      %dma_start3A = arith.constant 0 : i32
      %dma_start3A_51 = tpu.memref_slice %arg11[%add3A_18, %dma_start3A] : memref<10240x128xf32, #tpu.memory_space<vmem_shared>> -> memref<80x128xf32, #tpu.memory_space<vmem_shared>>
      %dma_start3A_52 = arith.constant 0 : i32
      %dma_start3A_53 = tpu.memref_slice %arg11[%add3A_18, %dma_start3A_52] : memref<10240x128xf32, #tpu.memory_space<vmem_shared>> -> memref<80x128xf32, #tpu.memory_space<vmem_shared>>
      tpu.enqueue_dma source(%arg10 : memref<80x128xf32, #tpu.memory_space<vmem>>) target(%dma_start3A_53 : memref<80x128xf32, #tpu.memory_space<vmem_shared>>) target_semaphore(%run_scoped3A : memref<!tpu.dma_semaphore, #tpu.memory_space<semaphore_mem>>)
      %dma_wait3A = arith.constant 0 : i32
      %dma_wait3A_54 = tpu.memref_slice %arg11[%add3A_18, %dma_wait3A] : memref<10240x128xf32, #tpu.memory_space<vmem_shared>> -> memref<80x128xf32, #tpu.memory_space<vmem_shared>>
      %dma_wait3A_55 = arith.constant 0 : i32
      %dma_wait3A_56 = tpu.memref_slice %arg11[%add3A_18, %dma_wait3A_55] : memref<10240x128xf32, #tpu.memory_space<vmem_shared>> -> memref<80x128xf32, #tpu.memory_space<vmem_shared>>
      tpu.wait_dma2 semaphore(%run_scoped3A : memref<!tpu.dma_semaphore, #tpu.memory_space<semaphore_mem>>) src(%arg10 : memref<80x128xf32, #tpu.memory_space<vmem>>) dst(%dma_wait3A_56 : memref<80x128xf32, #tpu.memory_space<vmem_shared>>)
      tpu.yield
    }) : () -> ()
    %add3A_19 = arith.constant 320 : i32
    %add3A_20 = arith.addi %mul3A_10, %add3A_19 : i32
    "tpu.region"() ({
      %run_scoped3A = tpu.sem_alloc : memref<!tpu.dma_semaphore, #tpu.memory_space<semaphore_mem>>
      %dma_start3A = arith.constant 0 : i32
      %dma_start3A_51 = tpu.memref_slice %arg11[%add3A_20, %dma_start3A] : memref<10240x128xf32, #tpu.memory_space<vmem_shared>> -> memref<80x128xf32, #tpu.memory_space<vmem_shared>>
      %dma_start3A_52 = arith.constant 0 : i32
      %dma_start3A_53 = tpu.memref_slice %arg11[%add3A_20, %dma_start3A_52] : memref<10240x128xf32, #tpu.memory_space<vmem_shared>> -> memref<80x128xf32, #tpu.memory_space<vmem_shared>>
      tpu.enqueue_dma source(%arg10 : memref<80x128xf32, #tpu.memory_space<vmem>>) target(%dma_start3A_53 : memref<80x128xf32, #tpu.memory_space<vmem_shared>>) target_semaphore(%run_scoped3A : memref<!tpu.dma_semaphore, #tpu.memory_space<semaphore_mem>>)
      %dma_wait3A = arith.constant 0 : i32
      %dma_wait3A_54 = tpu.memref_slice %arg11[%add3A_20, %dma_wait3A] : memref<10240x128xf32, #tpu.memory_space<vmem_shared>> -> memref<80x128xf32, #tpu.memory_space<vmem_shared>>
      %dma_wait3A_55 = arith.constant 0 : i32
      %dma_wait3A_56 = tpu.memref_slice %arg11[%add3A_20, %dma_wait3A_55] : memref<10240x128xf32, #tpu.memory_space<vmem_shared>> -> memref<80x128xf32, #tpu.memory_space<vmem_shared>>
      tpu.wait_dma2 semaphore(%run_scoped3A : memref<!tpu.dma_semaphore, #tpu.memory_space<semaphore_mem>>) src(%arg10 : memref<80x128xf32, #tpu.memory_space<vmem>>) dst(%dma_wait3A_56 : memref<80x128xf32, #tpu.memory_space<vmem_shared>>)
      tpu.yield
    }) : () -> ()
    %add3A_21 = arith.constant 400 : i32
    %add3A_22 = arith.addi %mul3A_10, %add3A_21 : i32
    "tpu.region"() ({
      %run_scoped3A = tpu.sem_alloc : memref<!tpu.dma_semaphore, #tpu.memory_space<semaphore_mem>>
      %dma_start3A = arith.constant 0 : i32
      %dma_start3A_51 = tpu.memref_slice %arg11[%add3A_22, %dma_start3A] : memref<10240x128xf32, #tpu.memory_space<vmem_shared>> -> memref<80x128xf32, #tpu.memory_space<vmem_shared>>
      %dma_start3A_52 = arith.constant 0 : i32
      %dma_start3A_53 = tpu.memref_slice %arg11[%add3A_22, %dma_start3A_52] : memref<10240x128xf32, #tpu.memory_space<vmem_shared>> -> memref<80x128xf32, #tpu.memory_space<vmem_shared>>
      tpu.enqueue_dma source(%arg10 : memref<80x128xf32, #tpu.memory_space<vmem>>) target(%dma_start3A_53 : memref<80x128xf32, #tpu.memory_space<vmem_shared>>) target_semaphore(%run_scoped3A : memref<!tpu.dma_semaphore, #tpu.memory_space<semaphore_mem>>)
      %dma_wait3A = arith.constant 0 : i32
      %dma_wait3A_54 = tpu.memref_slice %arg11[%add3A_22, %dma_wait3A] : memref<10240x128xf32, #tpu.memory_space<vmem_shared>> -> memref<80x128xf32, #tpu.memory_space<vmem_shared>>
      %dma_wait3A_55 = arith.constant 0 : i32
      %dma_wait3A_56 = tpu.memref_slice %arg11[%add3A_22, %dma_wait3A_55] : memref<10240x128xf32, #tpu.memory_space<vmem_shared>> -> memref<80x128xf32, #tpu.memory_space<vmem_shared>>
      tpu.wait_dma2 semaphore(%run_scoped3A : memref<!tpu.dma_semaphore, #tpu.memory_space<semaphore_mem>>) src(%arg10 : memref<80x128xf32, #tpu.memory_space<vmem>>) dst(%dma_wait3A_56 : memref<80x128xf32, #tpu.memory_space<vmem_shared>>)
      tpu.yield
    }) : () -> ()
    %add3A_23 = arith.constant 480 : i32
    %add3A_24 = arith.addi %mul3A_10, %add3A_23 : i32
    "tpu.region"() ({
      %run_scoped3A = tpu.sem_alloc : memref<!tpu.dma_semaphore, #tpu.memory_space<semaphore_mem>>
      %dma_start3A = arith.constant 0 : i32
      %dma_start3A_51 = tpu.memref_slice %arg11[%add3A_24, %dma_start3A] : memref<10240x128xf32, #tpu.memory_space<vmem_shared>> -> memref<80x128xf32, #tpu.memory_space<vmem_shared>>
      %dma_start3A_52 = arith.constant 0 : i32
      %dma_start3A_53 = tpu.memref_slice %arg11[%add3A_24, %dma_start3A_52] : memref<10240x128xf32, #tpu.memory_space<vmem_shared>> -> memref<80x128xf32, #tpu.memory_space<vmem_shared>>
      tpu.enqueue_dma source(%arg10 : memref<80x128xf32, #tpu.memory_space<vmem>>) target(%dma_start3A_53 : memref<80x128xf32, #tpu.memory_space<vmem_shared>>) target_semaphore(%run_scoped3A : memref<!tpu.dma_semaphore, #tpu.memory_space<semaphore_mem>>)
      %dma_wait3A = arith.constant 0 : i32
      %dma_wait3A_54 = tpu.memref_slice %arg11[%add3A_24, %dma_wait3A] : memref<10240x128xf32, #tpu.memory_space<vmem_shared>> -> memref<80x128xf32, #tpu.memory_space<vmem_shared>>
      %dma_wait3A_55 = arith.constant 0 : i32
      %dma_wait3A_56 = tpu.memref_slice %arg11[%add3A_24, %dma_wait3A_55] : memref<10240x128xf32, #tpu.memory_space<vmem_shared>> -> memref<80x128xf32, #tpu.memory_space<vmem_shared>>
      tpu.wait_dma2 semaphore(%run_scoped3A : memref<!tpu.dma_semaphore, #tpu.memory_space<semaphore_mem>>) src(%arg10 : memref<80x128xf32, #tpu.memory_space<vmem>>) dst(%dma_wait3A_56 : memref<80x128xf32, #tpu.memory_space<vmem_shared>>)
      tpu.yield
    }) : () -> ()
    %add3A_25 = arith.constant 560 : i32
    %add3A_26 = arith.addi %mul3A_10, %add3A_25 : i32
    "tpu.region"() ({
      %run_scoped3A = tpu.sem_alloc : memref<!tpu.dma_semaphore, #tpu.memory_space<semaphore_mem>>
      %dma_start3A = arith.constant 0 : i32
      %dma_start3A_51 = tpu.memref_slice %arg11[%add3A_26, %dma_start3A] : memref<10240x128xf32, #tpu.memory_space<vmem_shared>> -> memref<80x128xf32, #tpu.memory_space<vmem_shared>>
      %dma_start3A_52 = arith.constant 0 : i32
      %dma_start3A_53 = tpu.memref_slice %arg11[%add3A_26, %dma_start3A_52] : memref<10240x128xf32, #tpu.memory_space<vmem_shared>> -> memref<80x128xf32, #tpu.memory_space<vmem_shared>>
      tpu.enqueue_dma source(%arg10 : memref<80x128xf32, #tpu.memory_space<vmem>>) target(%dma_start3A_53 : memref<80x128xf32, #tpu.memory_space<vmem_shared>>) target_semaphore(%run_scoped3A : memref<!tpu.dma_semaphore, #tpu.memory_space<semaphore_mem>>)
      %dma_wait3A = arith.constant 0 : i32
      %dma_wait3A_54 = tpu.memref_slice %arg11[%add3A_26, %dma_wait3A] : memref<10240x128xf32, #tpu.memory_space<vmem_shared>> -> memref<80x128xf32, #tpu.memory_space<vmem_shared>>
      %dma_wait3A_55 = arith.constant 0 : i32
      %dma_wait3A_56 = tpu.memref_slice %arg11[%add3A_26, %dma_wait3A_55] : memref<10240x128xf32, #tpu.memory_space<vmem_shared>> -> memref<80x128xf32, #tpu.memory_space<vmem_shared>>
      tpu.wait_dma2 semaphore(%run_scoped3A : memref<!tpu.dma_semaphore, #tpu.memory_space<semaphore_mem>>) src(%arg10 : memref<80x128xf32, #tpu.memory_space<vmem>>) dst(%dma_wait3A_56 : memref<80x128xf32, #tpu.memory_space<vmem_shared>>)
      tpu.yield
    }) : () -> ()
    %barrier3A = arith.constant 0 : index
    tpu.barrier barrier_id(%barrier3A)
    %scan3A_27 = arith.constant 0 : i32
    %scan3A_28 = arith.constant 0 : i32
    %scan3A_29 = arith.constant 125 : i32
    %scan3A_30 = arith.addi %scan3A_28, %scan3A_29 : i32
    %scan3A_31 = arith.constant 1 : i32
    %scan3A_32 = scf.for %scan3A_51 = %scan3A_28 to %scan3A_30 step %scan3A_31 iter_args(%scan3A_52 = %scan3A_27) -> (i32)  : i32 {
      %mul3A_53 = arith.constant 80 : i32
      %mul3A_54 = arith.muli %scan3A_51, %mul3A_53 : i32
      %add3A_55 = arith.addi %mul3A_2, %mul3A_54 : i32
      "tpu.region"() ({
        %run_scoped3A = tpu.sem_alloc : memref<!tpu.dma_semaphore, #tpu.memory_space<semaphore_mem>>
        %dma_start3A_68 = tpu.memref_slice %arg3[%add3A_55] : memref<320000xi32, #tpu.memory_space<hbm>> -> memref<80xi32, #tpu.memory_space<hbm>>
        %dma_start3A_69 = tpu.memref_slice %arg3[%add3A_55] : memref<320000xi32, #tpu.memory_space<hbm>> -> memref<80xi32, #tpu.memory_space<hbm>>
        tpu.enqueue_dma source(%dma_start3A_69 : memref<80xi32, #tpu.memory_space<hbm>>) target(%arg7 : memref<80xi32, #tpu.memory_space<vmem>>) target_semaphore(%run_scoped3A : memref<!tpu.dma_semaphore, #tpu.memory_space<semaphore_mem>>)
        %dma_wait3A_70 = tpu.memref_slice %arg3[%add3A_55] : memref<320000xi32, #tpu.memory_space<hbm>> -> memref<80xi32, #tpu.memory_space<hbm>>
        %dma_wait3A_71 = tpu.memref_slice %arg3[%add3A_55] : memref<320000xi32, #tpu.memory_space<hbm>> -> memref<80xi32, #tpu.memory_space<hbm>>
        tpu.wait_dma2 semaphore(%run_scoped3A : memref<!tpu.dma_semaphore, #tpu.memory_space<semaphore_mem>>) src(%dma_wait3A_71 : memref<80xi32, #tpu.memory_space<hbm>>) dst(%arg7 : memref<80xi32, #tpu.memory_space<vmem>>)
        tpu.yield
      }) : () -> ()
      "tpu.region"() ({
        %run_scoped3A = tpu.sem_alloc : memref<!tpu.dma_semaphore, #tpu.memory_space<semaphore_mem>>
        %dma_start3A_68 = tpu.memref_slice %arg4[%add3A_55] : memref<320000xi32, #tpu.memory_space<hbm>> -> memref<80xi32, #tpu.memory_space<hbm>>
        %dma_start3A_69 = tpu.memref_slice %arg4[%add3A_55] : memref<320000xi32, #tpu.memory_space<hbm>> -> memref<80xi32, #tpu.memory_space<hbm>>
        tpu.enqueue_dma source(%dma_start3A_69 : memref<80xi32, #tpu.memory_space<hbm>>) target(%arg8 : memref<80xi32, #tpu.memory_space<vmem>>) target_semaphore(%run_scoped3A : memref<!tpu.dma_semaphore, #tpu.memory_space<semaphore_mem>>)
        %dma_wait3A_70 = tpu.memref_slice %arg4[%add3A_55] : memref<320000xi32, #tpu.memory_space<hbm>> -> memref<80xi32, #tpu.memory_space<hbm>>
        %dma_wait3A_71 = tpu.memref_slice %arg4[%add3A_55] : memref<320000xi32, #tpu.memory_space<hbm>> -> memref<80xi32, #tpu.memory_space<hbm>>
        tpu.wait_dma2 semaphore(%run_scoped3A : memref<!tpu.dma_semaphore, #tpu.memory_space<semaphore_mem>>) src(%dma_wait3A_71 : memref<80xi32, #tpu.memory_space<hbm>>) dst(%arg8 : memref<80xi32, #tpu.memory_space<vmem>>)
        tpu.yield
      }) : () -> ()
      "tpu.region"() ({
        %run_scoped3A = tpu.sem_alloc : memref<!tpu.dma_semaphore, #tpu.memory_space<semaphore_mem>>
        %dma_start3A_68 = tpu.memref_slice %arg5[%add3A_55] : memref<320000xf32, #tpu.memory_space<hbm>> -> memref<80xf32, #tpu.memory_space<hbm>>
        %dma_start3A_69 = tpu.memref_slice %arg5[%add3A_55] : memref<320000xf32, #tpu.memory_space<hbm>> -> memref<80xf32, #tpu.memory_space<hbm>>
        tpu.enqueue_dma source(%dma_start3A_69 : memref<80xf32, #tpu.memory_space<hbm>>) target(%arg9 : memref<80xf32, #tpu.memory_space<vmem>>) target_semaphore(%run_scoped3A : memref<!tpu.dma_semaphore, #tpu.memory_space<semaphore_mem>>)
        %dma_wait3A_70 = tpu.memref_slice %arg5[%add3A_55] : memref<320000xf32, #tpu.memory_space<hbm>> -> memref<80xf32, #tpu.memory_space<hbm>>
        %dma_wait3A_71 = tpu.memref_slice %arg5[%add3A_55] : memref<320000xf32, #tpu.memory_space<hbm>> -> memref<80xf32, #tpu.memory_space<hbm>>
        tpu.wait_dma2 semaphore(%run_scoped3A : memref<!tpu.dma_semaphore, #tpu.memory_space<semaphore_mem>>) src(%dma_wait3A_71 : memref<80xf32, #tpu.memory_space<hbm>>) dst(%arg9 : memref<80xf32, #tpu.memory_space<vmem>>)
        tpu.yield
      }) : () -> ()
      %dma_start3A = arith.constant 0 : i32
      %dma_start3A_56 = arith.constant 0 : i32
      %dma_start3A_57 = tpu.memref_slice %arg2[%dma_start3A, %dma_start3A_56] : memref<10240x128xf32, #tpu.memory_space<hbm>> -> memref<10240x128xf32, #tpu.memory_space<hbm>>
      tpu.enqueue_indirect_dma source(%dma_start3A_57 : memref<10240x128xf32, #tpu.memory_space<hbm>>) target(%arg10 : memref<80x128xf32, #tpu.memory_space<vmem>>) offsets(%arg7 : memref<80xi32, #tpu.memory_space<vmem>>) semaphore(%arg12 : memref<!tpu.dma_semaphore, #tpu.memory_space<semaphore_mem>>)
      %dma_wait3A = arith.constant 0 : i32
      %dma_wait3A_58 = arith.constant 0 : i32
      %dma_wait3A_59 = tpu.memref_slice %arg2[%dma_wait3A, %dma_wait3A_58] : memref<10240x128xf32, #tpu.memory_space<hbm>> -> memref<10240x128xf32, #tpu.memory_space<hbm>>
      tpu.wait_indirect_dma semaphore(%arg12 : memref<!tpu.dma_semaphore, #tpu.memory_space<semaphore_mem>>) src(%dma_wait3A_59 : memref<10240x128xf32, #tpu.memory_space<hbm>>) dst(%arg10 : memref<80x128xf32, #tpu.memory_space<vmem>>)
      %scan3A_60 = arith.constant 0 : i32
      %scan3A_61 = arith.constant 0 : i32
      %scan3A_62 = arith.constant 5 : i32
      %scan3A_63 = arith.addi %scan3A_61, %scan3A_62 : i32
      %scan3A_64 = arith.constant 1 : i32
      %scan3A_65 = scf.for %scan3A_68 = %scan3A_61 to %scan3A_63 step %scan3A_64 iter_args(%scan3A_69 = %scan3A_60) -> (i32)  : i32 {
        %mul3A_70 = arith.constant 16 : i32
        %mul3A_71 = arith.muli %scan3A_68, %mul3A_70 : i32
        %get3A = arith.index_cast %mul3A_71 : i32 to index
        %get3A_72 = tpu.vector_load %arg9[%get3A] {strides = array<i32>} : memref<80xf32, #tpu.memory_space<vmem>>, vector<16xf32>,
        %mul3A_73 = arith.constant 16 : i32
        %mul3A_74 = arith.muli %scan3A_68, %mul3A_73 : i32
        %add3A_75 = arith.constant 0 : i32
        %add3A_76 = arith.addi %mul3A_74, %add3A_75 : i32
        %slice3A = vector.extract_strided_slice %get3A_72 {offsets = [0], sizes = [1], strides = [1]} : vector<16xf32> to vector<1xf32>
        %squeeze3A = vector.extract %slice3A[0] : f32 from vector<1xf32>
        %get3A_77 = arith.index_cast %add3A_76 : i32 to index
        %get3A_78 = arith.constant 0 : index
        %get3A_79 = tpu.vector_load %arg10[%get3A_77, %get3A_78] {strides = array<i32>} : memref<80x128xf32, #tpu.memory_space<vmem>>, vector<16xf32>,
        %mul3A_80 = vector.broadcast %squeeze3A : f32 to vector<16xf32>
        %mul3A_81 = arith.mulf %get3A_79, %mul3A_80 : vector<16xf32>
        %swap3A = arith.index_cast %add3A_76 : i32 to index
        %swap3A_82 = arith.constant 0 : index
        %swap3A_83 = tpu.vector_load %arg10[%swap3A, %swap3A_82] {strides = array<i32>} : memref<80x128xf32, #tpu.memory_space<vmem>>, vector<16xf32>,
        tpu.vector_store %arg10[%swap3A, %swap3A_82], %mul3A_81 {strides = array<i32>} : memref<80x128xf32, #tpu.memory_space<vmem>>, vector<16xf32>,
        %get3A_84 = arith.index_cast %add3A_76 : i32 to index
        %get3A_85 = arith.constant 16 : index
        %get3A_86 = tpu.vector_load %arg10[%get3A_84, %get3A_85] {strides = array<i32>} : memref<80x128xf32, #tpu.memory_space<vmem>>, vector<16xf32>,
        %mul3A_87 = vector.broadcast %squeeze3A : f32 to vector<16xf32>
        %mul3A_88 = arith.mulf %get3A_86, %mul3A_87 : vector<16xf32>
        %swap3A_89 = arith.index_cast %add3A_76 : i32 to index
        %swap3A_90 = arith.constant 16 : index
        %swap3A_91 = tpu.vector_load %arg10[%swap3A_89, %swap3A_90] {strides = array<i32>} : memref<80x128xf32, #tpu.memory_space<vmem>>, vector<16xf32>,
        tpu.vector_store %arg10[%swap3A_89, %swap3A_90], %mul3A_88 {strides = array<i32>} : memref<80x128xf32, #tpu.memory_space<vmem>>, vector<16xf32>,
        %get3A_92 = arith.index_cast %add3A_76 : i32 to index
        %get3A_93 = arith.constant 32 : index
        %get3A_94 = tpu.vector_load %arg10[%get3A_92, %get3A_93] {strides = array<i32>} : memref<80x128xf32, #tpu.memory_space<vmem>>, vector<16xf32>,
        %mul3A_95 = vector.broadcast %squeeze3A : f32 to vector<16xf32>
        %mul3A_96 = arith.mulf %get3A_94, %mul3A_95 : vector<16xf32>
        %swap3A_97 = arith.index_cast %add3A_76 : i32 to index
        %swap3A_98 = arith.constant 32 : index
        %swap3A_99 = tpu.vector_load %arg10[%swap3A_97, %swap3A_98] {strides = array<i32>} : memref<80x128xf32, #tpu.memory_space<vmem>>, vector<16xf32>,
        tpu.vector_store %arg10[%swap3A_97, %swap3A_98], %mul3A_96 {strides = array<i32>} : memref<80x128xf32, #tpu.memory_space<vmem>>, vector<16xf32>,
        %get3A_100 = arith.index_cast %add3A_76 : i32 to index
        %get3A_101 = arith.constant 48 : index
        %get3A_102 = tpu.vector_load %arg10[%get3A_100, %get3A_101] {strides = array<i32>} : memref<80x128xf32, #tpu.memory_space<vmem>>, vector<16xf32>,
        %mul3A_103 = vector.broadcast %squeeze3A : f32 to vector<16xf32>
        %mul3A_104 = arith.mulf %get3A_102, %mul3A_103 : vector<16xf32>
        %swap3A_105 = arith.index_cast %add3A_76 : i32 to index
        %swap3A_106 = arith.constant 48 : index
        %swap3A_107 = tpu.vector_load %arg10[%swap3A_105, %swap3A_106] {strides = array<i32>} : memref<80x128xf32, #tpu.memory_space<vmem>>, vector<16xf32>,
        tpu.vector_store %arg10[%swap3A_105, %swap3A_106], %mul3A_104 {strides = array<i32>} : memref<80x128xf32, #tpu.memory_space<vmem>>, vector<16xf32>,
        %get3A_108 = arith.index_cast %add3A_76 : i32 to index
        %get3A_109 = arith.constant 64 : index
        %get3A_110 = tpu.vector_load %arg10[%get3A_108, %get3A_109] {strides = array<i32>} : memref<80x128xf32, #tpu.memory_space<vmem>>, vector<16xf32>,
        %mul3A_111 = vector.broadcast %squeeze3A : f32 to vector<16xf32>
        %mul3A_112 = arith.mulf %get3A_110, %mul3A_111 : vector<16xf32>
        %swap3A_113 = arith.index_cast %add3A_76 : i32 to index
        %swap3A_114 = arith.constant 64 : index
        %swap3A_115 = tpu.vector_load %arg10[%swap3A_113, %swap3A_114] {strides = array<i32>} : memref<80x128xf32, #tpu.memory_space<vmem>>, vector<16xf32>,
        tpu.vector_store %arg10[%swap3A_113, %swap3A_114], %mul3A_112 {strides = array<i32>} : memref<80x128xf32, #tpu.memory_space<vmem>>, vector<16xf32>,
        %get3A_116 = arith.index_cast %add3A_76 : i32 to index
        %get3A_117 = arith.constant 80 : index
        %get3A_118 = tpu.vector_load %arg10[%get3A_116, %get3A_117] {strides = array<i32>} : memref<80x128xf32, #tpu.memory_space<vmem>>, vector<16xf32>,
        %mul3A_119 = vector.broadcast %squeeze3A : f32 to vector<16xf32>
        %mul3A_120 = arith.mulf %get3A_118, %mul3A_119 : vector<16xf32>
        %swap3A_121 = arith.index_cast %add3A_76 : i32 to index
        %swap3A_122 = arith.constant 80 : index
        %swap3A_123 = tpu.vector_load %arg10[%swap3A_121, %swap3A_122] {strides = array<i32>} : memref<80x128xf32, #tpu.memory_space<vmem>>, vector<16xf32>,
        tpu.vector_store %arg10[%swap3A_121, %swap3A_122], %mul3A_120 {strides = array<i32>} : memref<80x128xf32, #tpu.memory_space<vmem>>, vector<16xf32>,
        %get3A_124 = arith.index_cast %add3A_76 : i32 to index
        %get3A_125 = arith.constant 96 : index
        %get3A_126 = tpu.vector_load %arg10[%get3A_124, %get3A_125] {strides = array<i32>} : memref<80x128xf32, #tpu.memory_space<vmem>>, vector<16xf32>,
        %mul3A_127 = vector.broadcast %squeeze3A : f32 to vector<16xf32>
        %mul3A_128 = arith.mulf %get3A_126, %mul3A_127 : vector<16xf32>
        %swap3A_129 = arith.index_cast %add3A_76 : i32 to index
        %swap3A_130 = arith.constant 96 : index
        %swap3A_131 = tpu.vector_load %arg10[%swap3A_129, %swap3A_130] {strides = array<i32>} : memref<80x128xf32, #tpu.memory_space<vmem>>, vector<16xf32>,
        tpu.vector_store %arg10[%swap3A_129, %swap3A_130], %mul3A_128 {strides = array<i32>} : memref<80x128xf32, #tpu.memory_space<vmem>>, vector<16xf32>,
        %get3A_132 = arith.index_cast %add3A_76 : i32 to index
        %get3A_133 = arith.constant 112 : index
        %get3A_134 = tpu.vector_load %arg10[%get3A_132, %get3A_133] {strides = array<i32>} : memref<80x128xf32, #tpu.memory_space<vmem>>, vector<16xf32>,
        %mul3A_135 = vector.broadcast %squeeze3A : f32 to vector<16xf32>
        %mul3A_136 = arith.mulf %get3A_134, %mul3A_135 : vector<16xf32>
        %swap3A_137 = arith.index_cast %add3A_76 : i32 to index
        %swap3A_138 = arith.constant 112 : index
        %swap3A_139 = tpu.vector_load %arg10[%swap3A_137, %swap3A_138] {strides = array<i32>} : memref<80x128xf32, #tpu.memory_space<vmem>>, vector<16xf32>,
        tpu.vector_store %arg10[%swap3A_137, %swap3A_138], %mul3A_136 {strides = array<i32>} : memref<80x128xf32, #tpu.memory_space<vmem>>, vector<16xf32>,
        %mul3A_140 = arith.constant 16 : i32
        %mul3A_141 = arith.muli %scan3A_68, %mul3A_140 : i32
        %add3A_142 = arith.constant 1 : i32
        %add3A_143 = arith.addi %mul3A_141, %add3A_142 : i32
        %slice3A_144 = vector.extract_strided_slice %get3A_72 {offsets = [1], sizes = [1], strides = [1]} : vector<16xf32> to vector<1xf32>
        %squeeze3A_145 = vector.extract %slice3A_144[0] : f32 from vector<1xf32>
        %get3A_146 = arith.index_cast %add3A_143 : i32 to index
        %get3A_147 = arith.constant 0 : index
        %get3A_148 = tpu.vector_load %arg10[%get3A_146, %get3A_147] {strides = array<i32>} : memref<80x128xf32, #tpu.memory_space<vmem>>, vector<16xf32>,
        %mul3A_149 = vector.broadcast %squeeze3A_145 : f32 to vector<16xf32>
        %mul3A_150 = arith.mulf %get3A_148, %mul3A_149 : vector<16xf32>
        %swap3A_151 = arith.index_cast %add3A_143 : i32 to index
        %swap3A_152 = arith.constant 0 : index
        %swap3A_153 = tpu.vector_load %arg10[%swap3A_151, %swap3A_152] {strides = array<i32>} : memref<80x128xf32, #tpu.memory_space<vmem>>, vector<16xf32>,
        tpu.vector_store %arg10[%swap3A_151, %swap3A_152], %mul3A_150 {strides = array<i32>} : memref<80x128xf32, #tpu.memory_space<vmem>>, vector<16xf32>,
        %get3A_154 = arith.index_cast %add3A_143 : i32 to index
        %get3A_155 = arith.constant 16 : index
        %get3A_156 = tpu.vector_load %arg10[%get3A_154, %get3A_155] {strides = array<i32>} : memref<80x128xf32, #tpu.memory_space<vmem>>, vector<16xf32>,
        %mul3A_157 = vector.broadcast %squeeze3A_145 : f32 to vector<16xf32>
        %mul3A_158 = arith.mulf %get3A_156, %mul3A_157 : vector<16xf32>
        %swap3A_159 = arith.index_cast %add3A_143 : i32 to index
        %swap3A_160 = arith.constant 16 : index
        %swap3A_161 = tpu.vector_load %arg10[%swap3A_159, %swap3A_160] {strides = array<i32>} : memref<80x128xf32, #tpu.memory_space<vmem>>, vector<16xf32>,
        tpu.vector_store %arg10[%swap3A_159, %swap3A_160], %mul3A_158 {strides = array<i32>} : memref<80x128xf32, #tpu.memory_space<vmem>>, vector<16xf32>,
        %get3A_162 = arith.index_cast %add3A_143 : i32 to index
        %get3A_163 = arith.constant 32 : index
        %get3A_164 = tpu.vector_load %arg10[%get3A_162, %get3A_163] {strides = array<i32>} : memref<80x128xf32, #tpu.memory_space<vmem>>, vector<16xf32>,
        %mul3A_165 = vector.broadcast %squeeze3A_145 : f32 to vector<16xf32>
        %mul3A_166 = arith.mulf %get3A_164, %mul3A_165 : vector<16xf32>
        %swap3A_167 = arith.index_cast %add3A_143 : i32 to index
        %swap3A_168 = arith.constant 32 : index
        %swap3A_169 = tpu.vector_load %arg10[%swap3A_167, %swap3A_168] {strides = array<i32>} : memref<80x128xf32, #tpu.memory_space<vmem>>, vector<16xf32>,
        tpu.vector_store %arg10[%swap3A_167, %swap3A_168], %mul3A_166 {strides = array<i32>} : memref<80x128xf32, #tpu.memory_space<vmem>>, vector<16xf32>,
        %get3A_170 = arith.index_cast %add3A_143 : i32 to index
        %get3A_171 = arith.constant 48 : index
        %get3A_172 = tpu.vector_load %arg10[%get3A_170, %get3A_171] {strides = array<i32>} : memref<80x128xf32, #tpu.memory_space<vmem>>, vector<16xf32>,
        %mul3A_173 = vector.broadcast %squeeze3A_145 : f32 to vector<16xf32>
        %mul3A_174 = arith.mulf %get3A_172, %mul3A_173 : vector<16xf32>
        %swap3A_175 = arith.index_cast %add3A_143 : i32 to index
        %swap3A_176 = arith.constant 48 : index
        %swap3A_177 = tpu.vector_load %arg10[%swap3A_175, %swap3A_176] {strides = array<i32>} : memref<80x128xf32, #tpu.memory_space<vmem>>, vector<16xf32>,
        tpu.vector_store %arg10[%swap3A_175, %swap3A_176], %mul3A_174 {strides = array<i32>} : memref<80x128xf32, #tpu.memory_space<vmem>>, vector<16xf32>,
        %get3A_178 = arith.index_cast %add3A_143 : i32 to index
        %get3A_179 = arith.constant 64 : index
        %get3A_180 = tpu.vector_load %arg10[%get3A_178, %get3A_179] {strides = array<i32>} : memref<80x128xf32, #tpu.memory_space<vmem>>, vector<16xf32>,
        %mul3A_181 = vector.broadcast %squeeze3A_145 : f32 to vector<16xf32>
        %mul3A_182 = arith.mulf %get3A_180, %mul3A_181 : vector<16xf32>
        %swap3A_183 = arith.index_cast %add3A_143 : i32 to index
        %swap3A_184 = arith.constant 64 : index
        %swap3A_185 = tpu.vector_load %arg10[%swap3A_183, %swap3A_184] {strides = array<i32>} : memref<80x128xf32, #tpu.memory_space<vmem>>, vector<16xf32>,
        tpu.vector_store %arg10[%swap3A_183, %swap3A_184], %mul3A_182 {strides = array<i32>} : memref<80x128xf32, #tpu.memory_space<vmem>>, vector<16xf32>,
        %get3A_186 = arith.index_cast %add3A_143 : i32 to index
        %get3A_187 = arith.constant 80 : index
        %get3A_188 = tpu.vector_load %arg10[%get3A_186, %get3A_187] {strides = array<i32>} : memref<80x128xf32, #tpu.memory_space<vmem>>, vector<16xf32>,
        %mul3A_189 = vector.broadcast %squeeze3A_145 : f32 to vector<16xf32>
        %mul3A_190 = arith.mulf %get3A_188, %mul3A_189 : vector<16xf32>
        %swap3A_191 = arith.index_cast %add3A_143 : i32 to index
        %swap3A_192 = arith.constant 80 : index
        %swap3A_193 = tpu.vector_load %arg10[%swap3A_191, %swap3A_192] {strides = array<i32>} : memref<80x128xf32, #tpu.memory_space<vmem>>, vector<16xf32>,
        tpu.vector_store %arg10[%swap3A_191, %swap3A_192], %mul3A_190 {strides = array<i32>} : memref<80x128xf32, #tpu.memory_space<vmem>>, vector<16xf32>,
        %get3A_194 = arith.index_cast %add3A_143 : i32 to index
        %get3A_195 = arith.constant 96 : index
        %get3A_196 = tpu.vector_load %arg10[%get3A_194, %get3A_195] {strides = array<i32>} : memref<80x128xf32, #tpu.memory_space<vmem>>, vector<16xf32>,
        %mul3A_197 = vector.broadcast %squeeze3A_145 : f32 to vector<16xf32>
        %mul3A_198 = arith.mulf %get3A_196, %mul3A_197 : vector<16xf32>
        %swap3A_199 = arith.index_cast %add3A_143 : i32 to index
        %swap3A_200 = arith.constant 96 : index
        %swap3A_201 = tpu.vector_load %arg10[%swap3A_199, %swap3A_200] {strides = array<i32>} : memref<80x128xf32, #tpu.memory_space<vmem>>, vector<16xf32>,
        tpu.vector_store %arg10[%swap3A_199, %swap3A_200], %mul3A_198 {strides = array<i32>} : memref<80x128xf32, #tpu.memory_space<vmem>>, vector<16xf32>,
        %get3A_202 = arith.index_cast %add3A_143 : i32 to index
        %get3A_203 = arith.constant 112 : index
        %get3A_204 = tpu.vector_load %arg10[%get3A_202, %get3A_203] {strides = array<i32>} : memref<80x128xf32, #tpu.memory_space<vmem>>, vector<16xf32>,
        %mul3A_205 = vector.broadcast %squeeze3A_145 : f32 to vector<16xf32>
        %mul3A_206 = arith.mulf %get3A_204, %mul3A_205 : vector<16xf32>
        %swap3A_207 = arith.index_cast %add3A_143 : i32 to index
        %swap3A_208 = arith.constant 112 : index
        %swap3A_209 = tpu.vector_load %arg10[%swap3A_207, %swap3A_208] {strides = array<i32>} : memref<80x128xf32, #tpu.memory_space<vmem>>, vector<16xf32>,
        tpu.vector_store %arg10[%swap3A_207, %swap3A_208], %mul3A_206 {strides = array<i32>} : memref<80x128xf32, #tpu.memory_space<vmem>>, vector<16xf32>,
        %mul3A_210 = arith.constant 16 : i32
        %mul3A_211 = arith.muli %scan3A_68, %mul3A_210 : i32
        %add3A_212 = arith.constant 2 : i32
        %add3A_213 = arith.addi %mul3A_211, %add3A_212 : i32
        %slice3A_214 = vector.extract_strided_slice %get3A_72 {offsets = [2], sizes = [1], strides = [1]} : vector<16xf32> to vector<1xf32>
        %squeeze3A_215 = vector.extract %slice3A_214[0] : f32 from vector<1xf32>
        %get3A_216 = arith.index_cast %add3A_213 : i32 to index
        %get3A_217 = arith.constant 0 : index
        %get3A_218 = tpu.vector_load %arg10[%get3A_216, %get3A_217] {strides = array<i32>} : memref<80x128xf32, #tpu.memory_space<vmem>>, vector<16xf32>,
        %mul3A_219 = vector.broadcast %squeeze3A_215 : f32 to vector<16xf32>
        %mul3A_220 = arith.mulf %get3A_218, %mul3A_219 : vector<16xf32>
        %swap3A_221 = arith.index_cast %add3A_213 : i32 to index
        %swap3A_222 = arith.constant 0 : index
        %swap3A_223 = tpu.vector_load %arg10[%swap3A_221, %swap3A_222] {strides = array<i32>} : memref<80x128xf32, #tpu.memory_space<vmem>>, vector<16xf32>,
        tpu.vector_store %arg10[%swap3A_221, %swap3A_222], %mul3A_220 {strides = array<i32>} : memref<80x128xf32, #tpu.memory_space<vmem>>, vector<16xf32>,
        %get3A_224 = arith.index_cast %add3A_213 : i32 to index
        %get3A_225 = arith.constant 16 : index
        %get3A_226 = tpu.vector_load %arg10[%get3A_224, %get3A_225] {strides = array<i32>} : memref<80x128xf32, #tpu.memory_space<vmem>>, vector<16xf32>,
        %mul3A_227 = vector.broadcast %squeeze3A_215 : f32 to vector<16xf32>
        %mul3A_228 = arith.mulf %get3A_226, %mul3A_227 : vector<16xf32>
        %swap3A_229 = arith.index_cast %add3A_213 : i32 to index
        %swap3A_230 = arith.constant 16 : index
        %swap3A_231 = tpu.vector_load %arg10[%swap3A_229, %swap3A_230] {strides = array<i32>} : memref<80x128xf32, #tpu.memory_space<vmem>>, vector<16xf32>,
        tpu.vector_store %arg10[%swap3A_229, %swap3A_230], %mul3A_228 {strides = array<i32>} : memref<80x128xf32, #tpu.memory_space<vmem>>, vector<16xf32>,
        %get3A_232 = arith.index_cast %add3A_213 : i32 to index
        %get3A_233 = arith.constant 32 : index
        %get3A_234 = tpu.vector_load %arg10[%get3A_232, %get3A_233] {strides = array<i32>} : memref<80x128xf32, #tpu.memory_space<vmem>>, vector<16xf32>,
        %mul3A_235 = vector.broadcast %squeeze3A_215 : f32 to vector<16xf32>
        %mul3A_236 = arith.mulf %get3A_234, %mul3A_235 : vector<16xf32>
        %swap3A_237 = arith.index_cast %add3A_213 : i32 to index
        %swap3A_238 = arith.constant 32 : index
        %swap3A_239 = tpu.vector_load %arg10[%swap3A_237, %swap3A_238] {strides = array<i32>} : memref<80x128xf32, #tpu.memory_space<vmem>>, vector<16xf32>,
        tpu.vector_store %arg10[%swap3A_237, %swap3A_238], %mul3A_236 {strides = array<i32>} : memref<80x128xf32, #tpu.memory_space<vmem>>, vector<16xf32>,
        %get3A_240 = arith.index_cast %add3A_213 : i32 to index
        %get3A_241 = arith.constant 48 : index
        %get3A_242 = tpu.vector_load %arg10[%get3A_240, %get3A_241] {strides = array<i32>} : memref<80x128xf32, #tpu.memory_space<vmem>>, vector<16xf32>,
        %mul3A_243 = vector.broadcast %squeeze3A_215 : f32 to vector<16xf32>
        %mul3A_244 = arith.mulf %get3A_242, %mul3A_243 : vector<16xf32>
        %swap3A_245 = arith.index_cast %add3A_213 : i32 to index
        %swap3A_246 = arith.constant 48 : index
        %swap3A_247 = tpu.vector_load %arg10[%swap3A_245, %swap3A_246] {strides = array<i32>} : memref<80x128xf32, #tpu.memory_space<vmem>>, vector<16xf32>,
        tpu.vector_store %arg10[%swap3A_245, %swap3A_246], %mul3A_244 {strides = array<i32>} : memref<80x128xf32, #tpu.memory_space<vmem>>, vector<16xf32>,
        %get3A_248 = arith.index_cast %add3A_213 : i32 to index
        %get3A_249 = arith.constant 64 : index
        %get3A_250 = tpu.vector_load %arg10[%get3A_248, %get3A_249] {strides = array<i32>} : memref<80x128xf32, #tpu.memory_space<vmem>>, vector<16xf32>,
        %mul3A_251 = vector.broadcast %squeeze3A_215 : f32 to vector<16xf32>
        %mul3A_252 = arith.mulf %get3A_250, %mul3A_251 : vector<16xf32>
        %swap3A_253 = arith.index_cast %add3A_213 : i32 to index
        %swap3A_254 = arith.constant 64 : index
        %swap3A_255 = tpu.vector_load %arg10[%swap3A_253, %swap3A_254] {strides = array<i32>} : memref<80x128xf32, #tpu.memory_space<vmem>>, vector<16xf32>,
        tpu.vector_store %arg10[%swap3A_253, %swap3A_254], %mul3A_252 {strides = array<i32>} : memref<80x128xf32, #tpu.memory_space<vmem>>, vector<16xf32>,
        %get3A_256 = arith.index_cast %add3A_213 : i32 to index
        %get3A_257 = arith.constant 80 : index
        %get3A_258 = tpu.vector_load %arg10[%get3A_256, %get3A_257] {strides = array<i32>} : memref<80x128xf32, #tpu.memory_space<vmem>>, vector<16xf32>,
        %mul3A_259 = vector.broadcast %squeeze3A_215 : f32 to vector<16xf32>
        %mul3A_260 = arith.mulf %get3A_258, %mul3A_259 : vector<16xf32>
        %swap3A_261 = arith.index_cast %add3A_213 : i32 to index
        %swap3A_262 = arith.constant 80 : index
        %swap3A_263 = tpu.vector_load %arg10[%swap3A_261, %swap3A_262] {strides = array<i32>} : memref<80x128xf32, #tpu.memory_space<vmem>>, vector<16xf32>,
        tpu.vector_store %arg10[%swap3A_261, %swap3A_262], %mul3A_260 {strides = array<i32>} : memref<80x128xf32, #tpu.memory_space<vmem>>, vector<16xf32>,
        %get3A_264 = arith.index_cast %add3A_213 : i32 to index
        %get3A_265 = arith.constant 96 : index
        %get3A_266 = tpu.vector_load %arg10[%get3A_264, %get3A_265] {strides = array<i32>} : memref<80x128xf32, #tpu.memory_space<vmem>>, vector<16xf32>,
        %mul3A_267 = vector.broadcast %squeeze3A_215 : f32 to vector<16xf32>
        %mul3A_268 = arith.mulf %get3A_266, %mul3A_267 : vector<16xf32>
        %swap3A_269 = arith.index_cast %add3A_213 : i32 to index
        %swap3A_270 = arith.constant 96 : index
        %swap3A_271 = tpu.vector_load %arg10[%swap3A_269, %swap3A_270] {strides = array<i32>} : memref<80x128xf32, #tpu.memory_space<vmem>>, vector<16xf32>,
        tpu.vector_store %arg10[%swap3A_269, %swap3A_270], %mul3A_268 {strides = array<i32>} : memref<80x128xf32, #tpu.memory_space<vmem>>, vector<16xf32>,
        %get3A_272 = arith.index_cast %add3A_213 : i32 to index
        %get3A_273 = arith.constant 112 : index
        %get3A_274 = tpu.vector_load %arg10[%get3A_272, %get3A_273] {strides = array<i32>} : memref<80x128xf32, #tpu.memory_space<vmem>>, vector<16xf32>,
        %mul3A_275 = vector.broadcast %squeeze3A_215 : f32 to vector<16xf32>
        %mul3A_276 = arith.mulf %get3A_274, %mul3A_275 : vector<16xf32>
        %swap3A_277 = arith.index_cast %add3A_213 : i32 to index
        %swap3A_278 = arith.constant 112 : index
        %swap3A_279 = tpu.vector_load %arg10[%swap3A_277, %swap3A_278] {strides = array<i32>} : memref<80x128xf32, #tpu.memory_space<vmem>>, vector<16xf32>,
        tpu.vector_store %arg10[%swap3A_277, %swap3A_278], %mul3A_276 {strides = array<i32>} : memref<80x128xf32, #tpu.memory_space<vmem>>, vector<16xf32>,
        %mul3A_280 = arith.constant 16 : i32
        %mul3A_281 = arith.muli %scan3A_68, %mul3A_280 : i32
        %add3A_282 = arith.constant 3 : i32
        %add3A_283 = arith.addi %mul3A_281, %add3A_282 : i32
        %slice3A_284 = vector.extract_strided_slice %get3A_72 {offsets = [3], sizes = [1], strides = [1]} : vector<16xf32> to vector<1xf32>
        %squeeze3A_285 = vector.extract %slice3A_284[0] : f32 from vector<1xf32>
        %get3A_286 = arith.index_cast %add3A_283 : i32 to index
        %get3A_287 = arith.constant 0 : index
        %get3A_288 = tpu.vector_load %arg10[%get3A_286, %get3A_287] {strides = array<i32>} : memref<80x128xf32, #tpu.memory_space<vmem>>, vector<16xf32>,
        %mul3A_289 = vector.broadcast %squeeze3A_285 : f32 to vector<16xf32>
        %mul3A_290 = arith.mulf %get3A_288, %mul3A_289 : vector<16xf32>
        %swap3A_291 = arith.index_cast %add3A_283 : i32 to index
        %swap3A_292 = arith.constant 0 : index
        %swap3A_293 = tpu.vector_load %arg10[%swap3A_291, %swap3A_292] {strides = array<i32>} : memref<80x128xf32, #tpu.memory_space<vmem>>, vector<16xf32>,
        tpu.vector_store %arg10[%swap3A_291, %swap3A_292], %mul3A_290 {strides = array<i32>} : memref<80x128xf32, #tpu.memory_space<vmem>>, vector<16xf32>,
        %get3A_294 = arith.index_cast %add3A_283 : i32 to index
        %get3A_295 = arith.constant 16 : index
        %get3A_296 = tpu.vector_load %arg10[%get3A_294, %get3A_295] {strides = array<i32>} : memref<80x128xf32, #tpu.memory_space<vmem>>, vector<16xf32>,
        %mul3A_297 = vector.broadcast %squeeze3A_285 : f32 to vector<16xf32>
        %mul3A_298 = arith.mulf %get3A_296, %mul3A_297 : vector<16xf32>
        %swap3A_299 = arith.index_cast %add3A_283 : i32 to index
        %swap3A_300 = arith.constant 16 : index
        %swap3A_301 = tpu.vector_load %arg10[%swap3A_299, %swap3A_300] {strides = array<i32>} : memref<80x128xf32, #tpu.memory_space<vmem>>, vector<16xf32>,
        tpu.vector_store %arg10[%swap3A_299, %swap3A_300], %mul3A_298 {strides = array<i32>} : memref<80x128xf32, #tpu.memory_space<vmem>>, vector<16xf32>,
        %get3A_302 = arith.index_cast %add3A_283 : i32 to index
        %get3A_303 = arith.constant 32 : index
        %get3A_304 = tpu.vector_load %arg10[%get3A_302, %get3A_303] {strides = array<i32>} : memref<80x128xf32, #tpu.memory_space<vmem>>, vector<16xf32>,
        %mul3A_305 = vector.broadcast %squeeze3A_285 : f32 to vector<16xf32>
        %mul3A_306 = arith.mulf %get3A_304, %mul3A_305 : vector<16xf32>
        %swap3A_307 = arith.index_cast %add3A_283 : i32 to index
        %swap3A_308 = arith.constant 32 : index
        %swap3A_309 = tpu.vector_load %arg10[%swap3A_307, %swap3A_308] {strides = array<i32>} : memref<80x128xf32, #tpu.memory_space<vmem>>, vector<16xf32>,
        tpu.vector_store %arg10[%swap3A_307, %swap3A_308], %mul3A_306 {strides = array<i32>} : memref<80x128xf32, #tpu.memory_space<vmem>>, vector<16xf32>,
        %get3A_310 = arith.index_cast %add3A_283 : i32 to index
        %get3A_311 = arith.constant 48 : index
        %get3A_312 = tpu.vector_load %arg10[%get3A_310, %get3A_311] {strides = array<i32>} : memref<80x128xf32, #tpu.memory_space<vmem>>, vector<16xf32>,
        %mul3A_313 = vector.broadcast %squeeze3A_285 : f32 to vector<16xf32>
        %mul3A_314 = arith.mulf %get3A_312, %mul3A_313 : vector<16xf32>
        %swap3A_315 = arith.index_cast %add3A_283 : i32 to index
        %swap3A_316 = arith.constant 48 : index
        %swap3A_317 = tpu.vector_load %arg10[%swap3A_315, %swap3A_316] {strides = array<i32>} : memref<80x128xf32, #tpu.memory_space<vmem>>, vector<16xf32>,
        tpu.vector_store %arg10[%swap3A_315, %swap3A_316], %mul3A_314 {strides = array<i32>} : memref<80x128xf32, #tpu.memory_space<vmem>>, vector<16xf32>,
        %get3A_318 = arith.index_cast %add3A_283 : i32 to index
        %get3A_319 = arith.constant 64 : index
        %get3A_320 = tpu.vector_load %arg10[%get3A_318, %get3A_319] {strides = array<i32>} : memref<80x128xf32, #tpu.memory_space<vmem>>, vector<16xf32>,
        %mul3A_321 = vector.broadcast %squeeze3A_285 : f32 to vector<16xf32>
        %mul3A_322 = arith.mulf %get3A_320, %mul3A_321 : vector<16xf32>
        %swap3A_323 = arith.index_cast %add3A_283 : i32 to index
        %swap3A_324 = arith.constant 64 : index
        %swap3A_325 = tpu.vector_load %arg10[%swap3A_323, %swap3A_324] {strides = array<i32>} : memref<80x128xf32, #tpu.memory_space<vmem>>, vector<16xf32>,
        tpu.vector_store %arg10[%swap3A_323, %swap3A_324], %mul3A_322 {strides = array<i32>} : memref<80x128xf32, #tpu.memory_space<vmem>>, vector<16xf32>,
        %get3A_326 = arith.index_cast %add3A_283 : i32 to index
        %get3A_327 = arith.constant 80 : index
        %get3A_328 = tpu.vector_load %arg10[%get3A_326, %get3A_327] {strides = array<i32>} : memref<80x128xf32, #tpu.memory_space<vmem>>, vector<16xf32>,
        %mul3A_329 = vector.broadcast %squeeze3A_285 : f32 to vector<16xf32>
        %mul3A_330 = arith.mulf %get3A_328, %mul3A_329 : vector<16xf32>
        %swap3A_331 = arith.index_cast %add3A_283 : i32 to index
        %swap3A_332 = arith.constant 80 : index
        %swap3A_333 = tpu.vector_load %arg10[%swap3A_331, %swap3A_332] {strides = array<i32>} : memref<80x128xf32, #tpu.memory_space<vmem>>, vector<16xf32>,
        tpu.vector_store %arg10[%swap3A_331, %swap3A_332], %mul3A_330 {strides = array<i32>} : memref<80x128xf32, #tpu.memory_space<vmem>>, vector<16xf32>,
        %get3A_334 = arith.index_cast %add3A_283 : i32 to index
        %get3A_335 = arith.constant 96 : index
        %get3A_336 = tpu.vector_load %arg10[%get3A_334, %get3A_335] {strides = array<i32>} : memref<80x128xf32, #tpu.memory_space<vmem>>, vector<16xf32>,
        %mul3A_337 = vector.broadcast %squeeze3A_285 : f32 to vector<16xf32>
        %mul3A_338 = arith.mulf %get3A_336, %mul3A_337 : vector<16xf32>
        %swap3A_339 = arith.index_cast %add3A_283 : i32 to index
        %swap3A_340 = arith.constant 96 : index
        %swap3A_341 = tpu.vector_load %arg10[%swap3A_339, %swap3A_340] {strides = array<i32>} : memref<80x128xf32, #tpu.memory_space<vmem>>, vector<16xf32>,
        tpu.vector_store %arg10[%swap3A_339, %swap3A_340], %mul3A_338 {strides = array<i32>} : memref<80x128xf32, #tpu.memory_space<vmem>>, vector<16xf32>,
        %get3A_342 = arith.index_cast %add3A_283 : i32 to index
        %get3A_343 = arith.constant 112 : index
        %get3A_344 = tpu.vector_load %arg10[%get3A_342, %get3A_343] {strides = array<i32>} : memref<80x128xf32, #tpu.memory_space<vmem>>, vector<16xf32>,
        %mul3A_345 = vector.broadcast %squeeze3A_285 : f32 to vector<16xf32>
        %mul3A_346 = arith.mulf %get3A_344, %mul3A_345 : vector<16xf32>
        %swap3A_347 = arith.index_cast %add3A_283 : i32 to index
        %swap3A_348 = arith.constant 112 : index
        %swap3A_349 = tpu.vector_load %arg10[%swap3A_347, %swap3A_348] {strides = array<i32>} : memref<80x128xf32, #tpu.memory_space<vmem>>, vector<16xf32>,
        tpu.vector_store %arg10[%swap3A_347, %swap3A_348], %mul3A_346 {strides = array<i32>} : memref<80x128xf32, #tpu.memory_space<vmem>>, vector<16xf32>,
        %mul3A_350 = arith.constant 16 : i32
        %mul3A_351 = arith.muli %scan3A_68, %mul3A_350 : i32
        %add3A_352 = arith.constant 4 : i32
        %add3A_353 = arith.addi %mul3A_351, %add3A_352 : i32
        %slice3A_354 = vector.extract_strided_slice %get3A_72 {offsets = [4], sizes = [1], strides = [1]} : vector<16xf32> to vector<1xf32>
        %squeeze3A_355 = vector.extract %slice3A_354[0] : f32 from vector<1xf32>
        %get3A_356 = arith.index_cast %add3A_353 : i32 to index
        %get3A_357 = arith.constant 0 : index
        %get3A_358 = tpu.vector_load %arg10[%get3A_356, %get3A_357] {strides = array<i32>} : memref<80x128xf32, #tpu.memory_space<vmem>>, vector<16xf32>,
        %mul3A_359 = vector.broadcast %squeeze3A_355 : f32 to vector<16xf32>
        %mul3A_360 = arith.mulf %get3A_358, %mul3A_359 : vector<16xf32>
        %swap3A_361 = arith.index_cast %add3A_353 : i32 to index
        %swap3A_362 = arith.constant 0 : index
        %swap3A_363 = tpu.vector_load %arg10[%swap3A_361, %swap3A_362] {strides = array<i32>} : memref<80x128xf32, #tpu.memory_space<vmem>>, vector<16xf32>,
        tpu.vector_store %arg10[%swap3A_361, %swap3A_362], %mul3A_360 {strides = array<i32>} : memref<80x128xf32, #tpu.memory_space<vmem>>, vector<16xf32>,
        %get3A_364 = arith.index_cast %add3A_353 : i32 to index
        %get3A_365 = arith.constant 16 : index
        %get3A_366 = tpu.vector_load %arg10[%get3A_364, %get3A_365] {strides = array<i32>} : memref<80x128xf32, #tpu.memory_space<vmem>>, vector<16xf32>,
        %mul3A_367 = vector.broadcast %squeeze3A_355 : f32 to vector<16xf32>
        %mul3A_368 = arith.mulf %get3A_366, %mul3A_367 : vector<16xf32>
        %swap3A_369 = arith.index_cast %add3A_353 : i32 to index
        %swap3A_370 = arith.constant 16 : index
        %swap3A_371 = tpu.vector_load %arg10[%swap3A_369, %swap3A_370] {strides = array<i32>} : memref<80x128xf32, #tpu.memory_space<vmem>>, vector<16xf32>,
        tpu.vector_store %arg10[%swap3A_369, %swap3A_370], %mul3A_368 {strides = array<i32>} : memref<80x128xf32, #tpu.memory_space<vmem>>, vector<16xf32>,
        %get3A_372 = arith.index_cast %add3A_353 : i32 to index
        %get3A_373 = arith.constant 32 : index
        %get3A_374 = tpu.vector_load %arg10[%get3A_372, %get3A_373] {strides = array<i32>} : memref<80x128xf32, #tpu.memory_space<vmem>>, vector<16xf32>,
        %mul3A_375 = vector.broadcast %squeeze3A_355 : f32 to vector<16xf32>
        %mul3A_376 = arith.mulf %get3A_374, %mul3A_375 : vector<16xf32>
        %swap3A_377 = arith.index_cast %add3A_353 : i32 to index
        %swap3A_378 = arith.constant 32 : index
        %swap3A_379 = tpu.vector_load %arg10[%swap3A_377, %swap3A_378] {strides = array<i32>} : memref<80x128xf32, #tpu.memory_space<vmem>>, vector<16xf32>,
        tpu.vector_store %arg10[%swap3A_377, %swap3A_378], %mul3A_376 {strides = array<i32>} : memref<80x128xf32, #tpu.memory_space<vmem>>, vector<16xf32>,
        %get3A_380 = arith.index_cast %add3A_353 : i32 to index
        %get3A_381 = arith.constant 48 : index
        %get3A_382 = tpu.vector_load %arg10[%get3A_380, %get3A_381] {strides = array<i32>} : memref<80x128xf32, #tpu.memory_space<vmem>>, vector<16xf32>,
        %mul3A_383 = vector.broadcast %squeeze3A_355 : f32 to vector<16xf32>
        %mul3A_384 = arith.mulf %get3A_382, %mul3A_383 : vector<16xf32>
        %swap3A_385 = arith.index_cast %add3A_353 : i32 to index
        %swap3A_386 = arith.constant 48 : index
        %swap3A_387 = tpu.vector_load %arg10[%swap3A_385, %swap3A_386] {strides = array<i32>} : memref<80x128xf32, #tpu.memory_space<vmem>>, vector<16xf32>,
        tpu.vector_store %arg10[%swap3A_385, %swap3A_386], %mul3A_384 {strides = array<i32>} : memref<80x128xf32, #tpu.memory_space<vmem>>, vector<16xf32>,
        %get3A_388 = arith.index_cast %add3A_353 : i32 to index
        %get3A_389 = arith.constant 64 : index
        %get3A_390 = tpu.vector_load %arg10[%get3A_388, %get3A_389] {strides = array<i32>} : memref<80x128xf32, #tpu.memory_space<vmem>>, vector<16xf32>,
        %mul3A_391 = vector.broadcast %squeeze3A_355 : f32 to vector<16xf32>
        %mul3A_392 = arith.mulf %get3A_390, %mul3A_391 : vector<16xf32>
        %swap3A_393 = arith.index_cast %add3A_353 : i32 to index
        %swap3A_394 = arith.constant 64 : index
        %swap3A_395 = tpu.vector_load %arg10[%swap3A_393, %swap3A_394] {strides = array<i32>} : memref<80x128xf32, #tpu.memory_space<vmem>>, vector<16xf32>,
        tpu.vector_store %arg10[%swap3A_393, %swap3A_394], %mul3A_392 {strides = array<i32>} : memref<80x128xf32, #tpu.memory_space<vmem>>, vector<16xf32>,
        %get3A_396 = arith.index_cast %add3A_353 : i32 to index
        %get3A_397 = arith.constant 80 : index
        %get3A_398 = tpu.vector_load %arg10[%get3A_396, %get3A_397] {strides = array<i32>} : memref<80x128xf32, #tpu.memory_space<vmem>>, vector<16xf32>,
        %mul3A_399 = vector.broadcast %squeeze3A_355 : f32 to vector<16xf32>
        %mul3A_400 = arith.mulf %get3A_398, %mul3A_399 : vector<16xf32>
        %swap3A_401 = arith.index_cast %add3A_353 : i32 to index
        %swap3A_402 = arith.constant 80 : index
        %swap3A_403 = tpu.vector_load %arg10[%swap3A_401, %swap3A_402] {strides = array<i32>} : memref<80x128xf32, #tpu.memory_space<vmem>>, vector<16xf32>,
        tpu.vector_store %arg10[%swap3A_401, %swap3A_402], %mul3A_400 {strides = array<i32>} : memref<80x128xf32, #tpu.memory_space<vmem>>, vector<16xf32>,
        %get3A_404 = arith.index_cast %add3A_353 : i32 to index
        %get3A_405 = arith.constant 96 : index
        %get3A_406 = tpu.vector_load %arg10[%get3A_404, %get3A_405] {strides = array<i32>} : memref<80x128xf32, #tpu.memory_space<vmem>>, vector<16xf32>,
        %mul3A_407 = vector.broadcast %squeeze3A_355 : f32 to vector<16xf32>
        %mul3A_408 = arith.mulf %get3A_406, %mul3A_407 : vector<16xf32>
        %swap3A_409 = arith.index_cast %add3A_353 : i32 to index
        %swap3A_410 = arith.constant 96 : index
        %swap3A_411 = tpu.vector_load %arg10[%swap3A_409, %swap3A_410] {strides = array<i32>} : memref<80x128xf32, #tpu.memory_space<vmem>>, vector<16xf32>,
        tpu.vector_store %arg10[%swap3A_409, %swap3A_410], %mul3A_408 {strides = array<i32>} : memref<80x128xf32, #tpu.memory_space<vmem>>, vector<16xf32>,
        %get3A_412 = arith.index_cast %add3A_353 : i32 to index
        %get3A_413 = arith.constant 112 : index
        %get3A_414 = tpu.vector_load %arg10[%get3A_412, %get3A_413] {strides = array<i32>} : memref<80x128xf32, #tpu.memory_space<vmem>>, vector<16xf32>,
        %mul3A_415 = vector.broadcast %squeeze3A_355 : f32 to vector<16xf32>
        %mul3A_416 = arith.mulf %get3A_414, %mul3A_415 : vector<16xf32>
        %swap3A_417 = arith.index_cast %add3A_353 : i32 to index
        %swap3A_418 = arith.constant 112 : index
        %swap3A_419 = tpu.vector_load %arg10[%swap3A_417, %swap3A_418] {strides = array<i32>} : memref<80x128xf32, #tpu.memory_space<vmem>>, vector<16xf32>,
        tpu.vector_store %arg10[%swap3A_417, %swap3A_418], %mul3A_416 {strides = array<i32>} : memref<80x128xf32, #tpu.memory_space<vmem>>, vector<16xf32>,
        %mul3A_420 = arith.constant 16 : i32
        %mul3A_421 = arith.muli %scan3A_68, %mul3A_420 : i32
        %add3A_422 = arith.constant 5 : i32
        %add3A_423 = arith.addi %mul3A_421, %add3A_422 : i32
        %slice3A_424 = vector.extract_strided_slice %get3A_72 {offsets = [5], sizes = [1], strides = [1]} : vector<16xf32> to vector<1xf32>
        %squeeze3A_425 = vector.extract %slice3A_424[0] : f32 from vector<1xf32>
        %get3A_426 = arith.index_cast %add3A_423 : i32 to index
        %get3A_427 = arith.constant 0 : index
        %get3A_428 = tpu.vector_load %arg10[%get3A_426, %get3A_427] {strides = array<i32>} : memref<80x128xf32, #tpu.memory_space<vmem>>, vector<16xf32>,
        %mul3A_429 = vector.broadcast %squeeze3A_425 : f32 to vector<16xf32>
        %mul3A_430 = arith.mulf %get3A_428, %mul3A_429 : vector<16xf32>
        %swap3A_431 = arith.index_cast %add3A_423 : i32 to index
        %swap3A_432 = arith.constant 0 : index
        %swap3A_433 = tpu.vector_load %arg10[%swap3A_431, %swap3A_432] {strides = array<i32>} : memref<80x128xf32, #tpu.memory_space<vmem>>, vector<16xf32>,
        tpu.vector_store %arg10[%swap3A_431, %swap3A_432], %mul3A_430 {strides = array<i32>} : memref<80x128xf32, #tpu.memory_space<vmem>>, vector<16xf32>,
        %get3A_434 = arith.index_cast %add3A_423 : i32 to index
        %get3A_435 = arith.constant 16 : index
        %get3A_436 = tpu.vector_load %arg10[%get3A_434, %get3A_435] {strides = array<i32>} : memref<80x128xf32, #tpu.memory_space<vmem>>, vector<16xf32>,
        %mul3A_437 = vector.broadcast %squeeze3A_425 : f32 to vector<16xf32>
        %mul3A_438 = arith.mulf %get3A_436, %mul3A_437 : vector<16xf32>
        %swap3A_439 = arith.index_cast %add3A_423 : i32 to index
        %swap3A_440 = arith.constant 16 : index
        %swap3A_441 = tpu.vector_load %arg10[%swap3A_439, %swap3A_440] {strides = array<i32>} : memref<80x128xf32, #tpu.memory_space<vmem>>, vector<16xf32>,
        tpu.vector_store %arg10[%swap3A_439, %swap3A_440], %mul3A_438 {strides = array<i32>} : memref<80x128xf32, #tpu.memory_space<vmem>>, vector<16xf32>,
        %get3A_442 = arith.index_cast %add3A_423 : i32 to index
        %get3A_443 = arith.constant 32 : index
        %get3A_444 = tpu.vector_load %arg10[%get3A_442, %get3A_443] {strides = array<i32>} : memref<80x128xf32, #tpu.memory_space<vmem>>, vector<16xf32>,
        %mul3A_445 = vector.broadcast %squeeze3A_425 : f32 to vector<16xf32>
        %mul3A_446 = arith.mulf %get3A_444, %mul3A_445 : vector<16xf32>
        %swap3A_447 = arith.index_cast %add3A_423 : i32 to index
        %swap3A_448 = arith.constant 32 : index
        %swap3A_449 = tpu.vector_load %arg10[%swap3A_447, %swap3A_448] {strides = array<i32>} : memref<80x128xf32, #tpu.memory_space<vmem>>, vector<16xf32>,
        tpu.vector_store %arg10[%swap3A_447, %swap3A_448], %mul3A_446 {strides = array<i32>} : memref<80x128xf32, #tpu.memory_space<vmem>>, vector<16xf32>,
        %get3A_450 = arith.index_cast %add3A_423 : i32 to index
        %get3A_451 = arith.constant 48 : index
        %get3A_452 = tpu.vector_load %arg10[%get3A_450, %get3A_451] {strides = array<i32>} : memref<80x128xf32, #tpu.memory_space<vmem>>, vector<16xf32>,
        %mul3A_453 = vector.broadcast %squeeze3A_425 : f32 to vector<16xf32>
        %mul3A_454 = arith.mulf %get3A_452, %mul3A_453 : vector<16xf32>
        %swap3A_455 = arith.index_cast %add3A_423 : i32 to index
        %swap3A_456 = arith.constant 48 : index
        %swap3A_457 = tpu.vector_load %arg10[%swap3A_455, %swap3A_456] {strides = array<i32>} : memref<80x128xf32, #tpu.memory_space<vmem>>, vector<16xf32>,
        tpu.vector_store %arg10[%swap3A_455, %swap3A_456], %mul3A_454 {strides = array<i32>} : memref<80x128xf32, #tpu.memory_space<vmem>>, vector<16xf32>,
        %get3A_458 = arith.index_cast %add3A_423 : i32 to index
        %get3A_459 = arith.constant 64 : index
        %get3A_460 = tpu.vector_load %arg10[%get3A_458, %get3A_459] {strides = array<i32>} : memref<80x128xf32, #tpu.memory_space<vmem>>, vector<16xf32>,
        %mul3A_461 = vector.broadcast %squeeze3A_425 : f32 to vector<16xf32>
        %mul3A_462 = arith.mulf %get3A_460, %mul3A_461 : vector<16xf32>
        %swap3A_463 = arith.index_cast %add3A_423 : i32 to index
        %swap3A_464 = arith.constant 64 : index
        %swap3A_465 = tpu.vector_load %arg10[%swap3A_463, %swap3A_464] {strides = array<i32>} : memref<80x128xf32, #tpu.memory_space<vmem>>, vector<16xf32>,
        tpu.vector_store %arg10[%swap3A_463, %swap3A_464], %mul3A_462 {strides = array<i32>} : memref<80x128xf32, #tpu.memory_space<vmem>>, vector<16xf32>,
        %get3A_466 = arith.index_cast %add3A_423 : i32 to index
        %get3A_467 = arith.constant 80 : index
        %get3A_468 = tpu.vector_load %arg10[%get3A_466, %get3A_467] {strides = array<i32>} : memref<80x128xf32, #tpu.memory_space<vmem>>, vector<16xf32>,
        %mul3A_469 = vector.broadcast %squeeze3A_425 : f32 to vector<16xf32>
        %mul3A_470 = arith.mulf %get3A_468, %mul3A_469 : vector<16xf32>
        %swap3A_471 = arith.index_cast %add3A_423 : i32 to index
        %swap3A_472 = arith.constant 80 : index
        %swap3A_473 = tpu.vector_load %arg10[%swap3A_471, %swap3A_472] {strides = array<i32>} : memref<80x128xf32, #tpu.memory_space<vmem>>, vector<16xf32>,
        tpu.vector_store %arg10[%swap3A_471, %swap3A_472], %mul3A_470 {strides = array<i32>} : memref<80x128xf32, #tpu.memory_space<vmem>>, vector<16xf32>,
        %get3A_474 = arith.index_cast %add3A_423 : i32 to index
        %get3A_475 = arith.constant 96 : index
        %get3A_476 = tpu.vector_load %arg10[%get3A_474, %get3A_475] {strides = array<i32>} : memref<80x128xf32, #tpu.memory_space<vmem>>, vector<16xf32>,
        %mul3A_477 = vector.broadcast %squeeze3A_425 : f32 to vector<16xf32>
        %mul3A_478 = arith.mulf %get3A_476, %mul3A_477 : vector<16xf32>
        %swap3A_479 = arith.index_cast %add3A_423 : i32 to index
        %swap3A_480 = arith.constant 96 : index
        %swap3A_481 = tpu.vector_load %arg10[%swap3A_479, %swap3A_480] {strides = array<i32>} : memref<80x128xf32, #tpu.memory_space<vmem>>, vector<16xf32>,
        tpu.vector_store %arg10[%swap3A_479, %swap3A_480], %mul3A_478 {strides = array<i32>} : memref<80x128xf32, #tpu.memory_space<vmem>>, vector<16xf32>,
        %get3A_482 = arith.index_cast %add3A_423 : i32 to index
        %get3A_483 = arith.constant 112 : index
        %get3A_484 = tpu.vector_load %arg10[%get3A_482, %get3A_483] {strides = array<i32>} : memref<80x128xf32, #tpu.memory_space<vmem>>, vector<16xf32>,
        %mul3A_485 = vector.broadcast %squeeze3A_425 : f32 to vector<16xf32>
        %mul3A_486 = arith.mulf %get3A_484, %mul3A_485 : vector<16xf32>
        %swap3A_487 = arith.index_cast %add3A_423 : i32 to index
        %swap3A_488 = arith.constant 112 : index
        %swap3A_489 = tpu.vector_load %arg10[%swap3A_487, %swap3A_488] {strides = array<i32>} : memref<80x128xf32, #tpu.memory_space<vmem>>, vector<16xf32>,
        tpu.vector_store %arg10[%swap3A_487, %swap3A_488], %mul3A_486 {strides = array<i32>} : memref<80x128xf32, #tpu.memory_space<vmem>>, vector<16xf32>,
        %mul3A_490 = arith.constant 16 : i32
        %mul3A_491 = arith.muli %scan3A_68, %mul3A_490 : i32
        %add3A_492 = arith.constant 6 : i32
        %add3A_493 = arith.addi %mul3A_491, %add3A_492 : i32
        %slice3A_494 = vector.extract_strided_slice %get3A_72 {offsets = [6], sizes = [1], strides = [1]} : vector<16xf32> to vector<1xf32>
        %squeeze3A_495 = vector.extract %slice3A_494[0] : f32 from vector<1xf32>
        %get3A_496 = arith.index_cast %add3A_493 : i32 to index
        %get3A_497 = arith.constant 0 : index
        %get3A_498 = tpu.vector_load %arg10[%get3A_496, %get3A_497] {strides = array<i32>} : memref<80x128xf32, #tpu.memory_space<vmem>>, vector<16xf32>,
        %mul3A_499 = vector.broadcast %squeeze3A_495 : f32 to vector<16xf32>
        %mul3A_500 = arith.mulf %get3A_498, %mul3A_499 : vector<16xf32>
        %swap3A_501 = arith.index_cast %add3A_493 : i32 to index
        %swap3A_502 = arith.constant 0 : index
        %swap3A_503 = tpu.vector_load %arg10[%swap3A_501, %swap3A_502] {strides = array<i32>} : memref<80x128xf32, #tpu.memory_space<vmem>>, vector<16xf32>,
        tpu.vector_store %arg10[%swap3A_501, %swap3A_502], %mul3A_500 {strides = array<i32>} : memref<80x128xf32, #tpu.memory_space<vmem>>, vector<16xf32>,
        %get3A_504 = arith.index_cast %add3A_493 : i32 to index
        %get3A_505 = arith.constant 16 : index
        %get3A_506 = tpu.vector_load %arg10[%get3A_504, %get3A_505] {strides = array<i32>} : memref<80x128xf32, #tpu.memory_space<vmem>>, vector<16xf32>,
        %mul3A_507 = vector.broadcast %squeeze3A_495 : f32 to vector<16xf32>
        %mul3A_508 = arith.mulf %get3A_506, %mul3A_507 : vector<16xf32>
        %swap3A_509 = arith.index_cast %add3A_493 : i32 to index
        %swap3A_510 = arith.constant 16 : index
        %swap3A_511 = tpu.vector_load %arg10[%swap3A_509, %swap3A_510] {strides = array<i32>} : memref<80x128xf32, #tpu.memory_space<vmem>>, vector<16xf32>,
        tpu.vector_store %arg10[%swap3A_509, %swap3A_510], %mul3A_508 {strides = array<i32>} : memref<80x128xf32, #tpu.memory_space<vmem>>, vector<16xf32>,
        %get3A_512 = arith.index_cast %add3A_493 : i32 to index
        %get3A_513 = arith.constant 32 : index
        %get3A_514 = tpu.vector_load %arg10[%get3A_512, %get3A_513] {strides = array<i32>} : memref<80x128xf32, #tpu.memory_space<vmem>>, vector<16xf32>,
        %mul3A_515 = vector.broadcast %squeeze3A_495 : f32 to vector<16xf32>
        %mul3A_516 = arith.mulf %get3A_514, %mul3A_515 : vector<16xf32>
        %swap3A_517 = arith.index_cast %add3A_493 : i32 to index
        %swap3A_518 = arith.constant 32 : index
        %swap3A_519 = tpu.vector_load %arg10[%swap3A_517, %swap3A_518] {strides = array<i32>} : memref<80x128xf32, #tpu.memory_space<vmem>>, vector<16xf32>,
        tpu.vector_store %arg10[%swap3A_517, %swap3A_518], %mul3A_516 {strides = array<i32>} : memref<80x128xf32, #tpu.memory_space<vmem>>, vector<16xf32>,
        %get3A_520 = arith.index_cast %add3A_493 : i32 to index
        %get3A_521 = arith.constant 48 : index
        %get3A_522 = tpu.vector_load %arg10[%get3A_520, %get3A_521] {strides = array<i32>} : memref<80x128xf32, #tpu.memory_space<vmem>>, vector<16xf32>,
        %mul3A_523 = vector.broadcast %squeeze3A_495 : f32 to vector<16xf32>
        %mul3A_524 = arith.mulf %get3A_522, %mul3A_523 : vector<16xf32>
        %swap3A_525 = arith.index_cast %add3A_493 : i32 to index
        %swap3A_526 = arith.constant 48 : index
        %swap3A_527 = tpu.vector_load %arg10[%swap3A_525, %swap3A_526] {strides = array<i32>} : memref<80x128xf32, #tpu.memory_space<vmem>>, vector<16xf32>,
        tpu.vector_store %arg10[%swap3A_525, %swap3A_526], %mul3A_524 {strides = array<i32>} : memref<80x128xf32, #tpu.memory_space<vmem>>, vector<16xf32>,
        %get3A_528 = arith.index_cast %add3A_493 : i32 to index
        %get3A_529 = arith.constant 64 : index
        %get3A_530 = tpu.vector_load %arg10[%get3A_528, %get3A_529] {strides = array<i32>} : memref<80x128xf32, #tpu.memory_space<vmem>>, vector<16xf32>,
        %mul3A_531 = vector.broadcast %squeeze3A_495 : f32 to vector<16xf32>
        %mul3A_532 = arith.mulf %get3A_530, %mul3A_531 : vector<16xf32>
        %swap3A_533 = arith.index_cast %add3A_493 : i32 to index
        %swap3A_534 = arith.constant 64 : index
        %swap3A_535 = tpu.vector_load %arg10[%swap3A_533, %swap3A_534] {strides = array<i32>} : memref<80x128xf32, #tpu.memory_space<vmem>>, vector<16xf32>,
        tpu.vector_store %arg10[%swap3A_533, %swap3A_534], %mul3A_532 {strides = array<i32>} : memref<80x128xf32, #tpu.memory_space<vmem>>, vector<16xf32>,
        %get3A_536 = arith.index_cast %add3A_493 : i32 to index
        %get3A_537 = arith.constant 80 : index
        %get3A_538 = tpu.vector_load %arg10[%get3A_536, %get3A_537] {strides = array<i32>} : memref<80x128xf32, #tpu.memory_space<vmem>>, vector<16xf32>,
        %mul3A_539 = vector.broadcast %squeeze3A_495 : f32 to vector<16xf32>
        %mul3A_540 = arith.mulf %get3A_538, %mul3A_539 : vector<16xf32>
        %swap3A_541 = arith.index_cast %add3A_493 : i32 to index
        %swap3A_542 = arith.constant 80 : index
        %swap3A_543 = tpu.vector_load %arg10[%swap3A_541, %swap3A_542] {strides = array<i32>} : memref<80x128xf32, #tpu.memory_space<vmem>>, vector<16xf32>,
        tpu.vector_store %arg10[%swap3A_541, %swap3A_542], %mul3A_540 {strides = array<i32>} : memref<80x128xf32, #tpu.memory_space<vmem>>, vector<16xf32>,
        %get3A_544 = arith.index_cast %add3A_493 : i32 to index
        %get3A_545 = arith.constant 96 : index
        %get3A_546 = tpu.vector_load %arg10[%get3A_544, %get3A_545] {strides = array<i32>} : memref<80x128xf32, #tpu.memory_space<vmem>>, vector<16xf32>,
        %mul3A_547 = vector.broadcast %squeeze3A_495 : f32 to vector<16xf32>
        %mul3A_548 = arith.mulf %get3A_546, %mul3A_547 : vector<16xf32>
        %swap3A_549 = arith.index_cast %add3A_493 : i32 to index
        %swap3A_550 = arith.constant 96 : index
        %swap3A_551 = tpu.vector_load %arg10[%swap3A_549, %swap3A_550] {strides = array<i32>} : memref<80x128xf32, #tpu.memory_space<vmem>>, vector<16xf32>,
        tpu.vector_store %arg10[%swap3A_549, %swap3A_550], %mul3A_548 {strides = array<i32>} : memref<80x128xf32, #tpu.memory_space<vmem>>, vector<16xf32>,
        %get3A_552 = arith.index_cast %add3A_493 : i32 to index
        %get3A_553 = arith.constant 112 : index
        %get3A_554 = tpu.vector_load %arg10[%get3A_552, %get3A_553] {strides = array<i32>} : memref<80x128xf32, #tpu.memory_space<vmem>>, vector<16xf32>,
        %mul3A_555 = vector.broadcast %squeeze3A_495 : f32 to vector<16xf32>
        %mul3A_556 = arith.mulf %get3A_554, %mul3A_555 : vector<16xf32>
        %swap3A_557 = arith.index_cast %add3A_493 : i32 to index
        %swap3A_558 = arith.constant 112 : index
        %swap3A_559 = tpu.vector_load %arg10[%swap3A_557, %swap3A_558] {strides = array<i32>} : memref<80x128xf32, #tpu.memory_space<vmem>>, vector<16xf32>,
        tpu.vector_store %arg10[%swap3A_557, %swap3A_558], %mul3A_556 {strides = array<i32>} : memref<80x128xf32, #tpu.memory_space<vmem>>, vector<16xf32>,
        %mul3A_560 = arith.constant 16 : i32
        %mul3A_561 = arith.muli %scan3A_68, %mul3A_560 : i32
        %add3A_562 = arith.constant 7 : i32
        %add3A_563 = arith.addi %mul3A_561, %add3A_562 : i32
        %slice3A_564 = vector.extract_strided_slice %get3A_72 {offsets = [7], sizes = [1], strides = [1]} : vector<16xf32> to vector<1xf32>
        %squeeze3A_565 = vector.extract %slice3A_564[0] : f32 from vector<1xf32>
        %get3A_566 = arith.index_cast %add3A_563 : i32 to index
        %get3A_567 = arith.constant 0 : index
        %get3A_568 = tpu.vector_load %arg10[%get3A_566, %get3A_567] {strides = array<i32>} : memref<80x128xf32, #tpu.memory_space<vmem>>, vector<16xf32>,
        %mul3A_569 = vector.broadcast %squeeze3A_565 : f32 to vector<16xf32>
        %mul3A_570 = arith.mulf %get3A_568, %mul3A_569 : vector<16xf32>
        %swap3A_571 = arith.index_cast %add3A_563 : i32 to index
        %swap3A_572 = arith.constant 0 : index
        %swap3A_573 = tpu.vector_load %arg10[%swap3A_571, %swap3A_572] {strides = array<i32>} : memref<80x128xf32, #tpu.memory_space<vmem>>, vector<16xf32>,
        tpu.vector_store %arg10[%swap3A_571, %swap3A_572], %mul3A_570 {strides = array<i32>} : memref<80x128xf32, #tpu.memory_space<vmem>>, vector<16xf32>,
        %get3A_574 = arith.index_cast %add3A_563 : i32 to index
        %get3A_575 = arith.constant 16 : index
        %get3A_576 = tpu.vector_load %arg10[%get3A_574, %get3A_575] {strides = array<i32>} : memref<80x128xf32, #tpu.memory_space<vmem>>, vector<16xf32>,
        %mul3A_577 = vector.broadcast %squeeze3A_565 : f32 to vector<16xf32>
        %mul3A_578 = arith.mulf %get3A_576, %mul3A_577 : vector<16xf32>
        %swap3A_579 = arith.index_cast %add3A_563 : i32 to index
        %swap3A_580 = arith.constant 16 : index
        %swap3A_581 = tpu.vector_load %arg10[%swap3A_579, %swap3A_580] {strides = array<i32>} : memref<80x128xf32, #tpu.memory_space<vmem>>, vector<16xf32>,
        tpu.vector_store %arg10[%swap3A_579, %swap3A_580], %mul3A_578 {strides = array<i32>} : memref<80x128xf32, #tpu.memory_space<vmem>>, vector<16xf32>,
        %get3A_582 = arith.index_cast %add3A_563 : i32 to index
        %get3A_583 = arith.constant 32 : index
        %get3A_584 = tpu.vector_load %arg10[%get3A_582, %get3A_583] {strides = array<i32>} : memref<80x128xf32, #tpu.memory_space<vmem>>, vector<16xf32>,
        %mul3A_585 = vector.broadcast %squeeze3A_565 : f32 to vector<16xf32>
        %mul3A_586 = arith.mulf %get3A_584, %mul3A_585 : vector<16xf32>
        %swap3A_587 = arith.index_cast %add3A_563 : i32 to index
        %swap3A_588 = arith.constant 32 : index
        %swap3A_589 = tpu.vector_load %arg10[%swap3A_587, %swap3A_588] {strides = array<i32>} : memref<80x128xf32, #tpu.memory_space<vmem>>, vector<16xf32>,
        tpu.vector_store %arg10[%swap3A_587, %swap3A_588], %mul3A_586 {strides = array<i32>} : memref<80x128xf32, #tpu.memory_space<vmem>>, vector<16xf32>,
        %get3A_590 = arith.index_cast %add3A_563 : i32 to index
        %get3A_591 = arith.constant 48 : index
        %get3A_592 = tpu.vector_load %arg10[%get3A_590, %get3A_591] {strides = array<i32>} : memref<80x128xf32, #tpu.memory_space<vmem>>, vector<16xf32>,
        %mul3A_593 = vector.broadcast %squeeze3A_565 : f32 to vector<16xf32>
        %mul3A_594 = arith.mulf %get3A_592, %mul3A_593 : vector<16xf32>
        %swap3A_595 = arith.index_cast %add3A_563 : i32 to index
        %swap3A_596 = arith.constant 48 : index
        %swap3A_597 = tpu.vector_load %arg10[%swap3A_595, %swap3A_596] {strides = array<i32>} : memref<80x128xf32, #tpu.memory_space<vmem>>, vector<16xf32>,
        tpu.vector_store %arg10[%swap3A_595, %swap3A_596], %mul3A_594 {strides = array<i32>} : memref<80x128xf32, #tpu.memory_space<vmem>>, vector<16xf32>,
        %get3A_598 = arith.index_cast %add3A_563 : i32 to index
        %get3A_599 = arith.constant 64 : index
        %get3A_600 = tpu.vector_load %arg10[%get3A_598, %get3A_599] {strides = array<i32>} : memref<80x128xf32, #tpu.memory_space<vmem>>, vector<16xf32>,
        %mul3A_601 = vector.broadcast %squeeze3A_565 : f32 to vector<16xf32>
        %mul3A_602 = arith.mulf %get3A_600, %mul3A_601 : vector<16xf32>
        %swap3A_603 = arith.index_cast %add3A_563 : i32 to index
        %swap3A_604 = arith.constant 64 : index
        %swap3A_605 = tpu.vector_load %arg10[%swap3A_603, %swap3A_604] {strides = array<i32>} : memref<80x128xf32, #tpu.memory_space<vmem>>, vector<16xf32>,
        tpu.vector_store %arg10[%swap3A_603, %swap3A_604], %mul3A_602 {strides = array<i32>} : memref<80x128xf32, #tpu.memory_space<vmem>>, vector<16xf32>,
        %get3A_606 = arith.index_cast %add3A_563 : i32 to index
        %get3A_607 = arith.constant 80 : index
        %get3A_608 = tpu.vector_load %arg10[%get3A_606, %get3A_607] {strides = array<i32>} : memref<80x128xf32, #tpu.memory_space<vmem>>, vector<16xf32>,
        %mul3A_609 = vector.broadcast %squeeze3A_565 : f32 to vector<16xf32>
        %mul3A_610 = arith.mulf %get3A_608, %mul3A_609 : vector<16xf32>
        %swap3A_611 = arith.index_cast %add3A_563 : i32 to index
        %swap3A_612 = arith.constant 80 : index
        %swap3A_613 = tpu.vector_load %arg10[%swap3A_611, %swap3A_612] {strides = array<i32>} : memref<80x128xf32, #tpu.memory_space<vmem>>, vector<16xf32>,
        tpu.vector_store %arg10[%swap3A_611, %swap3A_612], %mul3A_610 {strides = array<i32>} : memref<80x128xf32, #tpu.memory_space<vmem>>, vector<16xf32>,
        %get3A_614 = arith.index_cast %add3A_563 : i32 to index
        %get3A_615 = arith.constant 96 : index
        %get3A_616 = tpu.vector_load %arg10[%get3A_614, %get3A_615] {strides = array<i32>} : memref<80x128xf32, #tpu.memory_space<vmem>>, vector<16xf32>,
        %mul3A_617 = vector.broadcast %squeeze3A_565 : f32 to vector<16xf32>
        %mul3A_618 = arith.mulf %get3A_616, %mul3A_617 : vector<16xf32>
        %swap3A_619 = arith.index_cast %add3A_563 : i32 to index
        %swap3A_620 = arith.constant 96 : index
        %swap3A_621 = tpu.vector_load %arg10[%swap3A_619, %swap3A_620] {strides = array<i32>} : memref<80x128xf32, #tpu.memory_space<vmem>>, vector<16xf32>,
        tpu.vector_store %arg10[%swap3A_619, %swap3A_620], %mul3A_618 {strides = array<i32>} : memref<80x128xf32, #tpu.memory_space<vmem>>, vector<16xf32>,
        %get3A_622 = arith.index_cast %add3A_563 : i32 to index
        %get3A_623 = arith.constant 112 : index
        %get3A_624 = tpu.vector_load %arg10[%get3A_622, %get3A_623] {strides = array<i32>} : memref<80x128xf32, #tpu.memory_space<vmem>>, vector<16xf32>,
        %mul3A_625 = vector.broadcast %squeeze3A_565 : f32 to vector<16xf32>
        %mul3A_626 = arith.mulf %get3A_624, %mul3A_625 : vector<16xf32>
        %swap3A_627 = arith.index_cast %add3A_563 : i32 to index
        %swap3A_628 = arith.constant 112 : index
        %swap3A_629 = tpu.vector_load %arg10[%swap3A_627, %swap3A_628] {strides = array<i32>} : memref<80x128xf32, #tpu.memory_space<vmem>>, vector<16xf32>,
        tpu.vector_store %arg10[%swap3A_627, %swap3A_628], %mul3A_626 {strides = array<i32>} : memref<80x128xf32, #tpu.memory_space<vmem>>, vector<16xf32>,
        %mul3A_630 = arith.constant 16 : i32
        %mul3A_631 = arith.muli %scan3A_68, %mul3A_630 : i32
        %add3A_632 = arith.constant 8 : i32
        %add3A_633 = arith.addi %mul3A_631, %add3A_632 : i32
        %slice3A_634 = vector.extract_strided_slice %get3A_72 {offsets = [8], sizes = [1], strides = [1]} : vector<16xf32> to vector<1xf32>
        %squeeze3A_635 = vector.extract %slice3A_634[0] : f32 from vector<1xf32>
        %get3A_636 = arith.index_cast %add3A_633 : i32 to index
        %get3A_637 = arith.constant 0 : index
        %get3A_638 = tpu.vector_load %arg10[%get3A_636, %get3A_637] {strides = array<i32>} : memref<80x128xf32, #tpu.memory_space<vmem>>, vector<16xf32>,
        %mul3A_639 = vector.broadcast %squeeze3A_635 : f32 to vector<16xf32>
        %mul3A_640 = arith.mulf %get3A_638, %mul3A_639 : vector<16xf32>
        %swap3A_641 = arith.index_cast %add3A_633 : i32 to index
        %swap3A_642 = arith.constant 0 : index
        %swap3A_643 = tpu.vector_load %arg10[%swap3A_641, %swap3A_642] {strides = array<i32>} : memref<80x128xf32, #tpu.memory_space<vmem>>, vector<16xf32>,
        tpu.vector_store %arg10[%swap3A_641, %swap3A_642], %mul3A_640 {strides = array<i32>} : memref<80x128xf32, #tpu.memory_space<vmem>>, vector<16xf32>,
        %get3A_644 = arith.index_cast %add3A_633 : i32 to index
        %get3A_645 = arith.constant 16 : index
        %get3A_646 = tpu.vector_load %arg10[%get3A_644, %get3A_645] {strides = array<i32>} : memref<80x128xf32, #tpu.memory_space<vmem>>, vector<16xf32>,
        %mul3A_647 = vector.broadcast %squeeze3A_635 : f32 to vector<16xf32>
        %mul3A_648 = arith.mulf %get3A_646, %mul3A_647 : vector<16xf32>
        %swap3A_649 = arith.index_cast %add3A_633 : i32 to index
        %swap3A_650 = arith.constant 16 : index
        %swap3A_651 = tpu.vector_load %arg10[%swap3A_649, %swap3A_650] {strides = array<i32>} : memref<80x128xf32, #tpu.memory_space<vmem>>, vector<16xf32>,
        tpu.vector_store %arg10[%swap3A_649, %swap3A_650], %mul3A_648 {strides = array<i32>} : memref<80x128xf32, #tpu.memory_space<vmem>>, vector<16xf32>,
        %get3A_652 = arith.index_cast %add3A_633 : i32 to index
        %get3A_653 = arith.constant 32 : index
        %get3A_654 = tpu.vector_load %arg10[%get3A_652, %get3A_653] {strides = array<i32>} : memref<80x128xf32, #tpu.memory_space<vmem>>, vector<16xf32>,
        %mul3A_655 = vector.broadcast %squeeze3A_635 : f32 to vector<16xf32>
        %mul3A_656 = arith.mulf %get3A_654, %mul3A_655 : vector<16xf32>
        %swap3A_657 = arith.index_cast %add3A_633 : i32 to index
        %swap3A_658 = arith.constant 32 : index
        %swap3A_659 = tpu.vector_load %arg10[%swap3A_657, %swap3A_658] {strides = array<i32>} : memref<80x128xf32, #tpu.memory_space<vmem>>, vector<16xf32>,
        tpu.vector_store %arg10[%swap3A_657, %swap3A_658], %mul3A_656 {strides = array<i32>} : memref<80x128xf32, #tpu.memory_space<vmem>>, vector<16xf32>,
        %get3A_660 = arith.index_cast %add3A_633 : i32 to index
        %get3A_661 = arith.constant 48 : index
        %get3A_662 = tpu.vector_load %arg10[%get3A_660, %get3A_661] {strides = array<i32>} : memref<80x128xf32, #tpu.memory_space<vmem>>, vector<16xf32>,
        %mul3A_663 = vector.broadcast %squeeze3A_635 : f32 to vector<16xf32>
        %mul3A_664 = arith.mulf %get3A_662, %mul3A_663 : vector<16xf32>
        %swap3A_665 = arith.index_cast %add3A_633 : i32 to index
        %swap3A_666 = arith.constant 48 : index
        %swap3A_667 = tpu.vector_load %arg10[%swap3A_665, %swap3A_666] {strides = array<i32>} : memref<80x128xf32, #tpu.memory_space<vmem>>, vector<16xf32>,
        tpu.vector_store %arg10[%swap3A_665, %swap3A_666], %mul3A_664 {strides = array<i32>} : memref<80x128xf32, #tpu.memory_space<vmem>>, vector<16xf32>,
        %get3A_668 = arith.index_cast %add3A_633 : i32 to index
        %get3A_669 = arith.constant 64 : index
        %get3A_670 = tpu.vector_load %arg10[%get3A_668, %get3A_669] {strides = array<i32>} : memref<80x128xf32, #tpu.memory_space<vmem>>, vector<16xf32>,
        %mul3A_671 = vector.broadcast %squeeze3A_635 : f32 to vector<16xf32>
        %mul3A_672 = arith.mulf %get3A_670, %mul3A_671 : vector<16xf32>
        %swap3A_673 = arith.index_cast %add3A_633 : i32 to index
        %swap3A_674 = arith.constant 64 : index
        %swap3A_675 = tpu.vector_load %arg10[%swap3A_673, %swap3A_674] {strides = array<i32>} : memref<80x128xf32, #tpu.memory_space<vmem>>, vector<16xf32>,
        tpu.vector_store %arg10[%swap3A_673, %swap3A_674], %mul3A_672 {strides = array<i32>} : memref<80x128xf32, #tpu.memory_space<vmem>>, vector<16xf32>,
        %get3A_676 = arith.index_cast %add3A_633 : i32 to index
        %get3A_677 = arith.constant 80 : index
        %get3A_678 = tpu.vector_load %arg10[%get3A_676, %get3A_677] {strides = array<i32>} : memref<80x128xf32, #tpu.memory_space<vmem>>, vector<16xf32>,
        %mul3A_679 = vector.broadcast %squeeze3A_635 : f32 to vector<16xf32>
        %mul3A_680 = arith.mulf %get3A_678, %mul3A_679 : vector<16xf32>
        %swap3A_681 = arith.index_cast %add3A_633 : i32 to index
        %swap3A_682 = arith.constant 80 : index
        %swap3A_683 = tpu.vector_load %arg10[%swap3A_681, %swap3A_682] {strides = array<i32>} : memref<80x128xf32, #tpu.memory_space<vmem>>, vector<16xf32>,
        tpu.vector_store %arg10[%swap3A_681, %swap3A_682], %mul3A_680 {strides = array<i32>} : memref<80x128xf32, #tpu.memory_space<vmem>>, vector<16xf32>,
        %get3A_684 = arith.index_cast %add3A_633 : i32 to index
        %get3A_685 = arith.constant 96 : index
        %get3A_686 = tpu.vector_load %arg10[%get3A_684, %get3A_685] {strides = array<i32>} : memref<80x128xf32, #tpu.memory_space<vmem>>, vector<16xf32>,
        %mul3A_687 = vector.broadcast %squeeze3A_635 : f32 to vector<16xf32>
        %mul3A_688 = arith.mulf %get3A_686, %mul3A_687 : vector<16xf32>
        %swap3A_689 = arith.index_cast %add3A_633 : i32 to index
        %swap3A_690 = arith.constant 96 : index
        %swap3A_691 = tpu.vector_load %arg10[%swap3A_689, %swap3A_690] {strides = array<i32>} : memref<80x128xf32, #tpu.memory_space<vmem>>, vector<16xf32>,
        tpu.vector_store %arg10[%swap3A_689, %swap3A_690], %mul3A_688 {strides = array<i32>} : memref<80x128xf32, #tpu.memory_space<vmem>>, vector<16xf32>,
        %get3A_692 = arith.index_cast %add3A_633 : i32 to index
        %get3A_693 = arith.constant 112 : index
        %get3A_694 = tpu.vector_load %arg10[%get3A_692, %get3A_693] {strides = array<i32>} : memref<80x128xf32, #tpu.memory_space<vmem>>, vector<16xf32>,
        %mul3A_695 = vector.broadcast %squeeze3A_635 : f32 to vector<16xf32>
        %mul3A_696 = arith.mulf %get3A_694, %mul3A_695 : vector<16xf32>
        %swap3A_697 = arith.index_cast %add3A_633 : i32 to index
        %swap3A_698 = arith.constant 112 : index
        %swap3A_699 = tpu.vector_load %arg10[%swap3A_697, %swap3A_698] {strides = array<i32>} : memref<80x128xf32, #tpu.memory_space<vmem>>, vector<16xf32>,
        tpu.vector_store %arg10[%swap3A_697, %swap3A_698], %mul3A_696 {strides = array<i32>} : memref<80x128xf32, #tpu.memory_space<vmem>>, vector<16xf32>,
        %mul3A_700 = arith.constant 16 : i32
        %mul3A_701 = arith.muli %scan3A_68, %mul3A_700 : i32
        %add3A_702 = arith.constant 9 : i32
        %add3A_703 = arith.addi %mul3A_701, %add3A_702 : i32
        %slice3A_704 = vector.extract_strided_slice %get3A_72 {offsets = [9], sizes = [1], strides = [1]} : vector<16xf32> to vector<1xf32>
        %squeeze3A_705 = vector.extract %slice3A_704[0] : f32 from vector<1xf32>
        %get3A_706 = arith.index_cast %add3A_703 : i32 to index
        %get3A_707 = arith.constant 0 : index
        %get3A_708 = tpu.vector_load %arg10[%get3A_706, %get3A_707] {strides = array<i32>} : memref<80x128xf32, #tpu.memory_space<vmem>>, vector<16xf32>,
        %mul3A_709 = vector.broadcast %squeeze3A_705 : f32 to vector<16xf32>
        %mul3A_710 = arith.mulf %get3A_708, %mul3A_709 : vector<16xf32>
        %swap3A_711 = arith.index_cast %add3A_703 : i32 to index
        %swap3A_712 = arith.constant 0 : index
        %swap3A_713 = tpu.vector_load %arg10[%swap3A_711, %swap3A_712] {strides = array<i32>} : memref<80x128xf32, #tpu.memory_space<vmem>>, vector<16xf32>,
        tpu.vector_store %arg10[%swap3A_711, %swap3A_712], %mul3A_710 {strides = array<i32>} : memref<80x128xf32, #tpu.memory_space<vmem>>, vector<16xf32>,
        %get3A_714 = arith.index_cast %add3A_703 : i32 to index
        %get3A_715 = arith.constant 16 : index
        %get3A_716 = tpu.vector_load %arg10[%get3A_714, %get3A_715] {strides = array<i32>} : memref<80x128xf32, #tpu.memory_space<vmem>>, vector<16xf32>,
        %mul3A_717 = vector.broadcast %squeeze3A_705 : f32 to vector<16xf32>
        %mul3A_718 = arith.mulf %get3A_716, %mul3A_717 : vector<16xf32>
        %swap3A_719 = arith.index_cast %add3A_703 : i32 to index
        %swap3A_720 = arith.constant 16 : index
        %swap3A_721 = tpu.vector_load %arg10[%swap3A_719, %swap3A_720] {strides = array<i32>} : memref<80x128xf32, #tpu.memory_space<vmem>>, vector<16xf32>,
        tpu.vector_store %arg10[%swap3A_719, %swap3A_720], %mul3A_718 {strides = array<i32>} : memref<80x128xf32, #tpu.memory_space<vmem>>, vector<16xf32>,
        %get3A_722 = arith.index_cast %add3A_703 : i32 to index
        %get3A_723 = arith.constant 32 : index
        %get3A_724 = tpu.vector_load %arg10[%get3A_722, %get3A_723] {strides = array<i32>} : memref<80x128xf32, #tpu.memory_space<vmem>>, vector<16xf32>,
        %mul3A_725 = vector.broadcast %squeeze3A_705 : f32 to vector<16xf32>
        %mul3A_726 = arith.mulf %get3A_724, %mul3A_725 : vector<16xf32>
        %swap3A_727 = arith.index_cast %add3A_703 : i32 to index
        %swap3A_728 = arith.constant 32 : index
        %swap3A_729 = tpu.vector_load %arg10[%swap3A_727, %swap3A_728] {strides = array<i32>} : memref<80x128xf32, #tpu.memory_space<vmem>>, vector<16xf32>,
        tpu.vector_store %arg10[%swap3A_727, %swap3A_728], %mul3A_726 {strides = array<i32>} : memref<80x128xf32, #tpu.memory_space<vmem>>, vector<16xf32>,
        %get3A_730 = arith.index_cast %add3A_703 : i32 to index
        %get3A_731 = arith.constant 48 : index
        %get3A_732 = tpu.vector_load %arg10[%get3A_730, %get3A_731] {strides = array<i32>} : memref<80x128xf32, #tpu.memory_space<vmem>>, vector<16xf32>,
        %mul3A_733 = vector.broadcast %squeeze3A_705 : f32 to vector<16xf32>
        %mul3A_734 = arith.mulf %get3A_732, %mul3A_733 : vector<16xf32>
        %swap3A_735 = arith.index_cast %add3A_703 : i32 to index
        %swap3A_736 = arith.constant 48 : index
        %swap3A_737 = tpu.vector_load %arg10[%swap3A_735, %swap3A_736] {strides = array<i32>} : memref<80x128xf32, #tpu.memory_space<vmem>>, vector<16xf32>,
        tpu.vector_store %arg10[%swap3A_735, %swap3A_736], %mul3A_734 {strides = array<i32>} : memref<80x128xf32, #tpu.memory_space<vmem>>, vector<16xf32>,
        %get3A_738 = arith.index_cast %add3A_703 : i32 to index
        %get3A_739 = arith.constant 64 : index
        %get3A_740 = tpu.vector_load %arg10[%get3A_738, %get3A_739] {strides = array<i32>} : memref<80x128xf32, #tpu.memory_space<vmem>>, vector<16xf32>,
        %mul3A_741 = vector.broadcast %squeeze3A_705 : f32 to vector<16xf32>
        %mul3A_742 = arith.mulf %get3A_740, %mul3A_741 : vector<16xf32>
        %swap3A_743 = arith.index_cast %add3A_703 : i32 to index
        %swap3A_744 = arith.constant 64 : index
        %swap3A_745 = tpu.vector_load %arg10[%swap3A_743, %swap3A_744] {strides = array<i32>} : memref<80x128xf32, #tpu.memory_space<vmem>>, vector<16xf32>,
        tpu.vector_store %arg10[%swap3A_743, %swap3A_744], %mul3A_742 {strides = array<i32>} : memref<80x128xf32, #tpu.memory_space<vmem>>, vector<16xf32>,
        %get3A_746 = arith.index_cast %add3A_703 : i32 to index
        %get3A_747 = arith.constant 80 : index
        %get3A_748 = tpu.vector_load %arg10[%get3A_746, %get3A_747] {strides = array<i32>} : memref<80x128xf32, #tpu.memory_space<vmem>>, vector<16xf32>,
        %mul3A_749 = vector.broadcast %squeeze3A_705 : f32 to vector<16xf32>
        %mul3A_750 = arith.mulf %get3A_748, %mul3A_749 : vector<16xf32>
        %swap3A_751 = arith.index_cast %add3A_703 : i32 to index
        %swap3A_752 = arith.constant 80 : index
        %swap3A_753 = tpu.vector_load %arg10[%swap3A_751, %swap3A_752] {strides = array<i32>} : memref<80x128xf32, #tpu.memory_space<vmem>>, vector<16xf32>,
        tpu.vector_store %arg10[%swap3A_751, %swap3A_752], %mul3A_750 {strides = array<i32>} : memref<80x128xf32, #tpu.memory_space<vmem>>, vector<16xf32>,
        %get3A_754 = arith.index_cast %add3A_703 : i32 to index
        %get3A_755 = arith.constant 96 : index
        %get3A_756 = tpu.vector_load %arg10[%get3A_754, %get3A_755] {strides = array<i32>} : memref<80x128xf32, #tpu.memory_space<vmem>>, vector<16xf32>,
        %mul3A_757 = vector.broadcast %squeeze3A_705 : f32 to vector<16xf32>
        %mul3A_758 = arith.mulf %get3A_756, %mul3A_757 : vector<16xf32>
        %swap3A_759 = arith.index_cast %add3A_703 : i32 to index
        %swap3A_760 = arith.constant 96 : index
        %swap3A_761 = tpu.vector_load %arg10[%swap3A_759, %swap3A_760] {strides = array<i32>} : memref<80x128xf32, #tpu.memory_space<vmem>>, vector<16xf32>,
        tpu.vector_store %arg10[%swap3A_759, %swap3A_760], %mul3A_758 {strides = array<i32>} : memref<80x128xf32, #tpu.memory_space<vmem>>, vector<16xf32>,
        %get3A_762 = arith.index_cast %add3A_703 : i32 to index
        %get3A_763 = arith.constant 112 : index
        %get3A_764 = tpu.vector_load %arg10[%get3A_762, %get3A_763] {strides = array<i32>} : memref<80x128xf32, #tpu.memory_space<vmem>>, vector<16xf32>,
        %mul3A_765 = vector.broadcast %squeeze3A_705 : f32 to vector<16xf32>
        %mul3A_766 = arith.mulf %get3A_764, %mul3A_765 : vector<16xf32>
        %swap3A_767 = arith.index_cast %add3A_703 : i32 to index
        %swap3A_768 = arith.constant 112 : index
        %swap3A_769 = tpu.vector_load %arg10[%swap3A_767, %swap3A_768] {strides = array<i32>} : memref<80x128xf32, #tpu.memory_space<vmem>>, vector<16xf32>,
        tpu.vector_store %arg10[%swap3A_767, %swap3A_768], %mul3A_766 {strides = array<i32>} : memref<80x128xf32, #tpu.memory_space<vmem>>, vector<16xf32>,
        %mul3A_770 = arith.constant 16 : i32
        %mul3A_771 = arith.muli %scan3A_68, %mul3A_770 : i32
        %add3A_772 = arith.constant 10 : i32
        %add3A_773 = arith.addi %mul3A_771, %add3A_772 : i32
        %slice3A_774 = vector.extract_strided_slice %get3A_72 {offsets = [10], sizes = [1], strides = [1]} : vector<16xf32> to vector<1xf32>
        %squeeze3A_775 = vector.extract %slice3A_774[0] : f32 from vector<1xf32>
        %get3A_776 = arith.index_cast %add3A_773 : i32 to index
        %get3A_777 = arith.constant 0 : index
        %get3A_778 = tpu.vector_load %arg10[%get3A_776, %get3A_777] {strides = array<i32>} : memref<80x128xf32, #tpu.memory_space<vmem>>, vector<16xf32>,
        %mul3A_779 = vector.broadcast %squeeze3A_775 : f32 to vector<16xf32>
        %mul3A_780 = arith.mulf %get3A_778, %mul3A_779 : vector<16xf32>
        %swap3A_781 = arith.index_cast %add3A_773 : i32 to index
        %swap3A_782 = arith.constant 0 : index
        %swap3A_783 = tpu.vector_load %arg10[%swap3A_781, %swap3A_782] {strides = array<i32>} : memref<80x128xf32, #tpu.memory_space<vmem>>, vector<16xf32>,
        tpu.vector_store %arg10[%swap3A_781, %swap3A_782], %mul3A_780 {strides = array<i32>} : memref<80x128xf32, #tpu.memory_space<vmem>>, vector<16xf32>,
        %get3A_784 = arith.index_cast %add3A_773 : i32 to index
        %get3A_785 = arith.constant 16 : index
        %get3A_786 = tpu.vector_load %arg10[%get3A_784, %get3A_785] {strides = array<i32>} : memref<80x128xf32, #tpu.memory_space<vmem>>, vector<16xf32>,
        %mul3A_787 = vector.broadcast %squeeze3A_775 : f32 to vector<16xf32>
        %mul3A_788 = arith.mulf %get3A_786, %mul3A_787 : vector<16xf32>
        %swap3A_789 = arith.index_cast %add3A_773 : i32 to index
        %swap3A_790 = arith.constant 16 : index
        %swap3A_791 = tpu.vector_load %arg10[%swap3A_789, %swap3A_790] {strides = array<i32>} : memref<80x128xf32, #tpu.memory_space<vmem>>, vector<16xf32>,
        tpu.vector_store %arg10[%swap3A_789, %swap3A_790], %mul3A_788 {strides = array<i32>} : memref<80x128xf32, #tpu.memory_space<vmem>>, vector<16xf32>,
        %get3A_792 = arith.index_cast %add3A_773 : i32 to index
        %get3A_793 = arith.constant 32 : index
        %get3A_794 = tpu.vector_load %arg10[%get3A_792, %get3A_793] {strides = array<i32>} : memref<80x128xf32, #tpu.memory_space<vmem>>, vector<16xf32>,
        %mul3A_795 = vector.broadcast %squeeze3A_775 : f32 to vector<16xf32>
        %mul3A_796 = arith.mulf %get3A_794, %mul3A_795 : vector<16xf32>
        %swap3A_797 = arith.index_cast %add3A_773 : i32 to index
        %swap3A_798 = arith.constant 32 : index
        %swap3A_799 = tpu.vector_load %arg10[%swap3A_797, %swap3A_798] {strides = array<i32>} : memref<80x128xf32, #tpu.memory_space<vmem>>, vector<16xf32>,
        tpu.vector_store %arg10[%swap3A_797, %swap3A_798], %mul3A_796 {strides = array<i32>} : memref<80x128xf32, #tpu.memory_space<vmem>>, vector<16xf32>,
        %get3A_800 = arith.index_cast %add3A_773 : i32 to index
        %get3A_801 = arith.constant 48 : index
        %get3A_802 = tpu.vector_load %arg10[%get3A_800, %get3A_801] {strides = array<i32>} : memref<80x128xf32, #tpu.memory_space<vmem>>, vector<16xf32>,
        %mul3A_803 = vector.broadcast %squeeze3A_775 : f32 to vector<16xf32>
        %mul3A_804 = arith.mulf %get3A_802, %mul3A_803 : vector<16xf32>
        %swap3A_805 = arith.index_cast %add3A_773 : i32 to index
        %swap3A_806 = arith.constant 48 : index
        %swap3A_807 = tpu.vector_load %arg10[%swap3A_805, %swap3A_806] {strides = array<i32>} : memref<80x128xf32, #tpu.memory_space<vmem>>, vector<16xf32>,
        tpu.vector_store %arg10[%swap3A_805, %swap3A_806], %mul3A_804 {strides = array<i32>} : memref<80x128xf32, #tpu.memory_space<vmem>>, vector<16xf32>,
        %get3A_808 = arith.index_cast %add3A_773 : i32 to index
        %get3A_809 = arith.constant 64 : index
        %get3A_810 = tpu.vector_load %arg10[%get3A_808, %get3A_809] {strides = array<i32>} : memref<80x128xf32, #tpu.memory_space<vmem>>, vector<16xf32>,
        %mul3A_811 = vector.broadcast %squeeze3A_775 : f32 to vector<16xf32>
        %mul3A_812 = arith.mulf %get3A_810, %mul3A_811 : vector<16xf32>
        %swap3A_813 = arith.index_cast %add3A_773 : i32 to index
        %swap3A_814 = arith.constant 64 : index
        %swap3A_815 = tpu.vector_load %arg10[%swap3A_813, %swap3A_814] {strides = array<i32>} : memref<80x128xf32, #tpu.memory_space<vmem>>, vector<16xf32>,
        tpu.vector_store %arg10[%swap3A_813, %swap3A_814], %mul3A_812 {strides = array<i32>} : memref<80x128xf32, #tpu.memory_space<vmem>>, vector<16xf32>,
        %get3A_816 = arith.index_cast %add3A_773 : i32 to index
        %get3A_817 = arith.constant 80 : index
        %get3A_818 = tpu.vector_load %arg10[%get3A_816, %get3A_817] {strides = array<i32>} : memref<80x128xf32, #tpu.memory_space<vmem>>, vector<16xf32>,
        %mul3A_819 = vector.broadcast %squeeze3A_775 : f32 to vector<16xf32>
        %mul3A_820 = arith.mulf %get3A_818, %mul3A_819 : vector<16xf32>
        %swap3A_821 = arith.index_cast %add3A_773 : i32 to index
        %swap3A_822 = arith.constant 80 : index
        %swap3A_823 = tpu.vector_load %arg10[%swap3A_821, %swap3A_822] {strides = array<i32>} : memref<80x128xf32, #tpu.memory_space<vmem>>, vector<16xf32>,
        tpu.vector_store %arg10[%swap3A_821, %swap3A_822], %mul3A_820 {strides = array<i32>} : memref<80x128xf32, #tpu.memory_space<vmem>>, vector<16xf32>,
        %get3A_824 = arith.index_cast %add3A_773 : i32 to index
        %get3A_825 = arith.constant 96 : index
        %get3A_826 = tpu.vector_load %arg10[%get3A_824, %get3A_825] {strides = array<i32>} : memref<80x128xf32, #tpu.memory_space<vmem>>, vector<16xf32>,
        %mul3A_827 = vector.broadcast %squeeze3A_775 : f32 to vector<16xf32>
        %mul3A_828 = arith.mulf %get3A_826, %mul3A_827 : vector<16xf32>
        %swap3A_829 = arith.index_cast %add3A_773 : i32 to index
        %swap3A_830 = arith.constant 96 : index
        %swap3A_831 = tpu.vector_load %arg10[%swap3A_829, %swap3A_830] {strides = array<i32>} : memref<80x128xf32, #tpu.memory_space<vmem>>, vector<16xf32>,
        tpu.vector_store %arg10[%swap3A_829, %swap3A_830], %mul3A_828 {strides = array<i32>} : memref<80x128xf32, #tpu.memory_space<vmem>>, vector<16xf32>,
        %get3A_832 = arith.index_cast %add3A_773 : i32 to index
        %get3A_833 = arith.constant 112 : index
        %get3A_834 = tpu.vector_load %arg10[%get3A_832, %get3A_833] {strides = array<i32>} : memref<80x128xf32, #tpu.memory_space<vmem>>, vector<16xf32>,
        %mul3A_835 = vector.broadcast %squeeze3A_775 : f32 to vector<16xf32>
        %mul3A_836 = arith.mulf %get3A_834, %mul3A_835 : vector<16xf32>
        %swap3A_837 = arith.index_cast %add3A_773 : i32 to index
        %swap3A_838 = arith.constant 112 : index
        %swap3A_839 = tpu.vector_load %arg10[%swap3A_837, %swap3A_838] {strides = array<i32>} : memref<80x128xf32, #tpu.memory_space<vmem>>, vector<16xf32>,
        tpu.vector_store %arg10[%swap3A_837, %swap3A_838], %mul3A_836 {strides = array<i32>} : memref<80x128xf32, #tpu.memory_space<vmem>>, vector<16xf32>,
        %mul3A_840 = arith.constant 16 : i32
        %mul3A_841 = arith.muli %scan3A_68, %mul3A_840 : i32
        %add3A_842 = arith.constant 11 : i32
        %add3A_843 = arith.addi %mul3A_841, %add3A_842 : i32
        %slice3A_844 = vector.extract_strided_slice %get3A_72 {offsets = [11], sizes = [1], strides = [1]} : vector<16xf32> to vector<1xf32>
        %squeeze3A_845 = vector.extract %slice3A_844[0] : f32 from vector<1xf32>
        %get3A_846 = arith.index_cast %add3A_843 : i32 to index
        %get3A_847 = arith.constant 0 : index
        %get3A_848 = tpu.vector_load %arg10[%get3A_846, %get3A_847] {strides = array<i32>} : memref<80x128xf32, #tpu.memory_space<vmem>>, vector<16xf32>,
        %mul3A_849 = vector.broadcast %squeeze3A_845 : f32 to vector<16xf32>
        %mul3A_850 = arith.mulf %get3A_848, %mul3A_849 : vector<16xf32>
        %swap3A_851 = arith.index_cast %add3A_843 : i32 to index
        %swap3A_852 = arith.constant 0 : index
        %swap3A_853 = tpu.vector_load %arg10[%swap3A_851, %swap3A_852] {strides = array<i32>} : memref<80x128xf32, #tpu.memory_space<vmem>>, vector<16xf32>,
        tpu.vector_store %arg10[%swap3A_851, %swap3A_852], %mul3A_850 {strides = array<i32>} : memref<80x128xf32, #tpu.memory_space<vmem>>, vector<16xf32>,
        %get3A_854 = arith.index_cast %add3A_843 : i32 to index
        %get3A_855 = arith.constant 16 : index
        %get3A_856 = tpu.vector_load %arg10[%get3A_854, %get3A_855] {strides = array<i32>} : memref<80x128xf32, #tpu.memory_space<vmem>>, vector<16xf32>,
        %mul3A_857 = vector.broadcast %squeeze3A_845 : f32 to vector<16xf32>
        %mul3A_858 = arith.mulf %get3A_856, %mul3A_857 : vector<16xf32>
        %swap3A_859 = arith.index_cast %add3A_843 : i32 to index
        %swap3A_860 = arith.constant 16 : index
        %swap3A_861 = tpu.vector_load %arg10[%swap3A_859, %swap3A_860] {strides = array<i32>} : memref<80x128xf32, #tpu.memory_space<vmem>>, vector<16xf32>,
        tpu.vector_store %arg10[%swap3A_859, %swap3A_860], %mul3A_858 {strides = array<i32>} : memref<80x128xf32, #tpu.memory_space<vmem>>, vector<16xf32>,
        %get3A_862 = arith.index_cast %add3A_843 : i32 to index
        %get3A_863 = arith.constant 32 : index
        %get3A_864 = tpu.vector_load %arg10[%get3A_862, %get3A_863] {strides = array<i32>} : memref<80x128xf32, #tpu.memory_space<vmem>>, vector<16xf32>,
        %mul3A_865 = vector.broadcast %squeeze3A_845 : f32 to vector<16xf32>
        %mul3A_866 = arith.mulf %get3A_864, %mul3A_865 : vector<16xf32>
        %swap3A_867 = arith.index_cast %add3A_843 : i32 to index
        %swap3A_868 = arith.constant 32 : index
        %swap3A_869 = tpu.vector_load %arg10[%swap3A_867, %swap3A_868] {strides = array<i32>} : memref<80x128xf32, #tpu.memory_space<vmem>>, vector<16xf32>,
        tpu.vector_store %arg10[%swap3A_867, %swap3A_868], %mul3A_866 {strides = array<i32>} : memref<80x128xf32, #tpu.memory_space<vmem>>, vector<16xf32>,
        %get3A_870 = arith.index_cast %add3A_843 : i32 to index
        %get3A_871 = arith.constant 48 : index
        %get3A_872 = tpu.vector_load %arg10[%get3A_870, %get3A_871] {strides = array<i32>} : memref<80x128xf32, #tpu.memory_space<vmem>>, vector<16xf32>,
        %mul3A_873 = vector.broadcast %squeeze3A_845 : f32 to vector<16xf32>
        %mul3A_874 = arith.mulf %get3A_872, %mul3A_873 : vector<16xf32>
        %swap3A_875 = arith.index_cast %add3A_843 : i32 to index
        %swap3A_876 = arith.constant 48 : index
        %swap3A_877 = tpu.vector_load %arg10[%swap3A_875, %swap3A_876] {strides = array<i32>} : memref<80x128xf32, #tpu.memory_space<vmem>>, vector<16xf32>,
        tpu.vector_store %arg10[%swap3A_875, %swap3A_876], %mul3A_874 {strides = array<i32>} : memref<80x128xf32, #tpu.memory_space<vmem>>, vector<16xf32>,
        %get3A_878 = arith.index_cast %add3A_843 : i32 to index
        %get3A_879 = arith.constant 64 : index
        %get3A_880 = tpu.vector_load %arg10[%get3A_878, %get3A_879] {strides = array<i32>} : memref<80x128xf32, #tpu.memory_space<vmem>>, vector<16xf32>,
        %mul3A_881 = vector.broadcast %squeeze3A_845 : f32 to vector<16xf32>
        %mul3A_882 = arith.mulf %get3A_880, %mul3A_881 : vector<16xf32>
        %swap3A_883 = arith.index_cast %add3A_843 : i32 to index
        %swap3A_884 = arith.constant 64 : index
        %swap3A_885 = tpu.vector_load %arg10[%swap3A_883, %swap3A_884] {strides = array<i32>} : memref<80x128xf32, #tpu.memory_space<vmem>>, vector<16xf32>,
        tpu.vector_store %arg10[%swap3A_883, %swap3A_884], %mul3A_882 {strides = array<i32>} : memref<80x128xf32, #tpu.memory_space<vmem>>, vector<16xf32>,
        %get3A_886 = arith.index_cast %add3A_843 : i32 to index
        %get3A_887 = arith.constant 80 : index
        %get3A_888 = tpu.vector_load %arg10[%get3A_886, %get3A_887] {strides = array<i32>} : memref<80x128xf32, #tpu.memory_space<vmem>>, vector<16xf32>,
        %mul3A_889 = vector.broadcast %squeeze3A_845 : f32 to vector<16xf32>
        %mul3A_890 = arith.mulf %get3A_888, %mul3A_889 : vector<16xf32>
        %swap3A_891 = arith.index_cast %add3A_843 : i32 to index
        %swap3A_892 = arith.constant 80 : index
        %swap3A_893 = tpu.vector_load %arg10[%swap3A_891, %swap3A_892] {strides = array<i32>} : memref<80x128xf32, #tpu.memory_space<vmem>>, vector<16xf32>,
        tpu.vector_store %arg10[%swap3A_891, %swap3A_892], %mul3A_890 {strides = array<i32>} : memref<80x128xf32, #tpu.memory_space<vmem>>, vector<16xf32>,
        %get3A_894 = arith.index_cast %add3A_843 : i32 to index
        %get3A_895 = arith.constant 96 : index
        %get3A_896 = tpu.vector_load %arg10[%get3A_894, %get3A_895] {strides = array<i32>} : memref<80x128xf32, #tpu.memory_space<vmem>>, vector<16xf32>,
        %mul3A_897 = vector.broadcast %squeeze3A_845 : f32 to vector<16xf32>
        %mul3A_898 = arith.mulf %get3A_896, %mul3A_897 : vector<16xf32>
        %swap3A_899 = arith.index_cast %add3A_843 : i32 to index
        %swap3A_900 = arith.constant 96 : index
        %swap3A_901 = tpu.vector_load %arg10[%swap3A_899, %swap3A_900] {strides = array<i32>} : memref<80x128xf32, #tpu.memory_space<vmem>>, vector<16xf32>,
        tpu.vector_store %arg10[%swap3A_899, %swap3A_900], %mul3A_898 {strides = array<i32>} : memref<80x128xf32, #tpu.memory_space<vmem>>, vector<16xf32>,
        %get3A_902 = arith.index_cast %add3A_843 : i32 to index
        %get3A_903 = arith.constant 112 : index
        %get3A_904 = tpu.vector_load %arg10[%get3A_902, %get3A_903] {strides = array<i32>} : memref<80x128xf32, #tpu.memory_space<vmem>>, vector<16xf32>,
        %mul3A_905 = vector.broadcast %squeeze3A_845 : f32 to vector<16xf32>
        %mul3A_906 = arith.mulf %get3A_904, %mul3A_905 : vector<16xf32>
        %swap3A_907 = arith.index_cast %add3A_843 : i32 to index
        %swap3A_908 = arith.constant 112 : index
        %swap3A_909 = tpu.vector_load %arg10[%swap3A_907, %swap3A_908] {strides = array<i32>} : memref<80x128xf32, #tpu.memory_space<vmem>>, vector<16xf32>,
        tpu.vector_store %arg10[%swap3A_907, %swap3A_908], %mul3A_906 {strides = array<i32>} : memref<80x128xf32, #tpu.memory_space<vmem>>, vector<16xf32>,
        %mul3A_910 = arith.constant 16 : i32
        %mul3A_911 = arith.muli %scan3A_68, %mul3A_910 : i32
        %add3A_912 = arith.constant 12 : i32
        %add3A_913 = arith.addi %mul3A_911, %add3A_912 : i32
        %slice3A_914 = vector.extract_strided_slice %get3A_72 {offsets = [12], sizes = [1], strides = [1]} : vector<16xf32> to vector<1xf32>
        %squeeze3A_915 = vector.extract %slice3A_914[0] : f32 from vector<1xf32>
        %get3A_916 = arith.index_cast %add3A_913 : i32 to index
        %get3A_917 = arith.constant 0 : index
        %get3A_918 = tpu.vector_load %arg10[%get3A_916, %get3A_917] {strides = array<i32>} : memref<80x128xf32, #tpu.memory_space<vmem>>, vector<16xf32>,
        %mul3A_919 = vector.broadcast %squeeze3A_915 : f32 to vector<16xf32>
        %mul3A_920 = arith.mulf %get3A_918, %mul3A_919 : vector<16xf32>
        %swap3A_921 = arith.index_cast %add3A_913 : i32 to index
        %swap3A_922 = arith.constant 0 : index
        %swap3A_923 = tpu.vector_load %arg10[%swap3A_921, %swap3A_922] {strides = array<i32>} : memref<80x128xf32, #tpu.memory_space<vmem>>, vector<16xf32>,
        tpu.vector_store %arg10[%swap3A_921, %swap3A_922], %mul3A_920 {strides = array<i32>} : memref<80x128xf32, #tpu.memory_space<vmem>>, vector<16xf32>,
        %get3A_924 = arith.index_cast %add3A_913 : i32 to index
        %get3A_925 = arith.constant 16 : index
        %get3A_926 = tpu.vector_load %arg10[%get3A_924, %get3A_925] {strides = array<i32>} : memref<80x128xf32, #tpu.memory_space<vmem>>, vector<16xf32>,
        %mul3A_927 = vector.broadcast %squeeze3A_915 : f32 to vector<16xf32>
        %mul3A_928 = arith.mulf %get3A_926, %mul3A_927 : vector<16xf32>
        %swap3A_929 = arith.index_cast %add3A_913 : i32 to index
        %swap3A_930 = arith.constant 16 : index
        %swap3A_931 = tpu.vector_load %arg10[%swap3A_929, %swap3A_930] {strides = array<i32>} : memref<80x128xf32, #tpu.memory_space<vmem>>, vector<16xf32>,
        tpu.vector_store %arg10[%swap3A_929, %swap3A_930], %mul3A_928 {strides = array<i32>} : memref<80x128xf32, #tpu.memory_space<vmem>>, vector<16xf32>,
        %get3A_932 = arith.index_cast %add3A_913 : i32 to index
        %get3A_933 = arith.constant 32 : index
        %get3A_934 = tpu.vector_load %arg10[%get3A_932, %get3A_933] {strides = array<i32>} : memref<80x128xf32, #tpu.memory_space<vmem>>, vector<16xf32>,
        %mul3A_935 = vector.broadcast %squeeze3A_915 : f32 to vector<16xf32>
        %mul3A_936 = arith.mulf %get3A_934, %mul3A_935 : vector<16xf32>
        %swap3A_937 = arith.index_cast %add3A_913 : i32 to index
        %swap3A_938 = arith.constant 32 : index
        %swap3A_939 = tpu.vector_load %arg10[%swap3A_937, %swap3A_938] {strides = array<i32>} : memref<80x128xf32, #tpu.memory_space<vmem>>, vector<16xf32>,
        tpu.vector_store %arg10[%swap3A_937, %swap3A_938], %mul3A_936 {strides = array<i32>} : memref<80x128xf32, #tpu.memory_space<vmem>>, vector<16xf32>,
        %get3A_940 = arith.index_cast %add3A_913 : i32 to index
        %get3A_941 = arith.constant 48 : index
        %get3A_942 = tpu.vector_load %arg10[%get3A_940, %get3A_941] {strides = array<i32>} : memref<80x128xf32, #tpu.memory_space<vmem>>, vector<16xf32>,
        %mul3A_943 = vector.broadcast %squeeze3A_915 : f32 to vector<16xf32>
        %mul3A_944 = arith.mulf %get3A_942, %mul3A_943 : vector<16xf32>
        %swap3A_945 = arith.index_cast %add3A_913 : i32 to index
        %swap3A_946 = arith.constant 48 : index
        %swap3A_947 = tpu.vector_load %arg10[%swap3A_945, %swap3A_946] {strides = array<i32>} : memref<80x128xf32, #tpu.memory_space<vmem>>, vector<16xf32>,
        tpu.vector_store %arg10[%swap3A_945, %swap3A_946], %mul3A_944 {strides = array<i32>} : memref<80x128xf32, #tpu.memory_space<vmem>>, vector<16xf32>,
        %get3A_948 = arith.index_cast %add3A_913 : i32 to index
        %get3A_949 = arith.constant 64 : index
        %get3A_950 = tpu.vector_load %arg10[%get3A_948, %get3A_949] {strides = array<i32>} : memref<80x128xf32, #tpu.memory_space<vmem>>, vector<16xf32>,
        %mul3A_951 = vector.broadcast %squeeze3A_915 : f32 to vector<16xf32>
        %mul3A_952 = arith.mulf %get3A_950, %mul3A_951 : vector<16xf32>
        %swap3A_953 = arith.index_cast %add3A_913 : i32 to index
        %swap3A_954 = arith.constant 64 : index
        %swap3A_955 = tpu.vector_load %arg10[%swap3A_953, %swap3A_954] {strides = array<i32>} : memref<80x128xf32, #tpu.memory_space<vmem>>, vector<16xf32>,
        tpu.vector_store %arg10[%swap3A_953, %swap3A_954], %mul3A_952 {strides = array<i32>} : memref<80x128xf32, #tpu.memory_space<vmem>>, vector<16xf32>,
        %get3A_956 = arith.index_cast %add3A_913 : i32 to index
        %get3A_957 = arith.constant 80 : index
        %get3A_958 = tpu.vector_load %arg10[%get3A_956, %get3A_957] {strides = array<i32>} : memref<80x128xf32, #tpu.memory_space<vmem>>, vector<16xf32>,
        %mul3A_959 = vector.broadcast %squeeze3A_915 : f32 to vector<16xf32>
        %mul3A_960 = arith.mulf %get3A_958, %mul3A_959 : vector<16xf32>
        %swap3A_961 = arith.index_cast %add3A_913 : i32 to index
        %swap3A_962 = arith.constant 80 : index
        %swap3A_963 = tpu.vector_load %arg10[%swap3A_961, %swap3A_962] {strides = array<i32>} : memref<80x128xf32, #tpu.memory_space<vmem>>, vector<16xf32>,
        tpu.vector_store %arg10[%swap3A_961, %swap3A_962], %mul3A_960 {strides = array<i32>} : memref<80x128xf32, #tpu.memory_space<vmem>>, vector<16xf32>,
        %get3A_964 = arith.index_cast %add3A_913 : i32 to index
        %get3A_965 = arith.constant 96 : index
        %get3A_966 = tpu.vector_load %arg10[%get3A_964, %get3A_965] {strides = array<i32>} : memref<80x128xf32, #tpu.memory_space<vmem>>, vector<16xf32>,
        %mul3A_967 = vector.broadcast %squeeze3A_915 : f32 to vector<16xf32>
        %mul3A_968 = arith.mulf %get3A_966, %mul3A_967 : vector<16xf32>
        %swap3A_969 = arith.index_cast %add3A_913 : i32 to index
        %swap3A_970 = arith.constant 96 : index
        %swap3A_971 = tpu.vector_load %arg10[%swap3A_969, %swap3A_970] {strides = array<i32>} : memref<80x128xf32, #tpu.memory_space<vmem>>, vector<16xf32>,
        tpu.vector_store %arg10[%swap3A_969, %swap3A_970], %mul3A_968 {strides = array<i32>} : memref<80x128xf32, #tpu.memory_space<vmem>>, vector<16xf32>,
        %get3A_972 = arith.index_cast %add3A_913 : i32 to index
        %get3A_973 = arith.constant 112 : index
        %get3A_974 = tpu.vector_load %arg10[%get3A_972, %get3A_973] {strides = array<i32>} : memref<80x128xf32, #tpu.memory_space<vmem>>, vector<16xf32>,
        %mul3A_975 = vector.broadcast %squeeze3A_915 : f32 to vector<16xf32>
        %mul3A_976 = arith.mulf %get3A_974, %mul3A_975 : vector<16xf32>
        %swap3A_977 = arith.index_cast %add3A_913 : i32 to index
        %swap3A_978 = arith.constant 112 : index
        %swap3A_979 = tpu.vector_load %arg10[%swap3A_977, %swap3A_978] {strides = array<i32>} : memref<80x128xf32, #tpu.memory_space<vmem>>, vector<16xf32>,
        tpu.vector_store %arg10[%swap3A_977, %swap3A_978], %mul3A_976 {strides = array<i32>} : memref<80x128xf32, #tpu.memory_space<vmem>>, vector<16xf32>,
        %mul3A_980 = arith.constant 16 : i32
        %mul3A_981 = arith.muli %scan3A_68, %mul3A_980 : i32
        %add3A_982 = arith.constant 13 : i32
        %add3A_983 = arith.addi %mul3A_981, %add3A_982 : i32
        %slice3A_984 = vector.extract_strided_slice %get3A_72 {offsets = [13], sizes = [1], strides = [1]} : vector<16xf32> to vector<1xf32>
        %squeeze3A_985 = vector.extract %slice3A_984[0] : f32 from vector<1xf32>
        %get3A_986 = arith.index_cast %add3A_983 : i32 to index
        %get3A_987 = arith.constant 0 : index
        %get3A_988 = tpu.vector_load %arg10[%get3A_986, %get3A_987] {strides = array<i32>} : memref<80x128xf32, #tpu.memory_space<vmem>>, vector<16xf32>,
        %mul3A_989 = vector.broadcast %squeeze3A_985 : f32 to vector<16xf32>
        %mul3A_990 = arith.mulf %get3A_988, %mul3A_989 : vector<16xf32>
        %swap3A_991 = arith.index_cast %add3A_983 : i32 to index
        %swap3A_992 = arith.constant 0 : index
        %swap3A_993 = tpu.vector_load %arg10[%swap3A_991, %swap3A_992] {strides = array<i32>} : memref<80x128xf32, #tpu.memory_space<vmem>>, vector<16xf32>,
        tpu.vector_store %arg10[%swap3A_991, %swap3A_992], %mul3A_990 {strides = array<i32>} : memref<80x128xf32, #tpu.memory_space<vmem>>, vector<16xf32>,
        %get3A_994 = arith.index_cast %add3A_983 : i32 to index
        %get3A_995 = arith.constant 16 : index
        %get3A_996 = tpu.vector_load %arg10[%get3A_994, %get3A_995] {strides = array<i32>} : memref<80x128xf32, #tpu.memory_space<vmem>>, vector<16xf32>,
        %mul3A_997 = vector.broadcast %squeeze3A_985 : f32 to vector<16xf32>
        %mul3A_998 = arith.mulf %get3A_996, %mul3A_997 : vector<16xf32>
        %swap3A_999 = arith.index_cast %add3A_983 : i32 to index
        %swap3A_1000 = arith.constant 16 : index
        %swap3A_1001 = tpu.vector_load %arg10[%swap3A_999, %swap3A_1000] {strides = array<i32>} : memref<80x128xf32, #tpu.memory_space<vmem>>, vector<16xf32>,
        tpu.vector_store %arg10[%swap3A_999, %swap3A_1000], %mul3A_998 {strides = array<i32>} : memref<80x128xf32, #tpu.memory_space<vmem>>, vector<16xf32>,
        %get3A_1002 = arith.index_cast %add3A_983 : i32 to index
        %get3A_1003 = arith.constant 32 : index
        %get3A_1004 = tpu.vector_load %arg10[%get3A_1002, %get3A_1003] {strides = array<i32>} : memref<80x128xf32, #tpu.memory_space<vmem>>, vector<16xf32>,
        %mul3A_1005 = vector.broadcast %squeeze3A_985 : f32 to vector<16xf32>
        %mul3A_1006 = arith.mulf %get3A_1004, %mul3A_1005 : vector<16xf32>
        %swap3A_1007 = arith.index_cast %add3A_983 : i32 to index
        %swap3A_1008 = arith.constant 32 : index
        %swap3A_1009 = tpu.vector_load %arg10[%swap3A_1007, %swap3A_1008] {strides = array<i32>} : memref<80x128xf32, #tpu.memory_space<vmem>>, vector<16xf32>,
        tpu.vector_store %arg10[%swap3A_1007, %swap3A_1008], %mul3A_1006 {strides = array<i32>} : memref<80x128xf32, #tpu.memory_space<vmem>>, vector<16xf32>,
        %get3A_1010 = arith.index_cast %add3A_983 : i32 to index
        %get3A_1011 = arith.constant 48 : index
        %get3A_1012 = tpu.vector_load %arg10[%get3A_1010, %get3A_1011] {strides = array<i32>} : memref<80x128xf32, #tpu.memory_space<vmem>>, vector<16xf32>,
        %mul3A_1013 = vector.broadcast %squeeze3A_985 : f32 to vector<16xf32>
        %mul3A_1014 = arith.mulf %get3A_1012, %mul3A_1013 : vector<16xf32>
        %swap3A_1015 = arith.index_cast %add3A_983 : i32 to index
        %swap3A_1016 = arith.constant 48 : index
        %swap3A_1017 = tpu.vector_load %arg10[%swap3A_1015, %swap3A_1016] {strides = array<i32>} : memref<80x128xf32, #tpu.memory_space<vmem>>, vector<16xf32>,
        tpu.vector_store %arg10[%swap3A_1015, %swap3A_1016], %mul3A_1014 {strides = array<i32>} : memref<80x128xf32, #tpu.memory_space<vmem>>, vector<16xf32>,
        %get3A_1018 = arith.index_cast %add3A_983 : i32 to index
        %get3A_1019 = arith.constant 64 : index
        %get3A_1020 = tpu.vector_load %arg10[%get3A_1018, %get3A_1019] {strides = array<i32>} : memref<80x128xf32, #tpu.memory_space<vmem>>, vector<16xf32>,
        %mul3A_1021 = vector.broadcast %squeeze3A_985 : f32 to vector<16xf32>
        %mul3A_1022 = arith.mulf %get3A_1020, %mul3A_1021 : vector<16xf32>
        %swap3A_1023 = arith.index_cast %add3A_983 : i32 to index
        %swap3A_1024 = arith.constant 64 : index
        %swap3A_1025 = tpu.vector_load %arg10[%swap3A_1023, %swap3A_1024] {strides = array<i32>} : memref<80x128xf32, #tpu.memory_space<vmem>>, vector<16xf32>,
        tpu.vector_store %arg10[%swap3A_1023, %swap3A_1024], %mul3A_1022 {strides = array<i32>} : memref<80x128xf32, #tpu.memory_space<vmem>>, vector<16xf32>,
        %get3A_1026 = arith.index_cast %add3A_983 : i32 to index
        %get3A_1027 = arith.constant 80 : index
        %get3A_1028 = tpu.vector_load %arg10[%get3A_1026, %get3A_1027] {strides = array<i32>} : memref<80x128xf32, #tpu.memory_space<vmem>>, vector<16xf32>,
        %mul3A_1029 = vector.broadcast %squeeze3A_985 : f32 to vector<16xf32>
        %mul3A_1030 = arith.mulf %get3A_1028, %mul3A_1029 : vector<16xf32>
        %swap3A_1031 = arith.index_cast %add3A_983 : i32 to index
        %swap3A_1032 = arith.constant 80 : index
        %swap3A_1033 = tpu.vector_load %arg10[%swap3A_1031, %swap3A_1032] {strides = array<i32>} : memref<80x128xf32, #tpu.memory_space<vmem>>, vector<16xf32>,
        tpu.vector_store %arg10[%swap3A_1031, %swap3A_1032], %mul3A_1030 {strides = array<i32>} : memref<80x128xf32, #tpu.memory_space<vmem>>, vector<16xf32>,
        %get3A_1034 = arith.index_cast %add3A_983 : i32 to index
        %get3A_1035 = arith.constant 96 : index
        %get3A_1036 = tpu.vector_load %arg10[%get3A_1034, %get3A_1035] {strides = array<i32>} : memref<80x128xf32, #tpu.memory_space<vmem>>, vector<16xf32>,
        %mul3A_1037 = vector.broadcast %squeeze3A_985 : f32 to vector<16xf32>
        %mul3A_1038 = arith.mulf %get3A_1036, %mul3A_1037 : vector<16xf32>
        %swap3A_1039 = arith.index_cast %add3A_983 : i32 to index
        %swap3A_1040 = arith.constant 96 : index
        %swap3A_1041 = tpu.vector_load %arg10[%swap3A_1039, %swap3A_1040] {strides = array<i32>} : memref<80x128xf32, #tpu.memory_space<vmem>>, vector<16xf32>,
        tpu.vector_store %arg10[%swap3A_1039, %swap3A_1040], %mul3A_1038 {strides = array<i32>} : memref<80x128xf32, #tpu.memory_space<vmem>>, vector<16xf32>,
        %get3A_1042 = arith.index_cast %add3A_983 : i32 to index
        %get3A_1043 = arith.constant 112 : index
        %get3A_1044 = tpu.vector_load %arg10[%get3A_1042, %get3A_1043] {strides = array<i32>} : memref<80x128xf32, #tpu.memory_space<vmem>>, vector<16xf32>,
        %mul3A_1045 = vector.broadcast %squeeze3A_985 : f32 to vector<16xf32>
        %mul3A_1046 = arith.mulf %get3A_1044, %mul3A_1045 : vector<16xf32>
        %swap3A_1047 = arith.index_cast %add3A_983 : i32 to index
        %swap3A_1048 = arith.constant 112 : index
        %swap3A_1049 = tpu.vector_load %arg10[%swap3A_1047, %swap3A_1048] {strides = array<i32>} : memref<80x128xf32, #tpu.memory_space<vmem>>, vector<16xf32>,
        tpu.vector_store %arg10[%swap3A_1047, %swap3A_1048], %mul3A_1046 {strides = array<i32>} : memref<80x128xf32, #tpu.memory_space<vmem>>, vector<16xf32>,
        %mul3A_1050 = arith.constant 16 : i32
        %mul3A_1051 = arith.muli %scan3A_68, %mul3A_1050 : i32
        %add3A_1052 = arith.constant 14 : i32
        %add3A_1053 = arith.addi %mul3A_1051, %add3A_1052 : i32
        %slice3A_1054 = vector.extract_strided_slice %get3A_72 {offsets = [14], sizes = [1], strides = [1]} : vector<16xf32> to vector<1xf32>
        %squeeze3A_1055 = vector.extract %slice3A_1054[0] : f32 from vector<1xf32>
        %get3A_1056 = arith.index_cast %add3A_1053 : i32 to index
        %get3A_1057 = arith.constant 0 : index
        %get3A_1058 = tpu.vector_load %arg10[%get3A_1056, %get3A_1057] {strides = array<i32>} : memref<80x128xf32, #tpu.memory_space<vmem>>, vector<16xf32>,
        %mul3A_1059 = vector.broadcast %squeeze3A_1055 : f32 to vector<16xf32>
        %mul3A_1060 = arith.mulf %get3A_1058, %mul3A_1059 : vector<16xf32>
        %swap3A_1061 = arith.index_cast %add3A_1053 : i32 to index
        %swap3A_1062 = arith.constant 0 : index
        %swap3A_1063 = tpu.vector_load %arg10[%swap3A_1061, %swap3A_1062] {strides = array<i32>} : memref<80x128xf32, #tpu.memory_space<vmem>>, vector<16xf32>,
        tpu.vector_store %arg10[%swap3A_1061, %swap3A_1062], %mul3A_1060 {strides = array<i32>} : memref<80x128xf32, #tpu.memory_space<vmem>>, vector<16xf32>,
        %get3A_1064 = arith.index_cast %add3A_1053 : i32 to index
        %get3A_1065 = arith.constant 16 : index
        %get3A_1066 = tpu.vector_load %arg10[%get3A_1064, %get3A_1065] {strides = array<i32>} : memref<80x128xf32, #tpu.memory_space<vmem>>, vector<16xf32>,
        %mul3A_1067 = vector.broadcast %squeeze3A_1055 : f32 to vector<16xf32>
        %mul3A_1068 = arith.mulf %get3A_1066, %mul3A_1067 : vector<16xf32>
        %swap3A_1069 = arith.index_cast %add3A_1053 : i32 to index
        %swap3A_1070 = arith.constant 16 : index
        %swap3A_1071 = tpu.vector_load %arg10[%swap3A_1069, %swap3A_1070] {strides = array<i32>} : memref<80x128xf32, #tpu.memory_space<vmem>>, vector<16xf32>,
        tpu.vector_store %arg10[%swap3A_1069, %swap3A_1070], %mul3A_1068 {strides = array<i32>} : memref<80x128xf32, #tpu.memory_space<vmem>>, vector<16xf32>,
        %get3A_1072 = arith.index_cast %add3A_1053 : i32 to index
        %get3A_1073 = arith.constant 32 : index
        %get3A_1074 = tpu.vector_load %arg10[%get3A_1072, %get3A_1073] {strides = array<i32>} : memref<80x128xf32, #tpu.memory_space<vmem>>, vector<16xf32>,
        %mul3A_1075 = vector.broadcast %squeeze3A_1055 : f32 to vector<16xf32>
        %mul3A_1076 = arith.mulf %get3A_1074, %mul3A_1075 : vector<16xf32>
        %swap3A_1077 = arith.index_cast %add3A_1053 : i32 to index
        %swap3A_1078 = arith.constant 32 : index
        %swap3A_1079 = tpu.vector_load %arg10[%swap3A_1077, %swap3A_1078] {strides = array<i32>} : memref<80x128xf32, #tpu.memory_space<vmem>>, vector<16xf32>,
        tpu.vector_store %arg10[%swap3A_1077, %swap3A_1078], %mul3A_1076 {strides = array<i32>} : memref<80x128xf32, #tpu.memory_space<vmem>>, vector<16xf32>,
        %get3A_1080 = arith.index_cast %add3A_1053 : i32 to index
        %get3A_1081 = arith.constant 48 : index
        %get3A_1082 = tpu.vector_load %arg10[%get3A_1080, %get3A_1081] {strides = array<i32>} : memref<80x128xf32, #tpu.memory_space<vmem>>, vector<16xf32>,
        %mul3A_1083 = vector.broadcast %squeeze3A_1055 : f32 to vector<16xf32>
        %mul3A_1084 = arith.mulf %get3A_1082, %mul3A_1083 : vector<16xf32>
        %swap3A_1085 = arith.index_cast %add3A_1053 : i32 to index
        %swap3A_1086 = arith.constant 48 : index
        %swap3A_1087 = tpu.vector_load %arg10[%swap3A_1085, %swap3A_1086] {strides = array<i32>} : memref<80x128xf32, #tpu.memory_space<vmem>>, vector<16xf32>,
        tpu.vector_store %arg10[%swap3A_1085, %swap3A_1086], %mul3A_1084 {strides = array<i32>} : memref<80x128xf32, #tpu.memory_space<vmem>>, vector<16xf32>,
        %get3A_1088 = arith.index_cast %add3A_1053 : i32 to index
        %get3A_1089 = arith.constant 64 : index
        %get3A_1090 = tpu.vector_load %arg10[%get3A_1088, %get3A_1089] {strides = array<i32>} : memref<80x128xf32, #tpu.memory_space<vmem>>, vector<16xf32>,
        %mul3A_1091 = vector.broadcast %squeeze3A_1055 : f32 to vector<16xf32>
        %mul3A_1092 = arith.mulf %get3A_1090, %mul3A_1091 : vector<16xf32>
        %swap3A_1093 = arith.index_cast %add3A_1053 : i32 to index
        %swap3A_1094 = arith.constant 64 : index
        %swap3A_1095 = tpu.vector_load %arg10[%swap3A_1093, %swap3A_1094] {strides = array<i32>} : memref<80x128xf32, #tpu.memory_space<vmem>>, vector<16xf32>,
        tpu.vector_store %arg10[%swap3A_1093, %swap3A_1094], %mul3A_1092 {strides = array<i32>} : memref<80x128xf32, #tpu.memory_space<vmem>>, vector<16xf32>,
        %get3A_1096 = arith.index_cast %add3A_1053 : i32 to index
        %get3A_1097 = arith.constant 80 : index
        %get3A_1098 = tpu.vector_load %arg10[%get3A_1096, %get3A_1097] {strides = array<i32>} : memref<80x128xf32, #tpu.memory_space<vmem>>, vector<16xf32>,
        %mul3A_1099 = vector.broadcast %squeeze3A_1055 : f32 to vector<16xf32>
        %mul3A_1100 = arith.mulf %get3A_1098, %mul3A_1099 : vector<16xf32>
        %swap3A_1101 = arith.index_cast %add3A_1053 : i32 to index
        %swap3A_1102 = arith.constant 80 : index
        %swap3A_1103 = tpu.vector_load %arg10[%swap3A_1101, %swap3A_1102] {strides = array<i32>} : memref<80x128xf32, #tpu.memory_space<vmem>>, vector<16xf32>,
        tpu.vector_store %arg10[%swap3A_1101, %swap3A_1102], %mul3A_1100 {strides = array<i32>} : memref<80x128xf32, #tpu.memory_space<vmem>>, vector<16xf32>,
        %get3A_1104 = arith.index_cast %add3A_1053 : i32 to index
        %get3A_1105 = arith.constant 96 : index
        %get3A_1106 = tpu.vector_load %arg10[%get3A_1104, %get3A_1105] {strides = array<i32>} : memref<80x128xf32, #tpu.memory_space<vmem>>, vector<16xf32>,
        %mul3A_1107 = vector.broadcast %squeeze3A_1055 : f32 to vector<16xf32>
        %mul3A_1108 = arith.mulf %get3A_1106, %mul3A_1107 : vector<16xf32>
        %swap3A_1109 = arith.index_cast %add3A_1053 : i32 to index
        %swap3A_1110 = arith.constant 96 : index
        %swap3A_1111 = tpu.vector_load %arg10[%swap3A_1109, %swap3A_1110] {strides = array<i32>} : memref<80x128xf32, #tpu.memory_space<vmem>>, vector<16xf32>,
        tpu.vector_store %arg10[%swap3A_1109, %swap3A_1110], %mul3A_1108 {strides = array<i32>} : memref<80x128xf32, #tpu.memory_space<vmem>>, vector<16xf32>,
        %get3A_1112 = arith.index_cast %add3A_1053 : i32 to index
        %get3A_1113 = arith.constant 112 : index
        %get3A_1114 = tpu.vector_load %arg10[%get3A_1112, %get3A_1113] {strides = array<i32>} : memref<80x128xf32, #tpu.memory_space<vmem>>, vector<16xf32>,
        %mul3A_1115 = vector.broadcast %squeeze3A_1055 : f32 to vector<16xf32>
        %mul3A_1116 = arith.mulf %get3A_1114, %mul3A_1115 : vector<16xf32>
        %swap3A_1117 = arith.index_cast %add3A_1053 : i32 to index
        %swap3A_1118 = arith.constant 112 : index
        %swap3A_1119 = tpu.vector_load %arg10[%swap3A_1117, %swap3A_1118] {strides = array<i32>} : memref<80x128xf32, #tpu.memory_space<vmem>>, vector<16xf32>,
        tpu.vector_store %arg10[%swap3A_1117, %swap3A_1118], %mul3A_1116 {strides = array<i32>} : memref<80x128xf32, #tpu.memory_space<vmem>>, vector<16xf32>,
        %mul3A_1120 = arith.constant 16 : i32
        %mul3A_1121 = arith.muli %scan3A_68, %mul3A_1120 : i32
        %add3A_1122 = arith.constant 15 : i32
        %add3A_1123 = arith.addi %mul3A_1121, %add3A_1122 : i32
        %slice3A_1124 = vector.extract_strided_slice %get3A_72 {offsets = [15], sizes = [1], strides = [1]} : vector<16xf32> to vector<1xf32>
        %squeeze3A_1125 = vector.extract %slice3A_1124[0] : f32 from vector<1xf32>
        %get3A_1126 = arith.index_cast %add3A_1123 : i32 to index
        %get3A_1127 = arith.constant 0 : index
        %get3A_1128 = tpu.vector_load %arg10[%get3A_1126, %get3A_1127] {strides = array<i32>} : memref<80x128xf32, #tpu.memory_space<vmem>>, vector<16xf32>,
        %mul3A_1129 = vector.broadcast %squeeze3A_1125 : f32 to vector<16xf32>
        %mul3A_1130 = arith.mulf %get3A_1128, %mul3A_1129 : vector<16xf32>
        %swap3A_1131 = arith.index_cast %add3A_1123 : i32 to index
        %swap3A_1132 = arith.constant 0 : index
        %swap3A_1133 = tpu.vector_load %arg10[%swap3A_1131, %swap3A_1132] {strides = array<i32>} : memref<80x128xf32, #tpu.memory_space<vmem>>, vector<16xf32>,
        tpu.vector_store %arg10[%swap3A_1131, %swap3A_1132], %mul3A_1130 {strides = array<i32>} : memref<80x128xf32, #tpu.memory_space<vmem>>, vector<16xf32>,
        %get3A_1134 = arith.index_cast %add3A_1123 : i32 to index
        %get3A_1135 = arith.constant 16 : index
        %get3A_1136 = tpu.vector_load %arg10[%get3A_1134, %get3A_1135] {strides = array<i32>} : memref<80x128xf32, #tpu.memory_space<vmem>>, vector<16xf32>,
        %mul3A_1137 = vector.broadcast %squeeze3A_1125 : f32 to vector<16xf32>
        %mul3A_1138 = arith.mulf %get3A_1136, %mul3A_1137 : vector<16xf32>
        %swap3A_1139 = arith.index_cast %add3A_1123 : i32 to index
        %swap3A_1140 = arith.constant 16 : index
        %swap3A_1141 = tpu.vector_load %arg10[%swap3A_1139, %swap3A_1140] {strides = array<i32>} : memref<80x128xf32, #tpu.memory_space<vmem>>, vector<16xf32>,
        tpu.vector_store %arg10[%swap3A_1139, %swap3A_1140], %mul3A_1138 {strides = array<i32>} : memref<80x128xf32, #tpu.memory_space<vmem>>, vector<16xf32>,
        %get3A_1142 = arith.index_cast %add3A_1123 : i32 to index
        %get3A_1143 = arith.constant 32 : index
        %get3A_1144 = tpu.vector_load %arg10[%get3A_1142, %get3A_1143] {strides = array<i32>} : memref<80x128xf32, #tpu.memory_space<vmem>>, vector<16xf32>,
        %mul3A_1145 = vector.broadcast %squeeze3A_1125 : f32 to vector<16xf32>
        %mul3A_1146 = arith.mulf %get3A_1144, %mul3A_1145 : vector<16xf32>
        %swap3A_1147 = arith.index_cast %add3A_1123 : i32 to index
        %swap3A_1148 = arith.constant 32 : index
        %swap3A_1149 = tpu.vector_load %arg10[%swap3A_1147, %swap3A_1148] {strides = array<i32>} : memref<80x128xf32, #tpu.memory_space<vmem>>, vector<16xf32>,
        tpu.vector_store %arg10[%swap3A_1147, %swap3A_1148], %mul3A_1146 {strides = array<i32>} : memref<80x128xf32, #tpu.memory_space<vmem>>, vector<16xf32>,
        %get3A_1150 = arith.index_cast %add3A_1123 : i32 to index
        %get3A_1151 = arith.constant 48 : index
        %get3A_1152 = tpu.vector_load %arg10[%get3A_1150, %get3A_1151] {strides = array<i32>} : memref<80x128xf32, #tpu.memory_space<vmem>>, vector<16xf32>,
        %mul3A_1153 = vector.broadcast %squeeze3A_1125 : f32 to vector<16xf32>
        %mul3A_1154 = arith.mulf %get3A_1152, %mul3A_1153 : vector<16xf32>
        %swap3A_1155 = arith.index_cast %add3A_1123 : i32 to index
        %swap3A_1156 = arith.constant 48 : index
        %swap3A_1157 = tpu.vector_load %arg10[%swap3A_1155, %swap3A_1156] {strides = array<i32>} : memref<80x128xf32, #tpu.memory_space<vmem>>, vector<16xf32>,
        tpu.vector_store %arg10[%swap3A_1155, %swap3A_1156], %mul3A_1154 {strides = array<i32>} : memref<80x128xf32, #tpu.memory_space<vmem>>, vector<16xf32>,
        %get3A_1158 = arith.index_cast %add3A_1123 : i32 to index
        %get3A_1159 = arith.constant 64 : index
        %get3A_1160 = tpu.vector_load %arg10[%get3A_1158, %get3A_1159] {strides = array<i32>} : memref<80x128xf32, #tpu.memory_space<vmem>>, vector<16xf32>,
        %mul3A_1161 = vector.broadcast %squeeze3A_1125 : f32 to vector<16xf32>
        %mul3A_1162 = arith.mulf %get3A_1160, %mul3A_1161 : vector<16xf32>
        %swap3A_1163 = arith.index_cast %add3A_1123 : i32 to index
        %swap3A_1164 = arith.constant 64 : index
        %swap3A_1165 = tpu.vector_load %arg10[%swap3A_1163, %swap3A_1164] {strides = array<i32>} : memref<80x128xf32, #tpu.memory_space<vmem>>, vector<16xf32>,
        tpu.vector_store %arg10[%swap3A_1163, %swap3A_1164], %mul3A_1162 {strides = array<i32>} : memref<80x128xf32, #tpu.memory_space<vmem>>, vector<16xf32>,
        %get3A_1166 = arith.index_cast %add3A_1123 : i32 to index
        %get3A_1167 = arith.constant 80 : index
        %get3A_1168 = tpu.vector_load %arg10[%get3A_1166, %get3A_1167] {strides = array<i32>} : memref<80x128xf32, #tpu.memory_space<vmem>>, vector<16xf32>,
        %mul3A_1169 = vector.broadcast %squeeze3A_1125 : f32 to vector<16xf32>
        %mul3A_1170 = arith.mulf %get3A_1168, %mul3A_1169 : vector<16xf32>
        %swap3A_1171 = arith.index_cast %add3A_1123 : i32 to index
        %swap3A_1172 = arith.constant 80 : index
        %swap3A_1173 = tpu.vector_load %arg10[%swap3A_1171, %swap3A_1172] {strides = array<i32>} : memref<80x128xf32, #tpu.memory_space<vmem>>, vector<16xf32>,
        tpu.vector_store %arg10[%swap3A_1171, %swap3A_1172], %mul3A_1170 {strides = array<i32>} : memref<80x128xf32, #tpu.memory_space<vmem>>, vector<16xf32>,
        %get3A_1174 = arith.index_cast %add3A_1123 : i32 to index
        %get3A_1175 = arith.constant 96 : index
        %get3A_1176 = tpu.vector_load %arg10[%get3A_1174, %get3A_1175] {strides = array<i32>} : memref<80x128xf32, #tpu.memory_space<vmem>>, vector<16xf32>,
        %mul3A_1177 = vector.broadcast %squeeze3A_1125 : f32 to vector<16xf32>
        %mul3A_1178 = arith.mulf %get3A_1176, %mul3A_1177 : vector<16xf32>
        %swap3A_1179 = arith.index_cast %add3A_1123 : i32 to index
        %swap3A_1180 = arith.constant 96 : index
        %swap3A_1181 = tpu.vector_load %arg10[%swap3A_1179, %swap3A_1180] {strides = array<i32>} : memref<80x128xf32, #tpu.memory_space<vmem>>, vector<16xf32>,
        tpu.vector_store %arg10[%swap3A_1179, %swap3A_1180], %mul3A_1178 {strides = array<i32>} : memref<80x128xf32, #tpu.memory_space<vmem>>, vector<16xf32>,
        %get3A_1182 = arith.index_cast %add3A_1123 : i32 to index
        %get3A_1183 = arith.constant 112 : index
        %get3A_1184 = tpu.vector_load %arg10[%get3A_1182, %get3A_1183] {strides = array<i32>} : memref<80x128xf32, #tpu.memory_space<vmem>>, vector<16xf32>,
        %mul3A_1185 = vector.broadcast %squeeze3A_1125 : f32 to vector<16xf32>
        %mul3A_1186 = arith.mulf %get3A_1184, %mul3A_1185 : vector<16xf32>
        %swap3A_1187 = arith.index_cast %add3A_1123 : i32 to index
        %swap3A_1188 = arith.constant 112 : index
        %swap3A_1189 = tpu.vector_load %arg10[%swap3A_1187, %swap3A_1188] {strides = array<i32>} : memref<80x128xf32, #tpu.memory_space<vmem>>, vector<16xf32>,
        tpu.vector_store %arg10[%swap3A_1187, %swap3A_1188], %mul3A_1186 {strides = array<i32>} : memref<80x128xf32, #tpu.memory_space<vmem>>, vector<16xf32>,
        %scan3A_1190 = arith.constant 0 : i32
        scf.yield %scan3A_1190 : i32
      }
      %scan3A_66 = arith.constant 5 : i32
      "tpu.region"() ({
        %run_scoped3A = tpu.sem_alloc : memref<!tpu.dma_semaphore, #tpu.memory_space<semaphore_mem>>
        %dma_start3A_68 = arith.constant 0 : i32
        %dma_start3A_69 = arith.constant 0 : i32
        %dma_start3A_70 = tpu.memref_slice %arg11[%dma_start3A_68, %dma_start3A_69] : memref<10240x128xf32, #tpu.memory_space<vmem_shared>> -> memref<10240x128xf32, #tpu.memory_space<vmem_shared>>
        tpu.enqueue_indirect_dma source(%arg10 : memref<80x128xf32, #tpu.memory_space<vmem>>) target(%dma_start3A_70 : memref<10240x128xf32, #tpu.memory_space<vmem_shared>>) offsets(%arg8 : memref<80xi32, #tpu.memory_space<vmem>>) semaphore(%run_scoped3A : memref<!tpu.dma_semaphore, #tpu.memory_space<semaphore_mem>>) {add = true}
        %dma_wait3A_71 = arith.constant 0 : i32
        %dma_wait3A_72 = arith.constant 0 : i32
        %dma_wait3A_73 = tpu.memref_slice %arg11[%dma_wait3A_71, %dma_wait3A_72] : memref<10240x128xf32, #tpu.memory_space<vmem_shared>> -> memref<10240x128xf32, #tpu.memory_space<vmem_shared>>
        tpu.wait_indirect_dma semaphore(%run_scoped3A : memref<!tpu.dma_semaphore, #tpu.memory_space<semaphore_mem>>) src(%arg10 : memref<80x128xf32, #tpu.memory_space<vmem>>) dst(%dma_wait3A_73 : memref<10240x128xf32, #tpu.memory_space<vmem_shared>>)
        tpu.yield
      }) : () -> ()
      %scan3A_67 = arith.constant 0 : i32
      scf.yield %scan3A_67 : i32
    }
    %scan3A_33 = arith.constant 125 : i32
    %barrier3A_34 = arith.constant 0 : index
    tpu.barrier barrier_id(%barrier3A_34)
    %add3A_35 = arith.constant 0 : i32
    %add3A_36 = arith.addi %mul3A_10, %add3A_35 : i32
    "tpu.region"() ({
      %run_scoped3A = tpu.sem_alloc : memref<!tpu.dma_semaphore, #tpu.memory_space<semaphore_mem>>
      %dma_start3A = arith.constant 0 : i32
      %dma_start3A_51 = tpu.memref_slice %arg11[%add3A_36, %dma_start3A] : memref<10240x128xf32, #tpu.memory_space<vmem_shared>> -> memref<80x128xf32, #tpu.memory_space<vmem_shared>>
      %dma_start3A_52 = arith.constant 0 : i32
      %dma_start3A_53 = tpu.memref_slice %arg11[%add3A_36, %dma_start3A_52] : memref<10240x128xf32, #tpu.memory_space<vmem_shared>> -> memref<80x128xf32, #tpu.memory_space<vmem_shared>>
      tpu.enqueue_dma source(%dma_start3A_53 : memref<80x128xf32, #tpu.memory_space<vmem_shared>>) target(%arg10 : memref<80x128xf32, #tpu.memory_space<vmem>>) target_semaphore(%run_scoped3A : memref<!tpu.dma_semaphore, #tpu.memory_space<semaphore_mem>>)
      %dma_wait3A = arith.constant 0 : i32
      %dma_wait3A_54 = tpu.memref_slice %arg11[%add3A_36, %dma_wait3A] : memref<10240x128xf32, #tpu.memory_space<vmem_shared>> -> memref<80x128xf32, #tpu.memory_space<vmem_shared>>
      %dma_wait3A_55 = arith.constant 0 : i32
      %dma_wait3A_56 = tpu.memref_slice %arg11[%add3A_36, %dma_wait3A_55] : memref<10240x128xf32, #tpu.memory_space<vmem_shared>> -> memref<80x128xf32, #tpu.memory_space<vmem_shared>>
      tpu.wait_dma2 semaphore(%run_scoped3A : memref<!tpu.dma_semaphore, #tpu.memory_space<semaphore_mem>>) src(%dma_wait3A_56 : memref<80x128xf32, #tpu.memory_space<vmem_shared>>) dst(%arg10 : memref<80x128xf32, #tpu.memory_space<vmem>>)
      tpu.yield
    }) : () -> ()
    "tpu.region"() ({
      %run_scoped3A = tpu.sem_alloc : memref<!tpu.dma_semaphore, #tpu.memory_space<semaphore_mem>>
      %dma_start3A = arith.constant 0 : i32
      %dma_start3A_51 = tpu.memref_slice %arg6[%arg0, %add3A_36, %dma_start3A] : memref<2x10240x128xf32, #tpu.memory_space<hbm>> -> memref<1x80x128xf32, #tpu.memory_space<hbm>>
      %dma_start3A_52 = tpu.memref_squeeze %dma_start3A_51 : memref<1x80x128xf32, #tpu.memory_space<hbm>> -> memref<80x128xf32, #tpu.memory_space<hbm>>
      %dma_start3A_53 = arith.constant 0 : i32
      %dma_start3A_54 = tpu.memref_slice %arg6[%arg0, %add3A_36, %dma_start3A_53] : memref<2x10240x128xf32, #tpu.memory_space<hbm>> -> memref<1x80x128xf32, #tpu.memory_space<hbm>>
      %dma_start3A_55 = tpu.memref_squeeze %dma_start3A_54 : memref<1x80x128xf32, #tpu.memory_space<hbm>> -> memref<80x128xf32, #tpu.memory_space<hbm>>
      tpu.enqueue_dma source(%arg10 : memref<80x128xf32, #tpu.memory_space<vmem>>) target(%dma_start3A_55 : memref<80x128xf32, #tpu.memory_space<hbm>>) target_semaphore(%run_scoped3A : memref<!tpu.dma_semaphore, #tpu.memory_space<semaphore_mem>>)
      %dma_wait3A = arith.constant 0 : i32
      %dma_wait3A_56 = tpu.memref_slice %arg6[%arg0, %add3A_36, %dma_wait3A] : memref<2x10240x128xf32, #tpu.memory_space<hbm>> -> memref<1x80x128xf32, #tpu.memory_space<hbm>>
      %dma_wait3A_57 = tpu.memref_squeeze %dma_wait3A_56 : memref<1x80x128xf32, #tpu.memory_space<hbm>> -> memref<80x128xf32, #tpu.memory_space<hbm>>
      %dma_wait3A_58 = arith.constant 0 : i32
      %dma_wait3A_59 = tpu.memref_slice %arg6[%arg0, %add3A_36, %dma_wait3A_58] : memref<2x10240x128xf32, #tpu.memory_space<hbm>> -> memref<1x80x128xf32, #tpu.memory_space<hbm>>
      %dma_wait3A_60 = tpu.memref_squeeze %dma_wait3A_59 : memref<1x80x128xf32, #tpu.memory_space<hbm>> -> memref<80x128xf32, #tpu.memory_space<hbm>>
      tpu.wait_dma2 semaphore(%run_scoped3A : memref<!tpu.dma_semaphore, #tpu.memory_space<semaphore_mem>>) src(%arg10 : memref<80x128xf32, #tpu.memory_space<vmem>>) dst(%dma_wait3A_60 : memref<80x128xf32, #tpu.memory_space<hbm>>)
      tpu.yield
    }) : () -> ()
    %add3A_37 = arith.constant 80 : i32
    %add3A_38 = arith.addi %mul3A_10, %add3A_37 : i32
    "tpu.region"() ({
      %run_scoped3A = tpu.sem_alloc : memref<!tpu.dma_semaphore, #tpu.memory_space<semaphore_mem>>
      %dma_start3A = arith.constant 0 : i32
      %dma_start3A_51 = tpu.memref_slice %arg11[%add3A_38, %dma_start3A] : memref<10240x128xf32, #tpu.memory_space<vmem_shared>> -> memref<80x128xf32, #tpu.memory_space<vmem_shared>>
      %dma_start3A_52 = arith.constant 0 : i32
      %dma_start3A_53 = tpu.memref_slice %arg11[%add3A_38, %dma_start3A_52] : memref<10240x128xf32, #tpu.memory_space<vmem_shared>> -> memref<80x128xf32, #tpu.memory_space<vmem_shared>>
      tpu.enqueue_dma source(%dma_start3A_53 : memref<80x128xf32, #tpu.memory_space<vmem_shared>>) target(%arg10 : memref<80x128xf32, #tpu.memory_space<vmem>>) target_semaphore(%run_scoped3A : memref<!tpu.dma_semaphore, #tpu.memory_space<semaphore_mem>>)
      %dma_wait3A = arith.constant 0 : i32
      %dma_wait3A_54 = tpu.memref_slice %arg11[%add3A_38, %dma_wait3A] : memref<10240x128xf32, #tpu.memory_space<vmem_shared>> -> memref<80x128xf32, #tpu.memory_space<vmem_shared>>
      %dma_wait3A_55 = arith.constant 0 : i32
      %dma_wait3A_56 = tpu.memref_slice %arg11[%add3A_38, %dma_wait3A_55] : memref<10240x128xf32, #tpu.memory_space<vmem_shared>> -> memref<80x128xf32, #tpu.memory_space<vmem_shared>>
      tpu.wait_dma2 semaphore(%run_scoped3A : memref<!tpu.dma_semaphore, #tpu.memory_space<semaphore_mem>>) src(%dma_wait3A_56 : memref<80x128xf32, #tpu.memory_space<vmem_shared>>) dst(%arg10 : memref<80x128xf32, #tpu.memory_space<vmem>>)
      tpu.yield
    }) : () -> ()
    "tpu.region"() ({
      %run_scoped3A = tpu.sem_alloc : memref<!tpu.dma_semaphore, #tpu.memory_space<semaphore_mem>>
      %dma_start3A = arith.constant 0 : i32
      %dma_start3A_51 = tpu.memref_slice %arg6[%arg0, %add3A_38, %dma_start3A] : memref<2x10240x128xf32, #tpu.memory_space<hbm>> -> memref<1x80x128xf32, #tpu.memory_space<hbm>>
      %dma_start3A_52 = tpu.memref_squeeze %dma_start3A_51 : memref<1x80x128xf32, #tpu.memory_space<hbm>> -> memref<80x128xf32, #tpu.memory_space<hbm>>
      %dma_start3A_53 = arith.constant 0 : i32
      %dma_start3A_54 = tpu.memref_slice %arg6[%arg0, %add3A_38, %dma_start3A_53] : memref<2x10240x128xf32, #tpu.memory_space<hbm>> -> memref<1x80x128xf32, #tpu.memory_space<hbm>>
      %dma_start3A_55 = tpu.memref_squeeze %dma_start3A_54 : memref<1x80x128xf32, #tpu.memory_space<hbm>> -> memref<80x128xf32, #tpu.memory_space<hbm>>
      tpu.enqueue_dma source(%arg10 : memref<80x128xf32, #tpu.memory_space<vmem>>) target(%dma_start3A_55 : memref<80x128xf32, #tpu.memory_space<hbm>>) target_semaphore(%run_scoped3A : memref<!tpu.dma_semaphore, #tpu.memory_space<semaphore_mem>>)
      %dma_wait3A = arith.constant 0 : i32
      %dma_wait3A_56 = tpu.memref_slice %arg6[%arg0, %add3A_38, %dma_wait3A] : memref<2x10240x128xf32, #tpu.memory_space<hbm>> -> memref<1x80x128xf32, #tpu.memory_space<hbm>>
      %dma_wait3A_57 = tpu.memref_squeeze %dma_wait3A_56 : memref<1x80x128xf32, #tpu.memory_space<hbm>> -> memref<80x128xf32, #tpu.memory_space<hbm>>
      %dma_wait3A_58 = arith.constant 0 : i32
      %dma_wait3A_59 = tpu.memref_slice %arg6[%arg0, %add3A_38, %dma_wait3A_58] : memref<2x10240x128xf32, #tpu.memory_space<hbm>> -> memref<1x80x128xf32, #tpu.memory_space<hbm>>
      %dma_wait3A_60 = tpu.memref_squeeze %dma_wait3A_59 : memref<1x80x128xf32, #tpu.memory_space<hbm>> -> memref<80x128xf32, #tpu.memory_space<hbm>>
      tpu.wait_dma2 semaphore(%run_scoped3A : memref<!tpu.dma_semaphore, #tpu.memory_space<semaphore_mem>>) src(%arg10 : memref<80x128xf32, #tpu.memory_space<vmem>>) dst(%dma_wait3A_60 : memref<80x128xf32, #tpu.memory_space<hbm>>)
      tpu.yield
    }) : () -> ()
    %add3A_39 = arith.constant 160 : i32
    %add3A_40 = arith.addi %mul3A_10, %add3A_39 : i32
    "tpu.region"() ({
      %run_scoped3A = tpu.sem_alloc : memref<!tpu.dma_semaphore, #tpu.memory_space<semaphore_mem>>
      %dma_start3A = arith.constant 0 : i32
      %dma_start3A_51 = tpu.memref_slice %arg11[%add3A_40, %dma_start3A] : memref<10240x128xf32, #tpu.memory_space<vmem_shared>> -> memref<80x128xf32, #tpu.memory_space<vmem_shared>>
      %dma_start3A_52 = arith.constant 0 : i32
      %dma_start3A_53 = tpu.memref_slice %arg11[%add3A_40, %dma_start3A_52] : memref<10240x128xf32, #tpu.memory_space<vmem_shared>> -> memref<80x128xf32, #tpu.memory_space<vmem_shared>>
      tpu.enqueue_dma source(%dma_start3A_53 : memref<80x128xf32, #tpu.memory_space<vmem_shared>>) target(%arg10 : memref<80x128xf32, #tpu.memory_space<vmem>>) target_semaphore(%run_scoped3A : memref<!tpu.dma_semaphore, #tpu.memory_space<semaphore_mem>>)
      %dma_wait3A = arith.constant 0 : i32
      %dma_wait3A_54 = tpu.memref_slice %arg11[%add3A_40, %dma_wait3A] : memref<10240x128xf32, #tpu.memory_space<vmem_shared>> -> memref<80x128xf32, #tpu.memory_space<vmem_shared>>
      %dma_wait3A_55 = arith.constant 0 : i32
      %dma_wait3A_56 = tpu.memref_slice %arg11[%add3A_40, %dma_wait3A_55] : memref<10240x128xf32, #tpu.memory_space<vmem_shared>> -> memref<80x128xf32, #tpu.memory_space<vmem_shared>>
      tpu.wait_dma2 semaphore(%run_scoped3A : memref<!tpu.dma_semaphore, #tpu.memory_space<semaphore_mem>>) src(%dma_wait3A_56 : memref<80x128xf32, #tpu.memory_space<vmem_shared>>) dst(%arg10 : memref<80x128xf32, #tpu.memory_space<vmem>>)
      tpu.yield
    }) : () -> ()
    "tpu.region"() ({
      %run_scoped3A = tpu.sem_alloc : memref<!tpu.dma_semaphore, #tpu.memory_space<semaphore_mem>>
      %dma_start3A = arith.constant 0 : i32
      %dma_start3A_51 = tpu.memref_slice %arg6[%arg0, %add3A_40, %dma_start3A] : memref<2x10240x128xf32, #tpu.memory_space<hbm>> -> memref<1x80x128xf32, #tpu.memory_space<hbm>>
      %dma_start3A_52 = tpu.memref_squeeze %dma_start3A_51 : memref<1x80x128xf32, #tpu.memory_space<hbm>> -> memref<80x128xf32, #tpu.memory_space<hbm>>
      %dma_start3A_53 = arith.constant 0 : i32
      %dma_start3A_54 = tpu.memref_slice %arg6[%arg0, %add3A_40, %dma_start3A_53] : memref<2x10240x128xf32, #tpu.memory_space<hbm>> -> memref<1x80x128xf32, #tpu.memory_space<hbm>>
      %dma_start3A_55 = tpu.memref_squeeze %dma_start3A_54 : memref<1x80x128xf32, #tpu.memory_space<hbm>> -> memref<80x128xf32, #tpu.memory_space<hbm>>
      tpu.enqueue_dma source(%arg10 : memref<80x128xf32, #tpu.memory_space<vmem>>) target(%dma_start3A_55 : memref<80x128xf32, #tpu.memory_space<hbm>>) target_semaphore(%run_scoped3A : memref<!tpu.dma_semaphore, #tpu.memory_space<semaphore_mem>>)
      %dma_wait3A = arith.constant 0 : i32
      %dma_wait3A_56 = tpu.memref_slice %arg6[%arg0, %add3A_40, %dma_wait3A] : memref<2x10240x128xf32, #tpu.memory_space<hbm>> -> memref<1x80x128xf32, #tpu.memory_space<hbm>>
      %dma_wait3A_57 = tpu.memref_squeeze %dma_wait3A_56 : memref<1x80x128xf32, #tpu.memory_space<hbm>> -> memref<80x128xf32, #tpu.memory_space<hbm>>
      %dma_wait3A_58 = arith.constant 0 : i32
      %dma_wait3A_59 = tpu.memref_slice %arg6[%arg0, %add3A_40, %dma_wait3A_58] : memref<2x10240x128xf32, #tpu.memory_space<hbm>> -> memref<1x80x128xf32, #tpu.memory_space<hbm>>
      %dma_wait3A_60 = tpu.memref_squeeze %dma_wait3A_59 : memref<1x80x128xf32, #tpu.memory_space<hbm>> -> memref<80x128xf32, #tpu.memory_space<hbm>>
      tpu.wait_dma2 semaphore(%run_scoped3A : memref<!tpu.dma_semaphore, #tpu.memory_space<semaphore_mem>>) src(%arg10 : memref<80x128xf32, #tpu.memory_space<vmem>>) dst(%dma_wait3A_60 : memref<80x128xf32, #tpu.memory_space<hbm>>)
      tpu.yield
    }) : () -> ()
    %add3A_41 = arith.constant 240 : i32
    %add3A_42 = arith.addi %mul3A_10, %add3A_41 : i32
    "tpu.region"() ({
      %run_scoped3A = tpu.sem_alloc : memref<!tpu.dma_semaphore, #tpu.memory_space<semaphore_mem>>
      %dma_start3A = arith.constant 0 : i32
      %dma_start3A_51 = tpu.memref_slice %arg11[%add3A_42, %dma_start3A] : memref<10240x128xf32, #tpu.memory_space<vmem_shared>> -> memref<80x128xf32, #tpu.memory_space<vmem_shared>>
      %dma_start3A_52 = arith.constant 0 : i32
      %dma_start3A_53 = tpu.memref_slice %arg11[%add3A_42, %dma_start3A_52] : memref<10240x128xf32, #tpu.memory_space<vmem_shared>> -> memref<80x128xf32, #tpu.memory_space<vmem_shared>>
      tpu.enqueue_dma source(%dma_start3A_53 : memref<80x128xf32, #tpu.memory_space<vmem_shared>>) target(%arg10 : memref<80x128xf32, #tpu.memory_space<vmem>>) target_semaphore(%run_scoped3A : memref<!tpu.dma_semaphore, #tpu.memory_space<semaphore_mem>>)
      %dma_wait3A = arith.constant 0 : i32
      %dma_wait3A_54 = tpu.memref_slice %arg11[%add3A_42, %dma_wait3A] : memref<10240x128xf32, #tpu.memory_space<vmem_shared>> -> memref<80x128xf32, #tpu.memory_space<vmem_shared>>
      %dma_wait3A_55 = arith.constant 0 : i32
      %dma_wait3A_56 = tpu.memref_slice %arg11[%add3A_42, %dma_wait3A_55] : memref<10240x128xf32, #tpu.memory_space<vmem_shared>> -> memref<80x128xf32, #tpu.memory_space<vmem_shared>>
      tpu.wait_dma2 semaphore(%run_scoped3A : memref<!tpu.dma_semaphore, #tpu.memory_space<semaphore_mem>>) src(%dma_wait3A_56 : memref<80x128xf32, #tpu.memory_space<vmem_shared>>) dst(%arg10 : memref<80x128xf32, #tpu.memory_space<vmem>>)
      tpu.yield
    }) : () -> ()
    "tpu.region"() ({
      %run_scoped3A = tpu.sem_alloc : memref<!tpu.dma_semaphore, #tpu.memory_space<semaphore_mem>>
      %dma_start3A = arith.constant 0 : i32
      %dma_start3A_51 = tpu.memref_slice %arg6[%arg0, %add3A_42, %dma_start3A] : memref<2x10240x128xf32, #tpu.memory_space<hbm>> -> memref<1x80x128xf32, #tpu.memory_space<hbm>>
      %dma_start3A_52 = tpu.memref_squeeze %dma_start3A_51 : memref<1x80x128xf32, #tpu.memory_space<hbm>> -> memref<80x128xf32, #tpu.memory_space<hbm>>
      %dma_start3A_53 = arith.constant 0 : i32
      %dma_start3A_54 = tpu.memref_slice %arg6[%arg0, %add3A_42, %dma_start3A_53] : memref<2x10240x128xf32, #tpu.memory_space<hbm>> -> memref<1x80x128xf32, #tpu.memory_space<hbm>>
      %dma_start3A_55 = tpu.memref_squeeze %dma_start3A_54 : memref<1x80x128xf32, #tpu.memory_space<hbm>> -> memref<80x128xf32, #tpu.memory_space<hbm>>
      tpu.enqueue_dma source(%arg10 : memref<80x128xf32, #tpu.memory_space<vmem>>) target(%dma_start3A_55 : memref<80x128xf32, #tpu.memory_space<hbm>>) target_semaphore(%run_scoped3A : memref<!tpu.dma_semaphore, #tpu.memory_space<semaphore_mem>>)
      %dma_wait3A = arith.constant 0 : i32
      %dma_wait3A_56 = tpu.memref_slice %arg6[%arg0, %add3A_42, %dma_wait3A] : memref<2x10240x128xf32, #tpu.memory_space<hbm>> -> memref<1x80x128xf32, #tpu.memory_space<hbm>>
      %dma_wait3A_57 = tpu.memref_squeeze %dma_wait3A_56 : memref<1x80x128xf32, #tpu.memory_space<hbm>> -> memref<80x128xf32, #tpu.memory_space<hbm>>
      %dma_wait3A_58 = arith.constant 0 : i32
      %dma_wait3A_59 = tpu.memref_slice %arg6[%arg0, %add3A_42, %dma_wait3A_58] : memref<2x10240x128xf32, #tpu.memory_space<hbm>> -> memref<1x80x128xf32, #tpu.memory_space<hbm>>
      %dma_wait3A_60 = tpu.memref_squeeze %dma_wait3A_59 : memref<1x80x128xf32, #tpu.memory_space<hbm>> -> memref<80x128xf32, #tpu.memory_space<hbm>>
      tpu.wait_dma2 semaphore(%run_scoped3A : memref<!tpu.dma_semaphore, #tpu.memory_space<semaphore_mem>>) src(%arg10 : memref<80x128xf32, #tpu.memory_space<vmem>>) dst(%dma_wait3A_60 : memref<80x128xf32, #tpu.memory_space<hbm>>)
      tpu.yield
    }) : () -> ()
    %add3A_43 = arith.constant 320 : i32
    %add3A_44 = arith.addi %mul3A_10, %add3A_43 : i32
    "tpu.region"() ({
      %run_scoped3A = tpu.sem_alloc : memref<!tpu.dma_semaphore, #tpu.memory_space<semaphore_mem>>
      %dma_start3A = arith.constant 0 : i32
      %dma_start3A_51 = tpu.memref_slice %arg11[%add3A_44, %dma_start3A] : memref<10240x128xf32, #tpu.memory_space<vmem_shared>> -> memref<80x128xf32, #tpu.memory_space<vmem_shared>>
      %dma_start3A_52 = arith.constant 0 : i32
      %dma_start3A_53 = tpu.memref_slice %arg11[%add3A_44, %dma_start3A_52] : memref<10240x128xf32, #tpu.memory_space<vmem_shared>> -> memref<80x128xf32, #tpu.memory_space<vmem_shared>>
      tpu.enqueue_dma source(%dma_start3A_53 : memref<80x128xf32, #tpu.memory_space<vmem_shared>>) target(%arg10 : memref<80x128xf32, #tpu.memory_space<vmem>>) target_semaphore(%run_scoped3A : memref<!tpu.dma_semaphore, #tpu.memory_space<semaphore_mem>>)
      %dma_wait3A = arith.constant 0 : i32
      %dma_wait3A_54 = tpu.memref_slice %arg11[%add3A_44, %dma_wait3A] : memref<10240x128xf32, #tpu.memory_space<vmem_shared>> -> memref<80x128xf32, #tpu.memory_space<vmem_shared>>
      %dma_wait3A_55 = arith.constant 0 : i32
      %dma_wait3A_56 = tpu.memref_slice %arg11[%add3A_44, %dma_wait3A_55] : memref<10240x128xf32, #tpu.memory_space<vmem_shared>> -> memref<80x128xf32, #tpu.memory_space<vmem_shared>>
      tpu.wait_dma2 semaphore(%run_scoped3A : memref<!tpu.dma_semaphore, #tpu.memory_space<semaphore_mem>>) src(%dma_wait3A_56 : memref<80x128xf32, #tpu.memory_space<vmem_shared>>) dst(%arg10 : memref<80x128xf32, #tpu.memory_space<vmem>>)
      tpu.yield
    }) : () -> ()
    "tpu.region"() ({
      %run_scoped3A = tpu.sem_alloc : memref<!tpu.dma_semaphore, #tpu.memory_space<semaphore_mem>>
      %dma_start3A = arith.constant 0 : i32
      %dma_start3A_51 = tpu.memref_slice %arg6[%arg0, %add3A_44, %dma_start3A] : memref<2x10240x128xf32, #tpu.memory_space<hbm>> -> memref<1x80x128xf32, #tpu.memory_space<hbm>>
      %dma_start3A_52 = tpu.memref_squeeze %dma_start3A_51 : memref<1x80x128xf32, #tpu.memory_space<hbm>> -> memref<80x128xf32, #tpu.memory_space<hbm>>
      %dma_start3A_53 = arith.constant 0 : i32
      %dma_start3A_54 = tpu.memref_slice %arg6[%arg0, %add3A_44, %dma_start3A_53] : memref<2x10240x128xf32, #tpu.memory_space<hbm>> -> memref<1x80x128xf32, #tpu.memory_space<hbm>>
      %dma_start3A_55 = tpu.memref_squeeze %dma_start3A_54 : memref<1x80x128xf32, #tpu.memory_space<hbm>> -> memref<80x128xf32, #tpu.memory_space<hbm>>
      tpu.enqueue_dma source(%arg10 : memref<80x128xf32, #tpu.memory_space<vmem>>) target(%dma_start3A_55 : memref<80x128xf32, #tpu.memory_space<hbm>>) target_semaphore(%run_scoped3A : memref<!tpu.dma_semaphore, #tpu.memory_space<semaphore_mem>>)
      %dma_wait3A = arith.constant 0 : i32
      %dma_wait3A_56 = tpu.memref_slice %arg6[%arg0, %add3A_44, %dma_wait3A] : memref<2x10240x128xf32, #tpu.memory_space<hbm>> -> memref<1x80x128xf32, #tpu.memory_space<hbm>>
      %dma_wait3A_57 = tpu.memref_squeeze %dma_wait3A_56 : memref<1x80x128xf32, #tpu.memory_space<hbm>> -> memref<80x128xf32, #tpu.memory_space<hbm>>
      %dma_wait3A_58 = arith.constant 0 : i32
      %dma_wait3A_59 = tpu.memref_slice %arg6[%arg0, %add3A_44, %dma_wait3A_58] : memref<2x10240x128xf32, #tpu.memory_space<hbm>> -> memref<1x80x128xf32, #tpu.memory_space<hbm>>
      %dma_wait3A_60 = tpu.memref_squeeze %dma_wait3A_59 : memref<1x80x128xf32, #tpu.memory_space<hbm>> -> memref<80x128xf32, #tpu.memory_space<hbm>>
      tpu.wait_dma2 semaphore(%run_scoped3A : memref<!tpu.dma_semaphore, #tpu.memory_space<semaphore_mem>>) src(%arg10 : memref<80x128xf32, #tpu.memory_space<vmem>>) dst(%dma_wait3A_60 : memref<80x128xf32, #tpu.memory_space<hbm>>)
      tpu.yield
    }) : () -> ()
    %add3A_45 = arith.constant 400 : i32
    %add3A_46 = arith.addi %mul3A_10, %add3A_45 : i32
    "tpu.region"() ({
      %run_scoped3A = tpu.sem_alloc : memref<!tpu.dma_semaphore, #tpu.memory_space<semaphore_mem>>
      %dma_start3A = arith.constant 0 : i32
      %dma_start3A_51 = tpu.memref_slice %arg11[%add3A_46, %dma_start3A] : memref<10240x128xf32, #tpu.memory_space<vmem_shared>> -> memref<80x128xf32, #tpu.memory_space<vmem_shared>>
      %dma_start3A_52 = arith.constant 0 : i32
      %dma_start3A_53 = tpu.memref_slice %arg11[%add3A_46, %dma_start3A_52] : memref<10240x128xf32, #tpu.memory_space<vmem_shared>> -> memref<80x128xf32, #tpu.memory_space<vmem_shared>>
      tpu.enqueue_dma source(%dma_start3A_53 : memref<80x128xf32, #tpu.memory_space<vmem_shared>>) target(%arg10 : memref<80x128xf32, #tpu.memory_space<vmem>>) target_semaphore(%run_scoped3A : memref<!tpu.dma_semaphore, #tpu.memory_space<semaphore_mem>>)
      %dma_wait3A = arith.constant 0 : i32
      %dma_wait3A_54 = tpu.memref_slice %arg11[%add3A_46, %dma_wait3A] : memref<10240x128xf32, #tpu.memory_space<vmem_shared>> -> memref<80x128xf32, #tpu.memory_space<vmem_shared>>
      %dma_wait3A_55 = arith.constant 0 : i32
      %dma_wait3A_56 = tpu.memref_slice %arg11[%add3A_46, %dma_wait3A_55] : memref<10240x128xf32, #tpu.memory_space<vmem_shared>> -> memref<80x128xf32, #tpu.memory_space<vmem_shared>>
      tpu.wait_dma2 semaphore(%run_scoped3A : memref<!tpu.dma_semaphore, #tpu.memory_space<semaphore_mem>>) src(%dma_wait3A_56 : memref<80x128xf32, #tpu.memory_space<vmem_shared>>) dst(%arg10 : memref<80x128xf32, #tpu.memory_space<vmem>>)
      tpu.yield
    }) : () -> ()
    "tpu.region"() ({
      %run_scoped3A = tpu.sem_alloc : memref<!tpu.dma_semaphore, #tpu.memory_space<semaphore_mem>>
      %dma_start3A = arith.constant 0 : i32
      %dma_start3A_51 = tpu.memref_slice %arg6[%arg0, %add3A_46, %dma_start3A] : memref<2x10240x128xf32, #tpu.memory_space<hbm>> -> memref<1x80x128xf32, #tpu.memory_space<hbm>>
      %dma_start3A_52 = tpu.memref_squeeze %dma_start3A_51 : memref<1x80x128xf32, #tpu.memory_space<hbm>> -> memref<80x128xf32, #tpu.memory_space<hbm>>
      %dma_start3A_53 = arith.constant 0 : i32
      %dma_start3A_54 = tpu.memref_slice %arg6[%arg0, %add3A_46, %dma_start3A_53] : memref<2x10240x128xf32, #tpu.memory_space<hbm>> -> memref<1x80x128xf32, #tpu.memory_space<hbm>>
      %dma_start3A_55 = tpu.memref_squeeze %dma_start3A_54 : memref<1x80x128xf32, #tpu.memory_space<hbm>> -> memref<80x128xf32, #tpu.memory_space<hbm>>
      tpu.enqueue_dma source(%arg10 : memref<80x128xf32, #tpu.memory_space<vmem>>) target(%dma_start3A_55 : memref<80x128xf32, #tpu.memory_space<hbm>>) target_semaphore(%run_scoped3A : memref<!tpu.dma_semaphore, #tpu.memory_space<semaphore_mem>>)
      %dma_wait3A = arith.constant 0 : i32
      %dma_wait3A_56 = tpu.memref_slice %arg6[%arg0, %add3A_46, %dma_wait3A] : memref<2x10240x128xf32, #tpu.memory_space<hbm>> -> memref<1x80x128xf32, #tpu.memory_space<hbm>>
      %dma_wait3A_57 = tpu.memref_squeeze %dma_wait3A_56 : memref<1x80x128xf32, #tpu.memory_space<hbm>> -> memref<80x128xf32, #tpu.memory_space<hbm>>
      %dma_wait3A_58 = arith.constant 0 : i32
      %dma_wait3A_59 = tpu.memref_slice %arg6[%arg0, %add3A_46, %dma_wait3A_58] : memref<2x10240x128xf32, #tpu.memory_space<hbm>> -> memref<1x80x128xf32, #tpu.memory_space<hbm>>
      %dma_wait3A_60 = tpu.memref_squeeze %dma_wait3A_59 : memref<1x80x128xf32, #tpu.memory_space<hbm>> -> memref<80x128xf32, #tpu.memory_space<hbm>>
      tpu.wait_dma2 semaphore(%run_scoped3A : memref<!tpu.dma_semaphore, #tpu.memory_space<semaphore_mem>>) src(%arg10 : memref<80x128xf32, #tpu.memory_space<vmem>>) dst(%dma_wait3A_60 : memref<80x128xf32, #tpu.memory_space<hbm>>)
      tpu.yield
    }) : () -> ()
    %add3A_47 = arith.constant 480 : i32
    %add3A_48 = arith.addi %mul3A_10, %add3A_47 : i32
    "tpu.region"() ({
      %run_scoped3A = tpu.sem_alloc : memref<!tpu.dma_semaphore, #tpu.memory_space<semaphore_mem>>
      %dma_start3A = arith.constant 0 : i32
      %dma_start3A_51 = tpu.memref_slice %arg11[%add3A_48, %dma_start3A] : memref<10240x128xf32, #tpu.memory_space<vmem_shared>> -> memref<80x128xf32, #tpu.memory_space<vmem_shared>>
      %dma_start3A_52 = arith.constant 0 : i32
      %dma_start3A_53 = tpu.memref_slice %arg11[%add3A_48, %dma_start3A_52] : memref<10240x128xf32, #tpu.memory_space<vmem_shared>> -> memref<80x128xf32, #tpu.memory_space<vmem_shared>>
      tpu.enqueue_dma source(%dma_start3A_53 : memref<80x128xf32, #tpu.memory_space<vmem_shared>>) target(%arg10 : memref<80x128xf32, #tpu.memory_space<vmem>>) target_semaphore(%run_scoped3A : memref<!tpu.dma_semaphore, #tpu.memory_space<semaphore_mem>>)
      %dma_wait3A = arith.constant 0 : i32
      %dma_wait3A_54 = tpu.memref_slice %arg11[%add3A_48, %dma_wait3A] : memref<10240x128xf32, #tpu.memory_space<vmem_shared>> -> memref<80x128xf32, #tpu.memory_space<vmem_shared>>
      %dma_wait3A_55 = arith.constant 0 : i32
      %dma_wait3A_56 = tpu.memref_slice %arg11[%add3A_48, %dma_wait3A_55] : memref<10240x128xf32, #tpu.memory_space<vmem_shared>> -> memref<80x128xf32, #tpu.memory_space<vmem_shared>>
      tpu.wait_dma2 semaphore(%run_scoped3A : memref<!tpu.dma_semaphore, #tpu.memory_space<semaphore_mem>>) src(%dma_wait3A_56 : memref<80x128xf32, #tpu.memory_space<vmem_shared>>) dst(%arg10 : memref<80x128xf32, #tpu.memory_space<vmem>>)
      tpu.yield
    }) : () -> ()
    "tpu.region"() ({
      %run_scoped3A = tpu.sem_alloc : memref<!tpu.dma_semaphore, #tpu.memory_space<semaphore_mem>>
      %dma_start3A = arith.constant 0 : i32
      %dma_start3A_51 = tpu.memref_slice %arg6[%arg0, %add3A_48, %dma_start3A] : memref<2x10240x128xf32, #tpu.memory_space<hbm>> -> memref<1x80x128xf32, #tpu.memory_space<hbm>>
      %dma_start3A_52 = tpu.memref_squeeze %dma_start3A_51 : memref<1x80x128xf32, #tpu.memory_space<hbm>> -> memref<80x128xf32, #tpu.memory_space<hbm>>
      %dma_start3A_53 = arith.constant 0 : i32
      %dma_start3A_54 = tpu.memref_slice %arg6[%arg0, %add3A_48, %dma_start3A_53] : memref<2x10240x128xf32, #tpu.memory_space<hbm>> -> memref<1x80x128xf32, #tpu.memory_space<hbm>>
      %dma_start3A_55 = tpu.memref_squeeze %dma_start3A_54 : memref<1x80x128xf32, #tpu.memory_space<hbm>> -> memref<80x128xf32, #tpu.memory_space<hbm>>
      tpu.enqueue_dma source(%arg10 : memref<80x128xf32, #tpu.memory_space<vmem>>) target(%dma_start3A_55 : memref<80x128xf32, #tpu.memory_space<hbm>>) target_semaphore(%run_scoped3A : memref<!tpu.dma_semaphore, #tpu.memory_space<semaphore_mem>>)
      %dma_wait3A = arith.constant 0 : i32
      %dma_wait3A_56 = tpu.memref_slice %arg6[%arg0, %add3A_48, %dma_wait3A] : memref<2x10240x128xf32, #tpu.memory_space<hbm>> -> memref<1x80x128xf32, #tpu.memory_space<hbm>>
      %dma_wait3A_57 = tpu.memref_squeeze %dma_wait3A_56 : memref<1x80x128xf32, #tpu.memory_space<hbm>> -> memref<80x128xf32, #tpu.memory_space<hbm>>
      %dma_wait3A_58 = arith.constant 0 : i32
      %dma_wait3A_59 = tpu.memref_slice %arg6[%arg0, %add3A_48, %dma_wait3A_58] : memref<2x10240x128xf32, #tpu.memory_space<hbm>> -> memref<1x80x128xf32, #tpu.memory_space<hbm>>
      %dma_wait3A_60 = tpu.memref_squeeze %dma_wait3A_59 : memref<1x80x128xf32, #tpu.memory_space<hbm>> -> memref<80x128xf32, #tpu.memory_space<hbm>>
      tpu.wait_dma2 semaphore(%run_scoped3A : memref<!tpu.dma_semaphore, #tpu.memory_space<semaphore_mem>>) src(%arg10 : memref<80x128xf32, #tpu.memory_space<vmem>>) dst(%dma_wait3A_60 : memref<80x128xf32, #tpu.memory_space<hbm>>)
      tpu.yield
    }) : () -> ()
    %add3A_49 = arith.constant 560 : i32
    %add3A_50 = arith.addi %mul3A_10, %add3A_49 : i32
    "tpu.region"() ({
      %run_scoped3A = tpu.sem_alloc : memref<!tpu.dma_semaphore, #tpu.memory_space<semaphore_mem>>
      %dma_start3A = arith.constant 0 : i32
      %dma_start3A_51 = tpu.memref_slice %arg11[%add3A_50, %dma_start3A] : memref<10240x128xf32, #tpu.memory_space<vmem_shared>> -> memref<80x128xf32, #tpu.memory_space<vmem_shared>>
      %dma_start3A_52 = arith.constant 0 : i32
      %dma_start3A_53 = tpu.memref_slice %arg11[%add3A_50, %dma_start3A_52] : memref<10240x128xf32, #tpu.memory_space<vmem_shared>> -> memref<80x128xf32, #tpu.memory_space<vmem_shared>>
      tpu.enqueue_dma source(%dma_start3A_53 : memref<80x128xf32, #tpu.memory_space<vmem_shared>>) target(%arg10 : memref<80x128xf32, #tpu.memory_space<vmem>>) target_semaphore(%run_scoped3A : memref<!tpu.dma_semaphore, #tpu.memory_space<semaphore_mem>>)
      %dma_wait3A = arith.constant 0 : i32
      %dma_wait3A_54 = tpu.memref_slice %arg11[%add3A_50, %dma_wait3A] : memref<10240x128xf32, #tpu.memory_space<vmem_shared>> -> memref<80x128xf32, #tpu.memory_space<vmem_shared>>
      %dma_wait3A_55 = arith.constant 0 : i32
      %dma_wait3A_56 = tpu.memref_slice %arg11[%add3A_50, %dma_wait3A_55] : memref<10240x128xf32, #tpu.memory_space<vmem_shared>> -> memref<80x128xf32, #tpu.memory_space<vmem_shared>>
      tpu.wait_dma2 semaphore(%run_scoped3A : memref<!tpu.dma_semaphore, #tpu.memory_space<semaphore_mem>>) src(%dma_wait3A_56 : memref<80x128xf32, #tpu.memory_space<vmem_shared>>) dst(%arg10 : memref<80x128xf32, #tpu.memory_space<vmem>>)
      tpu.yield
    }) : () -> ()
    "tpu.region"() ({
      %run_scoped3A = tpu.sem_alloc : memref<!tpu.dma_semaphore, #tpu.memory_space<semaphore_mem>>
      %dma_start3A = arith.constant 0 : i32
      %dma_start3A_51 = tpu.memref_slice %arg6[%arg0, %add3A_50, %dma_start3A] : memref<2x10240x128xf32, #tpu.memory_space<hbm>> -> memref<1x80x128xf32, #tpu.memory_space<hbm>>
      %dma_start3A_52 = tpu.memref_squeeze %dma_start3A_51 : memref<1x80x128xf32, #tpu.memory_space<hbm>> -> memref<80x128xf32, #tpu.memory_space<hbm>>
      %dma_start3A_53 = arith.constant 0 : i32
      %dma_start3A_54 = tpu.memref_slice %arg6[%arg0, %add3A_50, %dma_start3A_53] : memref<2x10240x128xf32, #tpu.memory_space<hbm>> -> memref<1x80x128xf32, #tpu.memory_space<hbm>>
      %dma_start3A_55 = tpu.memref_squeeze %dma_start3A_54 : memref<1x80x128xf32, #tpu.memory_space<hbm>> -> memref<80x128xf32, #tpu.memory_space<hbm>>
      tpu.enqueue_dma source(%arg10 : memref<80x128xf32, #tpu.memory_space<vmem>>) target(%dma_start3A_55 : memref<80x128xf32, #tpu.memory_space<hbm>>) target_semaphore(%run_scoped3A : memref<!tpu.dma_semaphore, #tpu.memory_space<semaphore_mem>>)
      %dma_wait3A = arith.constant 0 : i32
      %dma_wait3A_56 = tpu.memref_slice %arg6[%arg0, %add3A_50, %dma_wait3A] : memref<2x10240x128xf32, #tpu.memory_space<hbm>> -> memref<1x80x128xf32, #tpu.memory_space<hbm>>
      %dma_wait3A_57 = tpu.memref_squeeze %dma_wait3A_56 : memref<1x80x128xf32, #tpu.memory_space<hbm>> -> memref<80x128xf32, #tpu.memory_space<hbm>>
      %dma_wait3A_58 = arith.constant 0 : i32
      %dma_wait3A_59 = tpu.memref_slice %arg6[%arg0, %add3A_50, %dma_wait3A_58] : memref<2x10240x128xf32, #tpu.memory_space<hbm>> -> memref<1x80x128xf32, #tpu.memory_space<hbm>>
      %dma_wait3A_60 = tpu.memref_squeeze %dma_wait3A_59 : memref<1x80x128xf32, #tpu.memory_space<hbm>> -> memref<80x128xf32, #tpu.memory_space<hbm>>
      tpu.wait_dma2 semaphore(%run_scoped3A : memref<!tpu.dma_semaphore, #tpu.memory_space<semaphore_mem>>) src(%arg10 : memref<80x128xf32, #tpu.memory_space<vmem>>) dst(%dma_wait3A_60 : memref<80x128xf32, #tpu.memory_space<hbm>>)
      tpu.yield
    }) : () -> ()
    return
  }
}

module attributes {stable_mosaic.version = 14 : i64} {
  func.func @_mm_body(%arg0: i32, %arg1: memref<1280x128xf32, #tpu.memory_space<vmem>>, %arg2: memref<128x256xf32, #tpu.memory_space<vmem>>, %arg3: memref<1280x256xf32, #tpu.memory_space<vmem>>) attributes {dimension_semantics = [#tpu.dimension_semantics<arbitrary>], iteration_bounds = array<i64: 8>, scalar_prefetch = 0 : i64, scratch_operands = 0 : i64, tpu.core_type = #tpu.core_type<tc>, window_params = [{transform_indices = @transform_0, window_bounds = array<i64: 1280, 128>}, {pipeline_mode = #tpu.pipeline_mode<synchronous>, transform_indices = @transform_1, window_bounds = array<i64: 128, 256>}, {transform_indices = @transform_2, window_bounds = array<i64: 1280, 256>}]} {
    %get3A = arith.constant 0 : index
    %get3A_0 = arith.constant 0 : index
    %get3A_1 = vector.load %arg1[%get3A, %get3A_0] : memref<1280x128xf32, #tpu.memory_space<vmem>>, vector<1280x128xf32>
    %get3A_2 = arith.constant 0 : index
    %get3A_3 = arith.constant 0 : index
    %get3A_4 = vector.load %arg2[%get3A_2, %get3A_3] : memref<128x256xf32, #tpu.memory_space<vmem>>, vector<128x256xf32>
    %dot_general3A = arith.constant dense<0.000000e+00> : vector<1280x256xf32>
    %dot_general3A_5 = tpu.matmul %get3A_1, %get3A_4, %dot_general3A {dimension_numbers = #tpu.dot_dimension_numbers<[1], [0], [0], [1], [0, 0, 1, 1], [], []>, transpose_lhs_hint = false} : vector<1280x128xf32>, vector<128x256xf32>, vector<1280x256xf32> -> vector<1280x256xf32>
    %swap3A = arith.constant 0 : index
    %swap3A_6 = arith.constant 0 : index
    %swap3A_7 = vector.load %arg3[%swap3A, %swap3A_6] : memref<1280x256xf32, #tpu.memory_space<vmem>>, vector<1280x256xf32>
    tpu.vector_store %arg3[%swap3A, %swap3A_6], %dot_general3A_5 {strides = array<i32>} : memref<1280x256xf32, #tpu.memory_space<vmem>>, vector<1280x256xf32>,
    return
  }
  func.func @transform_0(%arg0: i32) -> (i32, i32) {
    %c0_i32 = arith.constant 0 : i32
    %c0_i32_0 = arith.constant 0 : i32
    return %arg0, %c0_i32 : i32, i32
  }
  func.func @transform_1(%arg0: i32) -> (i32, i32) {
    %c0_i32 = arith.constant 0 : i32
    %c0_i32_0 = arith.constant 0 : i32
    %c0_i32_1 = arith.constant 0 : i32
    return %c0_i32, %c0_i32_0 : i32, i32
  }
  func.func @transform_2(%arg0: i32) -> (i32, i32) {
    %c0_i32 = arith.constant 0 : i32
    %c0_i32_0 = arith.constant 0 : i32
    return %arg0, %c0_i32 : i32, i32
  }
}

module attributes {stable_mosaic.version = 14 : i64} {
  func.func @_y_body(%arg0: i32, %arg1: memref<32x1280xf32, #tpu.memory_space<vmem>>, %arg2: memref<1280x256xf32, #tpu.memory_space<vmem>>, %arg3: memref<1280x128xf32, #tpu.memory_space<vmem>>) attributes {dimension_semantics = [#tpu.dimension_semantics<arbitrary>], iteration_bounds = array<i64: 8>, scalar_prefetch = 0 : i64, scratch_operands = 0 : i64, tpu.core_type = #tpu.core_type<tc>, window_params = [{transform_indices = @transform_0, window_bounds = array<i64: 32, 1280>}, {transform_indices = @transform_1, window_bounds = array<i64: 1280, 256>}, {transform_indices = @transform_2, window_bounds = array<i64: 1280, 128>}]} {
    %get3A = arith.constant 0 : index
    %get3A_0 = arith.constant 0 : index
    %get3A_1 = vector.load %arg1[%get3A, %get3A_0] : memref<32x1280xf32, #tpu.memory_space<vmem>>, vector<32x1280xf32>
    %reduce_sum3A = arith.constant dense<0.000000e+00> : vector<1280xf32>
    %reduce_sum3A_2 = vector.multi_reduction <add>, %get3A_1, %reduce_sum3A [0] : vector<32x1280xf32> to vector<1280xf32>
    %add3A = arith.constant 1.000000e+00 : f32
    %add3A_3 = vector.broadcast %add3A : f32 to vector<1280xf32>
    %add3A_4 = arith.addf %add3A_3, %reduce_sum3A_2 : vector<1280xf32>
    %rsqrt3A = math.rsqrt %add3A_4 : vector<1280xf32>
    %get3A_5 = arith.constant 0 : index
    %get3A_6 = arith.constant 0 : index
    %get3A_7 = vector.load %arg2[%get3A_5, %get3A_6] : memref<1280x256xf32, #tpu.memory_space<vmem>>, vector<1280x128xf32>
    %broadcast_in_dim3A = vector.shape_cast %rsqrt3A : vector<1280xf32> to vector<1280x1xf32>
    %mul3A = vector.broadcast %broadcast_in_dim3A : vector<1280x1xf32> to vector<1280x128xf32>
    %mul3A_8 = arith.mulf %get3A_7, %mul3A : vector<1280x128xf32>
    %swap3A = arith.constant 0 : index
    %swap3A_9 = arith.constant 0 : index
    %swap3A_10 = vector.load %arg3[%swap3A, %swap3A_9] : memref<1280x128xf32, #tpu.memory_space<vmem>>, vector<1280x128xf32>
    tpu.vector_store %arg3[%swap3A, %swap3A_9], %mul3A_8 {strides = array<i32>} : memref<1280x128xf32, #tpu.memory_space<vmem>>, vector<1280x128xf32>,
    return
  }
  func.func @transform_0(%arg0: i32) -> (i32, i32) {
    %c0_i32 = arith.constant 0 : i32
    %c0_i32_0 = arith.constant 0 : i32
    return %c0_i32, %arg0 : i32, i32
  }
  func.func @transform_1(%arg0: i32) -> (i32, i32) {
    %c0_i32 = arith.constant 0 : i32
    %c0_i32_0 = arith.constant 0 : i32
    return %arg0, %c0_i32 : i32, i32
  }
  func.func @transform_2(%arg0: i32) -> (i32, i32) {
    %c0_i32 = arith.constant 0 : i32
    %c0_i32_0 = arith.constant 0 : i32
    return %arg0, %c0_i32 : i32, i32
  }
}

module attributes {stable_mosaic.version = 14 : i64} {
  func.func @_out_body(%arg0: i32, %arg1: memref<32x1280xf32, #tpu.memory_space<vmem>>, %arg2: memref<2x1280x128xf32, #tpu.memory_space<vmem>>, %arg3: memref<1280x256xf32, #tpu.memory_space<vmem>>, %arg4: memref<8x128xf32, #tpu.memory_space<vmem>>, %arg5: memref<1280x128xf32, #tpu.memory_space<vmem>>) attributes {dimension_semantics = [#tpu.dimension_semantics<arbitrary>], iteration_bounds = array<i64: 8>, scalar_prefetch = 0 : i64, scratch_operands = 0 : i64, tpu.core_type = #tpu.core_type<tc>, window_params = [{transform_indices = @transform_0, window_bounds = array<i64: 32, 1280>}, {transform_indices = @transform_1, window_bounds = array<i64: 2, 1280, 128>}, {transform_indices = @transform_2, window_bounds = array<i64: 1280, 256>}, {pipeline_mode = #tpu.pipeline_mode<synchronous>, transform_indices = @transform_3, window_bounds = array<i64: 8, 128>}, {transform_indices = @transform_4, window_bounds = array<i64: 1280, 128>}]} {
    %get3A = arith.constant 0 : index
    %get3A_0 = arith.constant 0 : index
    %get3A_1 = vector.load %arg1[%get3A, %get3A_0] : memref<32x1280xf32, #tpu.memory_space<vmem>>, vector<32x1280xf32>
    %reduce_sum3A = arith.constant dense<0.000000e+00> : vector<1280xf32>
    %reduce_sum3A_2 = vector.multi_reduction <add>, %get3A_1, %reduce_sum3A [0] : vector<32x1280xf32> to vector<1280xf32>
    %add3A = arith.constant 1.000000e+00 : f32
    %add3A_3 = vector.broadcast %add3A : f32 to vector<1280xf32>
    %add3A_4 = arith.addf %add3A_3, %reduce_sum3A_2 : vector<1280xf32>
    %rsqrt3A = math.rsqrt %add3A_4 : vector<1280xf32>
    %broadcast_in_dim3A = vector.shape_cast %rsqrt3A : vector<1280xf32> to vector<1280x1xf32>
    %get3A_5 = arith.constant 0 : index
    %get3A_6 = arith.constant 0 : index
    %get3A_7 = arith.constant 0 : index
    %get3A_8 = vector.load %arg2[%get3A_5, %get3A_6, %get3A_7] : memref<2x1280x128xf32, #tpu.memory_space<vmem>>, vector<1x1280x128xf32>
    %get3A_9 = vector.shape_cast %get3A_8 : vector<1x1280x128xf32> to vector<1280x128xf32>
    %get3A_10 = arith.constant 1 : index
    %get3A_11 = arith.constant 0 : index
    %get3A_12 = arith.constant 0 : index
    %get3A_13 = vector.load %arg2[%get3A_10, %get3A_11, %get3A_12] : memref<2x1280x128xf32, #tpu.memory_space<vmem>>, vector<1x1280x128xf32>
    %get3A_14 = vector.shape_cast %get3A_13 : vector<1x1280x128xf32> to vector<1280x128xf32>
    %add3A_15 = arith.addf %get3A_9, %get3A_14 : vector<1280x128xf32>
    %get3A_16 = arith.constant 0 : index
    %get3A_17 = arith.constant 0 : index
    %get3A_18 = vector.load %arg3[%get3A_16, %get3A_17] : memref<1280x256xf32, #tpu.memory_space<vmem>>, vector<1280x128xf32>
    %mul3A = vector.broadcast %broadcast_in_dim3A : vector<1280x1xf32> to vector<1280x128xf32>
    %mul3A_19 = arith.mulf %mul3A, %get3A_18 : vector<1280x128xf32>
    %add3A_20 = arith.addf %add3A_15, %mul3A_19 : vector<1280x128xf32>
    %mul3A_21 = vector.broadcast %broadcast_in_dim3A : vector<1280x1xf32> to vector<1280x128xf32>
    %mul3A_22 = arith.mulf %mul3A_21, %add3A_20 : vector<1280x128xf32>
    %get3A_23 = arith.constant 0 : index
    %get3A_24 = arith.constant 0 : index
    %get3A_25 = vector.load %arg4[%get3A_23, %get3A_24] : memref<8x128xf32, #tpu.memory_space<vmem>>, vector<1x128xf32>
    %add3A_26 = vector.broadcast %get3A_25 : vector<1x128xf32> to vector<1280x128xf32>
    %add3A_27 = arith.addf %mul3A_22, %add3A_26 : vector<1280x128xf32>
    %swap3A = arith.constant 0 : index
    %swap3A_28 = arith.constant 0 : index
    %swap3A_29 = vector.load %arg5[%swap3A, %swap3A_28] : memref<1280x128xf32, #tpu.memory_space<vmem>>, vector<1280x128xf32>
    tpu.vector_store %arg5[%swap3A, %swap3A_28], %add3A_27 {strides = array<i32>} : memref<1280x128xf32, #tpu.memory_space<vmem>>, vector<1280x128xf32>,
    return
  }
  func.func @transform_0(%arg0: i32) -> (i32, i32) {
    %c0_i32 = arith.constant 0 : i32
    %c0_i32_0 = arith.constant 0 : i32
    return %c0_i32, %arg0 : i32, i32
  }
  func.func @transform_1(%arg0: i32) -> (i32, i32, i32) {
    %c0_i32 = arith.constant 0 : i32
    %c0_i32_0 = arith.constant 0 : i32
    %c0_i32_1 = arith.constant 0 : i32
    return %c0_i32, %arg0, %c0_i32_0 : i32, i32, i32
  }
  func.func @transform_2(%arg0: i32) -> (i32, i32) {
    %c0_i32 = arith.constant 0 : i32
    %c0_i32_0 = arith.constant 0 : i32
    return %arg0, %c0_i32 : i32, i32
  }
  func.func @transform_3(%arg0: i32) -> (i32, i32) {
    %c0_i32 = arith.constant 0 : i32
    %c0_i32_0 = arith.constant 0 : i32
    %c0_i32_1 = arith.constant 0 : i32
    return %c0_i32, %c0_i32_0 : i32, i32
  }
  func.func @transform_4(%arg0: i32) -> (i32, i32) {
    %c0_i32 = arith.constant 0 : i32
    %c0_i32_0 = arith.constant 0 : i32
    return %arg0, %c0_i32 : i32, i32
  }
}

</mosaic_0001>

<sc_bundles>
// kernel: kernel.10.cloned.1.call-start
scs
__scs_entry_jumppad:
0x0: {  	(pc) =	sbr.rel $0x88, $3  }
0x1: {  	(tag) =	ssettag $0x0;
	lr =	simm.s32 $0x1  }
0x2: {  	[smem:$0x3F9B] =	sst lr;
	_ =	strace $0xD0000000  }
0x3: {  	_ = 	snop  }
0x4: {  	_ = 	snop  }
0x5: {  	_ = 	snop  }
0x6: {  	_ = 	snop  }
0x7: {  	_ = 	snop  }
__scs_overlays_trampoline_lowered:
0x8: {  	[smem:$0x3FAA] =	sst s0  }
0x9: {  	[smem:$0x3FAB] =	sst s1  }
0xa: {  	[smem:$0x3FAC] =	sst s2  }
0xb: {  	[smem:$0x3FAD] =	sst s3  }
0xc: {  	[smem:$0x3FAE] =	sst s4  }
0xd: {  	[smem:$0x3FAF] =	sst s5  }
0xe: {  	[smem:$0x3FB0] =	sst s6  }
0xf: {  	[smem:$0x3FB1] =	sst s7  }
0x10: {  	[smem:$0x3FB2] =	sst s8  }
0x11: {  	[smem:$0x3FB3] =	sst s9;
	s0 =	simm.s32 @!p0 $0x0  }
0x12: {  	s1 =	sld [smem:$0x3F99];
	s0 =	simm.s32 @p0 $0x1  }
0x13: {  	[smem:$0x3FB4] =	sst s0;
	s0 =	simm.s32 @!p1 $0x0  }
0x14: {  	s2 =	sld [smem:$0x3F98];
	s0 =	simm.s32 @p1 $0x1  }
0x15: {  	[smem:$0x3FB5] =	sst s0;
	s0 =	simm.s32 @!p2 $0x0  }
0x16: {  	s3 =	sld [smem:$0x3FDB];
	s0 =	simm.s32 @p2 $0x1  }
0x17: {  	s4 =	simm.s32 $0x1BF5;
	[smem:$0x3FB7] =	sst s0  }
0x18: {  	s0 =	sld [smem:$0x3F9A];
	_ =	swait.ge [sflag:s4], $0x0  }
0x19: {  	s7 =	sld [smem:$0x3F9B]  }
0x1a: {  	s8 =	sadd.s32 $0xFFFFE003, lr  }
0x1b: {  	s9 =	sadd.s32 $0xFFFFFEF7, lr;
	s5 =	simm.s32 $0xFFFFFFFF;
	p2 =	slt.u32 s8, $0xFFFFF086  }
0x1c: {  	p1 =	slt.u32 s9, $0xF7A;
	s5 =	simm.s32 @!p2 $0x0  }
0x1d: {  	s5 =	simm.s32 @p1 $0x1;
	p0 =	seq.s32 s7, s2  }
0x1e: {  	s7 =	smul.u32 @!p0 $0xF7A, s2;
	p2 =	seq.s32 @!p0 s5, $0x0  }
0x1f: {  	s9 =	smul.u32 $0xF7A, s1;
	s8 =	simm.s32 @!p0 $0x1BF5;
	p2 =	por !p2, p0  }
0x20: {  	[sflag:s8] =	ssyncset.s32 @!p0 $0xFFFFF086;
	s6 =	sadd.s32 @!p0 s3, s7;
	s7 =	simm.s32 @!p0 $0x108  }
0x21: {  	s3 =	sadd.s32 s3, s9;
	s6 =	sadd.s32 @!p0 $0x88, s6;
	s7 =	simm.s32 @p2 $0x1082  }
0x22: {  	[simem:s7], [sflag:s8] =	dma.local @!p0 [hbm:s6], $0xF7A  }
0x23: {  	s9 =	sor.u32 $0xD0000000, s2;
	s6 =	simm.s32 $0x108;
	_ =	swait.ge @!p0 [sflag:s8], $0x0  }
0x24: {  	s3 =	sadd.s32 $0x88, s3;
	s6 =	simm.s32 @!p1 $0x1082;
	[sflag:s4] =	ssyncset.s32 $0xFFFFF086  }
0x25: {  	[simem:s6], [sflag:s4] =	dma.local [hbm:s3], $0xF7A  }
0x26: {  	[smem:$0x3F9B] =	sst s1;
	(tag) =	ssettag s2;
	_ =	strace s9  }
0x27: {  	s1 =	sld [smem:$0x3FAB]  }
0x28: {  	s2 =	sld [smem:$0x3FAC]  }
0x29: {  	s4 =	sld [smem:$0x3FAE]  }
0x2a: {  	p0 =	seq.s32 s5, $0x0;
	s5 =	sld [smem:$0x3FAF]  }
0x2b: {  	s6 =	sld [smem:$0x3FB0]  }
0x2c: {  	s7 =	sld [smem:$0x3FB1]  }
0x2d: {  	s3 =	simm.s32 $0x108;
	s8 =	sld [smem:$0x3FB2]  }
0x2e: {  	s3 =	simm.s32 @!p0 $0x1082;
	s9 =	sld [smem:$0x3FB3]  }
0x2f: {  	lr =	sadd.s32 s0, s3;
	s0 =	sld [smem:$0x3FAA]  }
0x30: {  	s3 =	sld [smem:$0x3FAD]  }
0x31: {  	[smem:$0x3FB6] =	sst s10  }
0x32: {  	s10 =	sld [smem:$0x3FB4];
	_ =	sdelay $0x3  }
0x33: {  	p0 =	seq.s32 s10, $0x1;
	s10 =	sld [smem:$0x3FB6];
	_ =	sdelay $0x3  }
0x34: {  	[smem:$0x3FB6] =	sst s10  }
0x35: {  	s10 =	sld [smem:$0x3FB5];
	_ =	sdelay $0x3  }
0x36: {  	p1 =	seq.s32 s10, $0x1;
	s10 =	sld [smem:$0x3FB6];
	_ =	sdelay $0x3  }
0x37: {  	[smem:$0x3FB6] =	sst s10  }
0x38: {  	s10 =	sld [smem:$0x3FB7]  }
0x39: {  	_ = 	snop;
	(pc) =	sbr.ind lr, $3  }
0x3a: {  	_ = 	snop  }
0x3b: {  	_ = 	snop  }
0x3c: {  	p2 =	seq.s32 s10, $0x1;
	s10 =	sld [smem:$0x3FB6]  }
0x3d: {  	_ =	shalt  }
0x3e: {  	_ =	shalt  }
0x3f: {  	_ =	shalt  }
0x40: {  	_ =	shalt  }
0x41: {  	_ =	shalt  }
0x42: {  	_ =	shalt  }
0x43: {  	_ =	shalt  }
0x44: {  	_ =	shalt  }
0x45: {  	_ =	shalt  }
0x46: {  	_ =	shalt  }
0x47: {  	_ =	shalt  }
0x48: {  	_ =	shalt  }
0x49: {  	_ =	shalt  }
0x4a: {  	_ =	shalt  }
0x4b: {  	_ =	shalt  }
0x4c: {  	_ =	shalt  }
0x4d: {  	_ =	shalt  }
0x4e: {  	_ =	shalt  }
0x4f: {  	_ =	shalt  }
0x50: {  	_ =	shalt  }
0x51: {  	_ =	shalt  }
0x52: {  	_ =	shalt  }
0x53: {  	_ =	shalt  }
0x54: {  	_ =	shalt  }
0x55: {  	_ =	shalt  }
0x56: {  	_ =	shalt  }
0x57: {  	_ =	shalt  }
0x58: {  	_ =	shalt  }
0x59: {  	_ =	shalt  }
0x5a: {  	_ =	shalt  }
0x5b: {  	_ =	shalt  }
0x5c: {  	_ =	shalt  }
0x5d: {  	_ =	shalt  }
0x5e: {  	_ =	shalt  }
0x5f: {  	_ =	shalt  }
0x60: {  	_ =	shalt  }
0x61: {  	_ =	shalt  }
0x62: {  	_ =	shalt  }
0x63: {  	_ =	shalt  }
0x64: {  	_ =	shalt  }
0x65: {  	_ =	shalt  }
0x66: {  	_ =	shalt  }
0x67: {  	_ =	shalt  }
0x68: {  	_ =	shalt  }
0x69: {  	_ =	shalt  }
0x6a: {  	_ =	shalt  }
0x6b: {  	_ =	shalt  }
0x6c: {  	_ =	shalt  }
0x6d: {  	_ =	shalt  }
0x6e: {  	_ =	shalt  }
0x6f: {  	_ =	shalt  }
0x70: {  	_ =	shalt  }
0x71: {  	_ =	shalt  }
0x72: {  	_ =	shalt  }
0x73: {  	_ =	shalt  }
0x74: {  	_ =	shalt  }
0x75: {  	_ =	shalt  }
0x76: {  	_ =	shalt  }
0x77: {  	_ =	shalt  }
0x78: {  	_ =	shalt  }
0x79: {  	_ =	shalt  }
0x7a: {  	_ =	shalt  }
0x7b: {  	_ =	shalt  }
0x7c: {  	_ =	shalt  }
0x7d: {  	_ =	shalt  }
0x7e: {  	_ =	shalt  }
0x7f: {  	_ =	shalt  }
0x80: {  	_ =	shalt  }
0x81: {  	_ =	shalt  }
0x82: {  	_ =	shalt  }
0x83: {  	_ =	shalt  }
0x84: {  	_ =	shalt  }
0x85: {  	_ =	shalt  }
0x86: {  	_ =	shalt  }
0x87: {  	_ =	shalt  }
.Lfunc_end0:
.L_simem_size_0:
called_computation.1_lowered:
.L_overlay_start_0:
0x88: {  	s2 =	sld [smem:$0x3FD9]  }
0x89: {  	s3 =	sld [smem:$0x3FFE];
	_ =	sdelay $0x1  }
0x8a: {  	s1 =	srdreg.scid  }
0x8b: {  	s0 =	sand.u32 $0x1, s1  }
0x8c: {  	s16 =	sshll.u32 s0, $0xA;
	s2 =	sadd.s32 s3, s2  }
0x8d: {  	s2 =	sadd.s32 s2, s16  }
0x8e: {  	[smem:$0x3FC2] =	sst s2  }
0x8f: {  	_ = 	snop  }
0x90: {  	(tm) =	ssettm $0x1  }
0x91: {  	s17 =	sld [smem:$0x3FFB];
	_ =	sdelay $0x3  }
0x92: {  	_ =	strace s17  }
0x93: {  	s2 =	sld [smem:$0x3FFC];
	_ =	sdelay $0x3  }
0x94: {  	_ =	strace s2  }
0x95: {  	s2 =	sld [smem:$0x3FFD];
	_ =	sdelay $0x3  }
0x96: {  	_ =	strace s2  }
0x97: {  	_ =	strace $0x8FFFFFFF  }
0x98: {  	s18 =	sld [smem:$0x3FDB];
	_ =	sdelay $0x1  }
0x99: {  	s19 =	simm.s32 $_scs_section_size  }
0x9a: {  	s4 =	simm.s32 $_size__tile_overlayer_lowered;
	s5 =	simm.s32 $_tile_overlayer_lowered  }
0x9b: {  	s22 =	simm.s32 $0x1BFF;
	s21 =	sshll.u32 s5, $0x1;
	s2 =	sadd.s32 s19, s18  }
0x9c: {  	s6 =	simm.s32 $0x0;
	s20 =	sshll.u32 s4, $0x1;
	s4 =	sadd.s32 s21, s2  }
0x9d: {  	[timem:s6], [sflag:s22] =	dma.local [hbm:s4], s20  }
0x9e: {  	_ =	swait.ge [sflag:s22], s20  }
0x9f: {  	s3 =	ssub.s32 $0x0, s20;
	[sflag:s22] =	ssyncset.done $0x0  }
0xa0: {  	[sflag:s22] =	ssyncadd.s32 s3;
	_ =	sdelay $0x1  }
0xa1: {  	s23 =	simm.s32 $0x1B8B  }
0xa2: {  	_ =	swait.ge [sflag:s23], $0x1  }
0xa3: {  	[sflag:s23] =	ssyncset.done $0x0  }
0xa4: {  	s25 =	simm.s32 $0x1B8E;
	s24 =	sld [smem:$0x3FFE];
	[sflag:s23] =	ssyncadd.s32 $0xFFFFFFFF  }
0xa5: {  	s26 =	simm.s32 $execute0_lowered;
	[smem:$0x3FD2] =	sst s25  }
0xa6: {  	s4 =	sshll.u32 s26, $0x1;
	_ =	strace $0x80000049;
	[dreg:$0x1] =	wrdreg $0xFFFFFFFF  }
0xa7: {  	s28 =	simm.s32 $_size_execute0_lowered;
	s2 =	sadd.s32 s2, s4;
	[dreg:$0x0] =	wrdreg $0x0  }
0xa8: {  	s4 =	sshll.u32 s28, $0x1;
	[dreg:$0x2] =	wrdreg s2  }
0xa9: {  	[dreg:$0x3] =	wrdreg s4  }
0xaa: {  	[dreg:$0x4] =	wrdreg $0xC0  }
0xab: {  	_ =	task [dreg:s6], $0x5FFFF  }
0xac: {  	[dreg:$0x1] =	wrdreg $0xFFFFFFFF  }
0xad: {  	[dreg:$0x0] =	wrdreg $0x60  }
0xae: {  	[dreg:$0x2] =	wrdreg s24  }
0xaf: {  	[dreg:$0x3] =	wrdreg $0x29800  }
0xb0: {  	[dreg:$0x4] =	wrdreg $0x9  }
0xb1: {  	_ =	task.clear_ibuf [dreg:s6], $0x5FFFF;
	_ =	strace $0x90000049  }
0xb2: {  	s29 =	simm.s32 $0x9;
	_ =	strace $0x8000004B  }
0xb3: {  	_ =	swait.ge [sflag:s29], $0x1  }
0xb4: {  	[sflag:s29] =	ssyncadd.s32 $0xFFFFFFFF  }
0xb5: {  	_ =	strace $0x9000004B  }
0xb6: {  	_ =	sfence  }
0xb7: {  	s30 =	sld [smem:$0x0];
	_ =	sdelay $0x2  }
0xb8: {  	s31 =	sshll.u32 s1, $0xD;
	s1 =	sshrl.u32 s1, $0x2  }
0xb9: {  	s3 =	sand.u32 $0x4000, s31;
	s1 =	sadd.s32 s1, s30  }
0xba: {  	s0 =	sor.u32 s3, s0;
	s1 =	sshll.u32 s1, $0x11  }
0xbb: {  	s0 =	sor.u32 s1, s0  }
0xbc: {  	s0 =	sadd.s32 $0x8F2B, s0  }
0xbd: {  	[sflag:s0] =	ssyncadd.remote.s32 $0x1  }
0xbe: {  	_ =	sfence.sel $0xFFFF  }
0xbf: {  	[dreg:$0x0] =	wrdreg $0xFFFFFFFF;
	(pc) =	sbr.abs _section_cstart, $3  }
0xc0: {  	[dreg:$0x1] =	wrdreg $0xFFFFFFFF  }
0xc1: {  	_ =	task.clear_ibuf [dreg:s6], $0x2FFFF;
	_ =	strace $0x9FFFFFFF  }
0xc2: {  	(tm) =	ssettm $0x7FFFFFFF  }
0xc3: {  	_ =	shalt  }
tec
execute0_lowered:
.L_overlay_start_1:
0x0: {  	(tag) =	ssettag $0x1  }
0x1: {  	s0 =	rddreg [dreg:$0x0]  }
0x2: {  	s1 =	rddreg [dreg:$0x1];
	s2 =	simm.s32 $0x0  }
0x3: {  	s3 =	srdreg.scid;
	s11 =	stileid.u32;
	s28 =	simm.s32 $0x2  }
0x4: {  	s29 =	simm.s32 $0x80;
	s30 =	simm.s32 $0x100;
	s31 =	simm.s32 $0x50  }
0x5: {  	[smem:$0x7FF] =	sst s2;
	s4 =	sadd.s32 $0x6EA00, s0;
	s8 =	smul.u32 $0x50000, s11  }
0x6: {  	s3 =	sand.u32 $0x1, s3;
	s10 =	sshll.u32 s11, $0x1;
	s11 =	smul.u32 $0x14000, s11  }
0x7: {  	s5 =	sadd.s32 $0xA200, s0;
	s6 =	sadd.s32 $0x96A00, s0;
	s7 =	ssub.s32 $0x2, s3  }
0x8: {  	_ =	strace $0x8000004A;
	s9 =	sshrl.u32 s7, $0x1;
	s18 =	sor.u32 $0x2800, s11  }
0x9: {  	s19 =	sadd.s32 $0x5000, s11;
	s20 =	sadd.s32 $0x7800, s11;
	s21 =	sadd.s32 $0xA000, s11  }
0xa: {  	s7 =	ssub.s32 s7, s9;
	s9 =	sor.u32 s3, s10;
	s3 =	smul.u32 $0x140000, s3  }
0xb: {  	s22 =	sadd.s32 $0xC800, s11;
	s23 =	sadd.s32 $0xF000, s11;
	s24 =	sadd.s32 $0x11800, s11  }
0xc: {  	s26 =	sadd.s32 s11, s3;
	s12 =	sadd.s32 s3, s18;
	s13 =	sadd.s32 s3, s20  }
0xd: {  	s14 =	sadd.s32 s3, s21;
	s17 =	sadd.s32 s3, s22;
	s25 =	sadd.s32 s3, s23  }
0xe: {  	s18 =	sadd.s32 s18, s1;
	s20 =	sadd.s32 s20, s1;
	s21 =	sadd.s32 s21, s1  }
0xf: {  	s22 =	sadd.s32 s22, s1;
	s23 =	sadd.s32 s23, s1;
	s10 =	sshrl.u32 s26, $0x3  }
0x10: {  	s11 =	sshrl.u32 s12, $0x3;
	s12 =	sadd.s32 s3, s19;
	s16 =	sshrl.u32 s14, $0x3  }
0x11: {  	s3 =	sadd.s32 s3, s24;
	s14 =	sadd.s32 $0x400, s0;
	s26 =	sshrl.u32 s8, $0x2  }
0x12: {  	s19 =	sadd.s32 s19, s1;
	s24 =	sadd.s32 s24, s1;
	s10 =	sadd.s32 s6, s10  }
0x13: {  	s3 =	sshrl.u32 s3, $0x3;
	[dreg:$0x3] =	wrdreg s10;
	s10 =	sadd.s32 s6, s11  }
0x14: {  	s11 =	sshrl.u32 s13, $0x3;
	s13 =	sadd.s32 s6, s3;
	s3 =	simm.s32 $0x0  }
0x15: {  	[dreg:$0x4] =	wrdreg s10;
	s10 =	sshrl.u32 s12, $0x3;
	s15 =	sadd.s32 s6, s11  }
0x16: {  	s11 =	sshrl.u32 s17, $0x3;
	s12 =	sshrl.u32 s25, $0x3;
	s17 =	sadd.s32 s26, s1  }
0x17: {  	s25 =	smax.u32 s7, $0x1;
	s26 =	simm.s32 $0x180;
	s10 =	sadd.s32 s6, s10  }
0x18: {  	[dreg:$0x6] =	wrdreg s15;
	s11 =	sadd.s32 s6, s11;
	s12 =	sadd.s32 s6, s12  }
0x19: {  	s15 =	sadd.s32 $0x64C00, s0;
	[dreg:$0x5] =	wrdreg s10;
	s10 =	sadd.s32 s6, s16  }
0x1a: {  	v0 =	vimm.f32 $0.0e+00;
	s0 =	simm.s32 $0x1;
	s16 =	smul.u32 $0x2710, s9;
	[dreg:$0x7] =	wrdreg s10  }
.LBB2_1:
0x1b: {  	s6 =	simm.s32 $0x0;
	s7 =	simm.s32 $0x200  }
.LBB2_2:
0x1c: {  	p0 =	sne.s32 s7, $0x9E00;
	[tilespmem:s6+$0x1F0] =	vst v0  }
0x1d: {  	[tilespmem:s6+$0x180] =	vst v0  }
0x1e: {  	[tilespmem:s6+$0x190] =	vst v0  }
.Ltmp0:
0x1f: {  	[tilespmem:s6+$0x1A0] =	vst v0;
	(pc) =	sbr.rel @p0 .LBB2_2-.Ltmp0, $4  }
0x20: {  	[tilespmem:s6+$0x1B0] =	vst v0  }
0x21: {  	[tilespmem:s6+$0x1C0] =	vst v0  }
0x22: {  	[tilespmem:s6+$0x1D0] =	vst v0  }
0x23: {  	[tilespmem:s6+$0x1E0] =	vst v0;
	s6 =	sshra.s32 s7, $0x2;
	s7 =	sadd.s32 $0x200, s7  }
0x24: {  	[tilespmem:s6+$0x1F0] =	vst v0  }
0x25: {  	[tilespmem:s6+$0x180] =	vst v0  }
0x26: {  	[tilespmem:s6+$0x190] =	vst v0  }
0x27: {  	[tilespmem:s6+$0x1A0] =	vst v0  }
0x28: {  	[tilespmem:s6+$0x1B0] =	vst v0  }
0x29: {  	[tilespmem:s6+$0x1C0] =	vst v0  }
0x2a: {  	[tilespmem:s6+$0x1D0] =	vst v0  }
0x2b: {  	[tilespmem:s6+$0x1E0] =	vst v0  }
0x2c: {  	[spmem:s17] =	stream.linear.scatter [tilespmem:s26], [sflag:$0x2], $0x2800, $0x38;
	[tilespmem:$0x16980] =	vst v63  }
0x2d: {  	_ =	swait.ge [sflag:s28], $0x2800  }
0x2e: {  	[sflag:s28] =	ssyncset.done $0x0  }
0x2f: {  	[sflag:s28] =	ssyncadd.s32 $0xFFFFD800  }
0x30: {  	[spmem:s18] =	stream.linear.scatter [tilespmem:s26], [sflag:$0x2], $0x2800, $0x38;
	[tilespmem:$0x16980] =	vst v63  }
0x31: {  	_ =	swait.ge [sflag:s28], $0x2800  }
0x32: {  	[sflag:s28] =	ssyncset.done $0x0  }
0x33: {  	[sflag:s28] =	ssyncadd.s32 $0xFFFFD800  }
0x34: {  	[spmem:s19] =	stream.linear.scatter [tilespmem:s26], [sflag:$0x2], $0x2800, $0x38;
	[tilespmem:$0x16980] =	vst v63  }
0x35: {  	_ =	swait.ge [sflag:s28], $0x2800  }
0x36: {  	[sflag:s28] =	ssyncset.done $0x0  }
0x37: {  	[sflag:s28] =	ssyncadd.s32 $0xFFFFD800  }
0x38: {  	[spmem:s20] =	stream.linear.scatter [tilespmem:s26], [sflag:$0x2], $0x2800, $0x38;
	[tilespmem:$0x16980] =	vst v63  }
0x39: {  	_ =	swait.ge [sflag:s28], $0x2800  }
0x3a: {  	[sflag:s28] =	ssyncset.done $0x0  }
0x3b: {  	[sflag:s28] =	ssyncadd.s32 $0xFFFFD800  }
0x3c: {  	[spmem:s21] =	stream.linear.scatter [tilespmem:s26], [sflag:$0x2], $0x2800, $0x38;
	[tilespmem:$0x16980] =	vst v63  }
0x3d: {  	_ =	swait.ge [sflag:s28], $0x2800  }
0x3e: {  	[sflag:s28] =	ssyncset.done $0x0  }
0x3f: {  	[sflag:s28] =	ssyncadd.s32 $0xFFFFD800  }
0x40: {  	[spmem:s22] =	stream.linear.scatter [tilespmem:s26], [sflag:$0x2], $0x2800, $0x38;
	[tilespmem:$0x16980] =	vst v63  }
0x41: {  	_ =	swait.ge [sflag:s28], $0x2800  }
0x42: {  	[sflag:s28] =	ssyncset.done $0x0  }
0x43: {  	[sflag:s28] =	ssyncadd.s32 $0xFFFFD800  }
0x44: {  	[spmem:s23] =	stream.linear.scatter [tilespmem:s26], [sflag:$0x2], $0x2800, $0x38;
	[tilespmem:$0x16980] =	vst v63  }
0x45: {  	_ =	swait.ge [sflag:s28], $0x2800  }
0x46: {  	[sflag:s28] =	ssyncset.done $0x0  }
0x47: {  	[sflag:s28] =	ssyncadd.s32 $0xFFFFD800  }
0x48: {  	[spmem:s24] =	stream.linear.scatter [tilespmem:s26], [sflag:$0x2], $0x2800, $0x38;
	[tilespmem:$0x16980] =	vst v63  }
0x49: {  	_ =	swait.ge [sflag:s28], $0x2800  }
0x4a: {  	[sflag:s28] =	ssyncset.done $0x0  }
0x4b: {  	[sflag:s28] =	ssyncadd.s32 $0xFFFFD800  }
0x4c: {  	s6 =	simm.s32 $0x0;
	s7 =	simm.s32 $0x0;
	[bflag:$0x0] =	sbarrier.arrive $0xFFFF  }
.LBB2_4:
0x4d: {  	s8 =	smul.u32 $0x50, s7;
	_ =	sdelay $0x1  }
0x4e: {  	s8 =	sadd.s32 s16, s8  }
0x4f: {  	s8 =	sshrl.u32 s8, $0x3  }
0x50: {  	s9 =	sadd.s32 s5, s8  }
0x51: {  	[tilespmem:s6], [sflag:$0x2] =	stream.linear.gather [hbm4b:s9+s6], $0x50, $0x38;
	[tilespmem:$0x16980] =	vst v63  }
0x52: {  	_ =	swait.ge [sflag:s28], $0x50  }
0x53: {  	[sflag:s28] =	ssyncset.done $0x0  }
0x54: {  	s10 =	sadd.s32 s14, s8;
	[sflag:s28] =	ssyncadd.s32 $0xFFFFFFB0  }
0x55: {  	[tilespmem:s29], [sflag:$0x2] =	stream.linear.gather [hbm4b:s10+s6], $0x50, $0x38;
	[tilespmem:$0x16980] =	vst v63  }
0x56: {  	_ =	swait.ge [sflag:s28], $0x50  }
0x57: {  	[sflag:s28] =	ssyncset.done $0x0  }
0x58: {  	s8 =	sadd.s32 s15, s8;
	[sflag:s28] =	ssyncadd.s32 $0xFFFFFFB0  }
0x59: {  	[tilespmem:s30], [sflag:$0x2] =	stream.linear.gather [hbm4b:s8+s6], $0x50, $0x38;
	[tilespmem:$0x16980] =	vst v63  }
0x5a: {  	_ =	swait.ge [sflag:s28], $0x50  }
0x5b: {  	[sflag:s28] =	ssyncset.done $0x0  }
0x5c: {  	[sflag:s28] =	ssyncadd.s32 $0xFFFFFFB0  }
0x5d: {  	[tilespmem:s26], [sflag:$0x1] =	stream.indirect.gather [hbm4b:s4+s31], $0x80, s6, s31, $0xb8;
	[tilespmem:$0x16980] =	vst v63  }
0x5e: {  	_ =	swait.ge [sflag:s0], $0x2800  }
0x5f: {  	s9 =	simm.s32 $0x0;
	[sflag:s0] =	ssyncset.done $0x0  }
0x60: {  	s8 =	sand.u32 $0x3FFFFFF0, s9;
	[sflag:s0] =	ssyncadd.s32 $0xFFFFD800  }
0x61: {  	s10 =	simm.s32 $0x0;
	v1 =	vld [tilespmem:s8+$0x100]  }
0x62: {  	s8 =	sand.u32 $0x3FFFF800, s10  }
0x63: {  	v3 =	vld [tilespmem:s8+$0x1A0]  }
0x64: {  	v4 =	vld [tilespmem:s8+$0x1B0]  }
0x65: {  	v10 =	vld [tilespmem:s8+$0x1E0]  }
0x66: {  	v11 =	vld [tilespmem:s8+$0x1F0];
	v2 =	vbroadcast v1, $0x0  }
0x67: {  	v12 =	vld [tilespmem:s8+$0x200]  }
0x68: {  	v13 =	vld [tilespmem:s8+$0x210];
	v3 =	vmul.f32 v3, v2  }
0x69: {  	v14 =	vld [tilespmem:s8+$0x220];
	v4 =	vmul.f32 v4, v2  }
0x6a: {  	v9 =	vld [tilespmem:s8+$0x230];
	v23 =	vbroadcast v1, $0x1;
	v22 =	vmul.f32 v10, v2;
	[tilespmem:s8+$0x1A0] =	vst v3  }
0x6b: {  	v7 =	vld [tilespmem:s8+$0x240];
	v11 =	vmul.f32 v11, v2;
	[tilespmem:s8+$0x1B0] =	vst v4  }
0x6c: {  	v8 =	vld [tilespmem:s8+$0x250];
	v12 =	vmul.f32 v12, v23;
	[tilespmem:s8+$0x1E0] =	vst v22  }
0x6d: {  	v25 =	vld [tilespmem:s8+$0x270];
	v13 =	vmul.f32 v13, v23;
	[tilespmem:s8+$0x1F0] =	vst v11  }
0x6e: {  	v26 =	vld [tilespmem:s8+$0x280];
	v14 =	vmul.f32 v14, v23;
	[tilespmem:s8+$0x200] =	vst v12  }
0x6f: {  	v27 =	vld [tilespmem:s8+$0x290];
	v9 =	vmul.f32 v9, v23;
	[tilespmem:s8+$0x210] =	vst v13  }
0x70: {  	v6 =	vld [tilespmem:s8+$0x6F0];
	v7 =	vmul.f32 v7, v23;
	[tilespmem:s8+$0x220] =	vst v14  }
0x71: {  	v24 =	vld [tilespmem:s8+$0x260];
	v15 =	vbroadcast v1, $0x2;
	v8 =	vmul.f32 v8, v23;
	[tilespmem:s8+$0x230] =	vst v9  }
0x72: {  	v28 =	vld [tilespmem:s8+$0x2A0];
	v10 =	vmul.f32 v25, v23;
	[tilespmem:s8+$0x240] =	vst v7  }
0x73: {  	v29 =	vld [tilespmem:s8+$0x2B0];
	v5 =	vbroadcast v1, $0xA;
	v32 =	vmul.f32 v26, v15;
	[tilespmem:s8+$0x250] =	vst v8  }
0x74: {  	v30 =	vld [tilespmem:s8+$0x2C0];
	v34 =	vmul.f32 v27, v15;
	[tilespmem:s8+$0x270] =	vst v10  }
0x75: {  	v33 =	vld [tilespmem:s8+$0x2E0];
	v3 =	vmul.f32 v6, v5;
	[tilespmem:s8+$0x280] =	vst v32  }
0x76: {  	v35 =	vld [tilespmem:s8+$0x2F0];
	v11 =	vmul.f32 v24, v23;
	[tilespmem:s8+$0x290] =	vst v34  }
0x77: {  	v36 =	vld [tilespmem:s8+$0x300];
	v9 =	vmul.f32 v28, v15;
	[tilespmem:s8+$0x6F0] =	vst v3  }
0x78: {  	v31 =	vld [tilespmem:s8+$0x2D0];
	v7 =	vmul.f32 v29, v15;
	[tilespmem:s8+$0x260] =	vst v11  }
0x79: {  	v37 =	vld [tilespmem:s8+$0x310];
	v8 =	vmul.f32 v30, v15;
	[tilespmem:s8+$0x2A0] =	vst v9  }
0x7a: {  	v38 =	vld [tilespmem:s8+$0x320];
	v41 =	vbroadcast v1, $0x3;
	v10 =	vmul.f32 v33, v15;
	[tilespmem:s8+$0x2B0] =	vst v7  }
0x7b: {  	v39 =	vld [tilespmem:s8+$0x330];
	v12 =	vmul.f32 v35, v15;
	[tilespmem:s8+$0x2C0] =	vst v8  }
0x7c: {  	v42 =	vld [tilespmem:s8+$0x350];
	v13 =	vmul.f32 v36, v41;
	[tilespmem:s8+$0x2E0] =	vst v10  }
0x7d: {  	v43 =	vld [tilespmem:s8+$0x360];
	v11 =	vmul.f32 v31, v15;
	[tilespmem:s8+$0x2F0] =	vst v12  }
0x7e: {  	v44 =	vld [tilespmem:s8+$0x370];
	v9 =	vmul.f32 v37, v41;
	[tilespmem:s8+$0x300] =	vst v13  }
0x7f: {  	v40 =	vld [tilespmem:s8+$0x340];
	v7 =	vmul.f32 v38, v41;
	[tilespmem:s8+$0x2D0] =	vst v11  }
0x80: {  	v45 =	vld [tilespmem:s8+$0x380];
	v8 =	vmul.f32 v39, v41;
	[tilespmem:s8+$0x310] =	vst v9  }
0x81: {  	v46 =	vld [tilespmem:s8+$0x390];
	v10 =	vmul.f32 v42, v41;
	[tilespmem:s8+$0x320] =	vst v7  }
0x82: {  	v47 =	vld [tilespmem:s8+$0x3A0];
	v12 =	vmul.f32 v43, v41;
	[tilespmem:s8+$0x330] =	vst v8  }
0x83: {  	v49 =	vld [tilespmem:s8+$0x3C0];
	v50 =	vbroadcast v1, $0x4;
	v13 =	vmul.f32 v44, v41;
	[tilespmem:s8+$0x350] =	vst v10  }
0x84: {  	v51 =	vld [tilespmem:s8+$0x3D0];
	v11 =	vmul.f32 v40, v41;
	[tilespmem:s8+$0x360] =	vst v12  }
0x85: {  	v52 =	vld [tilespmem:s8+$0x3E0];
	v9 =	vmul.f32 v45, v50;
	[tilespmem:s8+$0x370] =	vst v13  }
0x86: {  	v48 =	vld [tilespmem:s8+$0x3B0];
	v7 =	vmul.f32 v46, v50;
	[tilespmem:s8+$0x340] =	vst v11  }
0x87: {  	v53 =	vld [tilespmem:s8+$0x3F0];
	v8 =	vmul.f32 v47, v50;
	[tilespmem:s8+$0x380] =	vst v9  }
0x88: {  	v54 =	vld [tilespmem:s8+$0x400];
	v10 =	vmul.f32 v49, v50;
	[tilespmem:s8+$0x390] =	vst v7  }
0x89: {  	v55 =	vld [tilespmem:s8+$0x410];
	v12 =	vmul.f32 v51, v50;
	[tilespmem:s8+$0x3A0] =	vst v8  }
0x8a: {  	v57 =	vld [tilespmem:s8+$0x430];
	v13 =	vmul.f32 v52, v50;
	[tilespmem:s8+$0x3C0] =	vst v10  }
0x8b: {  	v58 =	vld [tilespmem:s8+$0x440];
	v59 =	vbroadcast v1, $0x5;
	v11 =	vmul.f32 v48, v50;
	[tilespmem:s8+$0x3D0] =	vst v12  }
0x8c: {  	v60 =	vld [tilespmem:s8+$0x450];
	v9 =	vmul.f32 v53, v50;
	[tilespmem:s8+$0x3E0] =	vst v13  }
0x8d: {  	v56 =	vld [tilespmem:s8+$0x420];
	v7 =	vmul.f32 v54, v59;
	[tilespmem:s8+$0x3B0] =	vst v11  }
0x8e: {  	v61 =	vld [tilespmem:s8+$0x460];
	v8 =	vmul.f32 v55, v59;
	[tilespmem:s8+$0x3F0] =	vst v9  }
0x8f: {  	v62 =	vld [tilespmem:s8+$0x470];
	v10 =	vmul.f32 v57, v59;
	[tilespmem:s8+$0x400] =	vst v7  }
0x90: {  	v63 =	vld [tilespmem:s8+$0x480];
	v12 =	vmul.f32 v58, v59;
	[tilespmem:s8+$0x410] =	vst v8  }
0x91: {  	v19 =	vld [tilespmem:s8+$0x4A0];
	v13 =	vmul.f32 v60, v59;
	[tilespmem:s8+$0x430] =	vst v10  }
0x92: {  	v20 =	vld [tilespmem:s8+$0x4B0];
	v11 =	vmul.f32 v56, v59;
	[tilespmem:s8+$0x440] =	vst v12  }
0x93: {  	v21 =	vld [tilespmem:s8+$0x4C0];
	v22 =	vbroadcast v1, $0x6;
	v9 =	vmul.f32 v61, v59;
	[tilespmem:s8+$0x450] =	vst v13  }
0x94: {  	v18 =	vld [tilespmem:s8+$0x490];
	v7 =	vmul.f32 v62, v59;
	[tilespmem:s8+$0x420] =	vst v11  }
0x95: {  	v23 =	vld [tilespmem:s8+$0x4D0];
	v8 =	vmul.f32 v63, v22;
	[tilespmem:s8+$0x460] =	vst v9  }
0x96: {  	v24 =	vld [tilespmem:s8+$0x4E0];
	v10 =	vmul.f32 v19, v22;
	[tilespmem:s8+$0x470] =	vst v7  }
0x97: {  	v25 =	vld [tilespmem:s8+$0x4F0];
	v12 =	vmul.f32 v20, v22;
	[tilespmem:s8+$0x480] =	vst v8  }
0x98: {  	v27 =	vld [tilespmem:s8+$0x510];
	v13 =	vmul.f32 v21, v22;
	[tilespmem:s8+$0x4A0] =	vst v10  }
0x99: {  	v28 =	vld [tilespmem:s8+$0x520];
	v11 =	vmul.f32 v18, v22;
	[tilespmem:s8+$0x4B0] =	vst v12  }
0x9a: {  	v29 =	vld [tilespmem:s8+$0x530];
	v9 =	vmul.f32 v23, v22;
	[tilespmem:s8+$0x4C0] =	vst v13  }
0x9b: {  	v31 =	vbroadcast v1, $0x7;
	v53 =	vld [tilespmem:s8+$0x680];
	v7 =	vmul.f32 v24, v22;
	[tilespmem:s8+$0x490] =	vst v11  }
0x9c: {  	v57 =	vld [tilespmem:s8+$0x6C0];
	v8 =	vmul.f32 v25, v22;
	[tilespmem:s8+$0x4D0] =	vst v9  }
0x9d: {  	v58 =	vld [tilespmem:s8+$0x6D0];
	v10 =	vmul.f32 v27, v31;
	[tilespmem:s8+$0x4E0] =	vst v7  }
0x9e: {  	v26 =	vld [tilespmem:s8+$0x500];
	v12 =	vmul.f32 v28, v31;
	[tilespmem:s8+$0x4F0] =	vst v8  }
0x9f: {  	v30 =	vld [tilespmem:s8+$0x540];
	v13 =	vmul.f32 v29, v31;
	[tilespmem:s8+$0x510] =	vst v10  }
0xa0: {  	v32 =	vld [tilespmem:s8+$0x550];
	v59 =	vmul.f32 v53, v5;
	[tilespmem:s8+$0x520] =	vst v12  }
0xa1: {  	v33 =	vld [tilespmem:s8+$0x560];
	v18 =	vmul.f32 v57, v5;
	[tilespmem:s8+$0x530] =	vst v13  }
0xa2: {  	v35 =	vld [tilespmem:s8+$0x580];
	v20 =	vmul.f32 v58, v5;
	[tilespmem:s8+$0x680] =	vst v59  }
0xa3: {  	v36 =	vld [tilespmem:s8+$0x590];
	v11 =	vmul.f32 v26, v31;
	[tilespmem:s8+$0x6C0] =	vst v18  }
0xa4: {  	v37 =	vld [tilespmem:s8+$0x5A0];
	v9 =	vmul.f32 v30, v31;
	[tilespmem:s8+$0x6D0] =	vst v20  }
0xa5: {  	v4 =	vld [tilespmem:s8+$0x700];
	v40 =	vbroadcast v1, $0x8;
	v7 =	vmul.f32 v32, v31;
	[tilespmem:s8+$0x500] =	vst v11  }
0xa6: {  	v6 =	vld [tilespmem:s8+$0x710];
	v8 =	vmul.f32 v33, v31;
	[tilespmem:s8+$0x540] =	vst v9  }
0xa7: {  	v3 =	vld [tilespmem:s8+$0x950];
	v10 =	vmul.f32 v35, v40;
	[tilespmem:s8+$0x550] =	vst v7  }
0xa8: {  	v61 =	vld [tilespmem:s8+$0x180];
	v23 =	vbroadcast v1, $0xB;
	v12 =	vmul.f32 v36, v40;
	[tilespmem:s8+$0x560] =	vst v8  }
0xa9: {  	v34 =	vld [tilespmem:s8+$0x570];
	v13 =	vmul.f32 v37, v40;
	[tilespmem:s8+$0x580] =	vst v10  }
0xaa: {  	v38 =	vld [tilespmem:s8+$0x5B0];
	v27 =	vbroadcast v1, $0xF;
	v4 =	vmul.f32 v4, v23;
	[tilespmem:s8+$0x590] =	vst v12  }
0xab: {  	v39 =	vld [tilespmem:s8+$0x5C0];
	v6 =	vmul.f32 v6, v23;
	[tilespmem:s8+$0x5A0] =	vst v13  }
0xac: {  	v41 =	vld [tilespmem:s8+$0x5D0];
	v3 =	vmul.f32 v3, v27;
	[tilespmem:s8+$0x700] =	vst v4  }
0xad: {  	v43 =	vld [tilespmem:s8+$0x5F0];
	v24 =	vmul.f32 v2, v61;
	[tilespmem:s8+$0x710] =	vst v6  }
0xae: {  	v44 =	vld [tilespmem:s8+$0x600];
	v11 =	vmul.f32 v34, v31;
	[tilespmem:s8+$0x950] =	vst v3  }
0xaf: {  	v45 =	vld [tilespmem:s8+$0x610];
	v9 =	vmul.f32 v38, v40;
	[tilespmem:s8+$0x180] =	vst v24  }
0xb0: {  	v63 =	vld [tilespmem:s8+$0x1C0];
	v7 =	vmul.f32 v39, v40;
	[tilespmem:s8+$0x570] =	vst v11  }
0xb1: {  	v49 =	vbroadcast v1, $0x9;
	v29 =	vld [tilespmem:s8+$0x770];
	v8 =	vmul.f32 v41, v40;
	[tilespmem:s8+$0x5B0] =	vst v9  }
0xb2: {  	v42 =	vld [tilespmem:s8+$0x5E0];
	v10 =	vmul.f32 v43, v40;
	[tilespmem:s8+$0x5C0] =	vst v7  }
0xb3: {  	v46 =	vld [tilespmem:s8+$0x620];
	v12 =	vmul.f32 v44, v49;
	[tilespmem:s8+$0x5D0] =	vst v8  }
0xb4: {  	v47 =	vld [tilespmem:s8+$0x630];
	v13 =	vmul.f32 v45, v49;
	[tilespmem:s8+$0x5F0] =	vst v10  }
0xb5: {  	v48 =	vld [tilespmem:s8+$0x640];
	v3 =	vmul.f32 v63, v2;
	[tilespmem:s8+$0x600] =	vst v12  }
0xb6: {  	v51 =	vld [tilespmem:s8+$0x660];
	v6 =	vmul.f32 v29, v23;
	[tilespmem:s8+$0x610] =	vst v13  }
0xb7: {  	v52 =	vld [tilespmem:s8+$0x670];
	v11 =	vmul.f32 v42, v40;
	[tilespmem:s8+$0x1C0] =	vst v3  }
0xb8: {  	v28 =	vld [tilespmem:s8+$0x760];
	v9 =	vmul.f32 v46, v49;
	[tilespmem:s8+$0x770] =	vst v6  }
0xb9: {  	v26 =	vld [tilespmem:s8+$0x750];
	v7 =	vmul.f32 v47, v49;
	[tilespmem:s8+$0x5E0] =	vst v11  }
0xba: {  	v30 =	vld [tilespmem:s8+$0x780];
	v8 =	vmul.f32 v48, v49;
	[tilespmem:s8+$0x620] =	vst v9  }
0xbb: {  	v50 =	vld [tilespmem:s8+$0x650];
	v10 =	vmul.f32 v51, v49;
	[tilespmem:s8+$0x630] =	vst v7  }
0xbc: {  	v54 =	vld [tilespmem:s8+$0x690];
	v12 =	vmul.f32 v52, v49;
	[tilespmem:s8+$0x640] =	vst v8  }
0xbd: {  	v55 =	vld [tilespmem:s8+$0x6A0];
	v35 =	vbroadcast v1, $0xC;
	v40 =	vmul.f32 v28, v23;
	[tilespmem:s8+$0x660] =	vst v10  }
0xbe: {  	v56 =	vld [tilespmem:s8+$0x6B0];
	v32 =	vmul.f32 v26, v23;
	[tilespmem:s8+$0x670] =	vst v12  }
0xbf: {  	v60 =	vld [tilespmem:s8+$0x6E0];
	v15 =	vmul.f32 v30, v35;
	[tilespmem:s8+$0x760] =	vst v40  }
0xc0: {  	v62 =	vld [tilespmem:s8+$0x190];
	v11 =	vmul.f32 v50, v49;
	[tilespmem:s8+$0x750] =	vst v32  }
0xc1: {  	v19 =	vld [tilespmem:s8+$0x1D0];
	v9 =	vmul.f32 v54, v5;
	[tilespmem:s8+$0x780] =	vst v15  }
0xc2: {  	v33 =	vld [tilespmem:s8+$0x7B0];
	v7 =	vmul.f32 v55, v5;
	[tilespmem:s8+$0x650] =	vst v11  }
0xc3: {  	v61 =	vld [tilespmem:s8+$0x970];
	v8 =	vmul.f32 v56, v5;
	[tilespmem:s8+$0x690] =	vst v9  }
0xc4: {  	v38 =	vld [tilespmem:s8+$0x7F0];
	v5 =	vmul.f32 v60, v5;
	[tilespmem:s8+$0x6A0] =	vst v7  }
0xc5: {  	v21 =	vld [tilespmem:s8+$0x720];
	v12 =	vmul.f32 v62, v2;
	[tilespmem:s8+$0x6B0] =	vst v8  }
0xc6: {  	v22 =	vld [tilespmem:s8+$0x730];
	v2 =	vmul.f32 v19, v2;
	[tilespmem:s8+$0x6E0] =	vst v5  }
0xc7: {  	v25 =	vld [tilespmem:s8+$0x740];
	v62 =	vmul.f32 v33, v35;
	[tilespmem:s8+$0x190] =	vst v12  }
0xc8: {  	v31 =	vld [tilespmem:s8+$0x790];
	v63 =	vmul.f32 v61, v27;
	[tilespmem:s8+$0x1D0] =	vst v2  }
0xc9: {  	v34 =	vld [tilespmem:s8+$0x7C0];
	v15 =	vmul.f32 v38, v35;
	[tilespmem:s8+$0x7B0] =	vst v62  }
0xca: {  	v41 =	vld [tilespmem:s8+$0x820];
	v7 =	vmul.f32 v21, v23;
	[tilespmem:s8+$0x970] =	vst v63  }
0xcb: {  	v46 =	vld [tilespmem:s8+$0x860];
	v8 =	vmul.f32 v22, v23;
	[tilespmem:s8+$0x7F0] =	vst v15  }
0xcc: {  	v36 =	vld [tilespmem:s8+$0x7D0];
	v5 =	vmul.f32 v25, v23;
	[tilespmem:s8+$0x720] =	vst v7  }
0xcd: {  	v44 =	vbroadcast v1, $0xD;
	v9 =	vmul.f32 v31, v35;
	v2 =	vld [tilespmem:s8+$0x810];
	[tilespmem:s8+$0x730] =	vst v8  }
0xce: {  	v37 =	vld [tilespmem:s8+$0x7E0];
	v12 =	vmul.f32 v34, v35;
	[tilespmem:s8+$0x740] =	vst v5  }
0xcf: {  	v39 =	vld [tilespmem:s8+$0x800];
	v11 =	vmul.f32 v41, v44;
	[tilespmem:s8+$0x790] =	vst v9  }
0xd0: {  	v42 =	vld [tilespmem:s8+$0x830];
	v51 =	vmul.f32 v46, v44;
	[tilespmem:s8+$0x7C0] =	vst v12  }
0xd1: {  	v48 =	vld [tilespmem:s8+$0x890];
	v8 =	vmul.f32 v36, v35;
	[tilespmem:s8+$0x820] =	vst v11  }
0xd2: {  	v49 =	vld [tilespmem:s8+$0x8A0];
	[tilespmem:s8+$0x860] =	vst v51;
	v2 =	vmul.f32 v2, v44  }
0xd3: {  	v50 =	vld [tilespmem:s8+$0x8B0];
	v5 =	vmul.f32 v37, v35;
	[tilespmem:s8+$0x7D0] =	vst v8  }
0xd4: {  	v1 =	vbroadcast v1, $0xE;
	v9 =	vmul.f32 v39, v44;
	[tilespmem:s8+$0x810] =	vst v2;
	v2 =	vld [tilespmem:s8+$0x880]  }
0xd5: {  	v60 =	vld [tilespmem:s8+$0x960];
	v12 =	vmul.f32 v42, v44;
	[tilespmem:s8+$0x7E0] =	vst v5  }
0xd6: {  	v45 =	vld [tilespmem:s8+$0x850];
	v11 =	vmul.f32 v48, v1;
	[tilespmem:s8+$0x800] =	vst v9  }
0xd7: {  	v47 =	vld [tilespmem:s8+$0x870];
	v10 =	vmul.f32 v49, v1;
	[tilespmem:s8+$0x830] =	vst v12  }
0xd8: {  	v43 =	vld [tilespmem:s8+$0x840];
	v6 =	vmul.f32 v50, v1;
	[tilespmem:s8+$0x890] =	vst v11  }
0xd9: {  	v55 =	vld [tilespmem:s8+$0x900];
	[tilespmem:s8+$0x8A0] =	vst v10;
	v2 =	vmul.f32 v2, v1  }
0xda: {  	v57 =	vld [tilespmem:s8+$0x920];
	v4 =	vmul.f32 v60, v27;
	[tilespmem:s8+$0x8B0] =	vst v6  }
0xdb: {  	v5 =	vmul.f32 v45, v44;
	[tilespmem:s8+$0x880] =	vst v2;
	v2 =	vld [tilespmem:s8+$0x8F0]  }
0xdc: {  	v52 =	vld [tilespmem:s8+$0x8C0];
	v9 =	vmul.f32 v47, v44;
	[tilespmem:s8+$0x960] =	vst v4  }
0xdd: {  	v56 =	vld [tilespmem:s8+$0x910];
	v8 =	vmul.f32 v43, v44;
	[tilespmem:s8+$0x850] =	vst v5  }
0xde: {  	v54 =	vld [tilespmem:s8+$0x8E0];
	v11 =	vmul.f32 v55, v27;
	[tilespmem:s8+$0x870] =	vst v9  }
0xdf: {  	v58 =	vld [tilespmem:s8+$0x930];
	v6 =	vmul.f32 v57, v27;
	[tilespmem:s8+$0x840] =	vst v8  }
0xe0: {  	v53 =	vld [tilespmem:s8+$0x8D0];
	[tilespmem:s8+$0x900] =	vst v11;
	v2 =	vmul.f32 v2, v1  }
0xe1: {  	v59 =	vld [tilespmem:s8+$0x940];
	v5 =	vmul.f32 v52, v1;
	[tilespmem:s8+$0x920] =	vst v6  }
0xe2: {  	[tilespmem:s8+$0x8F0] =	vst v2;
	v2 =	vmul.f32 v56, v27  }
0xe3: {  	v3 =	vld [tilespmem:s8+$0x7A0];
	v9 =	vmul.f32 v54, v1;
	[tilespmem:s8+$0x8C0] =	vst v5  }
0xe4: {  	[tilespmem:s8+$0x910] =	vst v2;
	v2 =	vmul.f32 v58, v27  }
0xe5: {  	[tilespmem:s8+$0x8E0] =	vst v9;
	v1 =	vmul.f32 v53, v1  }
0xe6: {  	[tilespmem:s8+$0x930] =	vst v2;
	v2 =	vmul.f32 v59, v27  }
0xe7: {  	[tilespmem:s8+$0x8D0] =	vst v1  }
0xe8: {  	s9 =	simm.s32 $0x1;
	[tilespmem:s8+$0x940] =	vst v2;
	v2 =	vmul.f32 v3, v35  }
.LBB2_5:
0xe9: {  	s10 =	sshll.u32 s9, $0x4  }
0xea: {  	p0 =	sne.s32 s9, $0x4;
	[tilespmem:s8+$0x7A0] =	vst v2;
	s8 =	smov.u32 s9;
	s9 =	sadd.s32 $0x1, s9  }
0xeb: {  	s10 =	sand.u32 $0x3FFFFFF0, s10  }
0xec: {  	s8 =	sshll.u32 s8, $0xB;
	v1 =	vld [tilespmem:s10+$0x100]  }
0xed: {  	s8 =	sand.u32 $0x3FFFF800, s8  }
0xee: {  	v8 =	vld [tilespmem:s8+$0x240]  }
0xef: {  	v9 =	vld [tilespmem:s8+$0x250]  }
0xf0: {  	v10 =	vld [tilespmem:s8+$0x230]  }
0xf1: {  	v2 =	vbroadcast v1, $0x0;
	v3 =	vld [tilespmem:s8+$0x1A0];
	v7 =	vbroadcast v1, $0x4  }
0xf2: {  	v5 =	vld [tilespmem:s8+$0x1B0]  }
0xf3: {  	v6 =	vld [tilespmem:s8+$0x6F0]  }
0xf4: {  	v11 =	vld [tilespmem:s8+$0x1E0]  }
0xf5: {  	v12 =	vld [tilespmem:s8+$0x1F0]  }
0xf6: {  	v4 =	vbroadcast v1, $0xA;
	v3 =	vmul.f32 v3, v2;
	v13 =	vld [tilespmem:s8+$0x200]  }
0xf7: {  	v5 =	vmul.f32 v5, v2;
	v14 =	vld [tilespmem:s8+$0x210]  }
0xf8: {  	[tilespmem:s8+$0x1A0] =	vst v3;
	v15 =	vld [tilespmem:s8+$0x220];
	v3 =	vmul.f32 v6, v4  }
0xf9: {  	[tilespmem:s8+$0x1B0] =	vst v5;
	v6 =	vmul.f32 v11, v2;
	v11 =	vbroadcast v1, $0x1;
	v5 =	vld [tilespmem:s8+$0x700]  }
0xfa: {  	v12 =	vmul.f32 v12, v2;
	[tilespmem:s8+$0x6F0] =	vst v3;
	v3 =	vld [tilespmem:s8+$0x950]  }
0xfb: {  	[tilespmem:s8+$0x1E0] =	vst v6;
	v13 =	vmul.f32 v13, v11;
	v6 =	vld [tilespmem:s8+$0x710]  }
0xfc: {  	[tilespmem:s8+$0x1F0] =	vst v12;
	v12 =	vmul.f32 v14, v11;
	v14 =	vld [tilespmem:s8+$0x260]  }
0xfd: {  	[tilespmem:s8+$0x200] =	vst v13;
	v13 =	vmul.f32 v15, v11;
	v15 =	vld [tilespmem:s8+$0x270]  }
0xfe: {  	v10 =	vmul.f32 v10, v11;
	[tilespmem:s8+$0x210] =	vst v12;
	v12 =	vld [tilespmem:s8+$0x280]  }
0xff: {  	v8 =	vmul.f32 v8, v11;
	[tilespmem:s8+$0x220] =	vst v13;
	v13 =	vld [tilespmem:s8+$0x290]  }
0x100: {  	v9 =	vmul.f32 v9, v11;
	[tilespmem:s8+$0x230] =	vst v10;
	v10 =	vld [tilespmem:s8+$0x2A0]  }
0x101: {  	[tilespmem:s8+$0x240] =	vst v8;
	v8 =	vmul.f32 v14, v11;
	v14 =	vbroadcast v1, $0x2;
	v16 =	vld [tilespmem:s8+$0x2B0]  }
0x102: {  	[tilespmem:s8+$0x250] =	vst v9;
	v9 =	vmul.f32 v15, v11;
	v11 =	vld [tilespmem:s8+$0x2C0]  }
0x103: {  	[tilespmem:s8+$0x260] =	vst v8;
	v8 =	vmul.f32 v12, v14;
	v12 =	vld [tilespmem:s8+$0x2D0]  }
0x104: {  	[tilespmem:s8+$0x270] =	vst v9;
	v9 =	vmul.f32 v13, v14;
	v13 =	vld [tilespmem:s8+$0x2E0]  }
0x105: {  	[tilespmem:s8+$0x280] =	vst v8;
	v8 =	vmul.f32 v10, v14;
	v10 =	vld [tilespmem:s8+$0x2F0]  }
0x106: {  	[tilespmem:s8+$0x290] =	vst v9;
	v9 =	vmul.f32 v16, v14;
	v15 =	vld [tilespmem:s8+$0x300]  }
0x107: {  	[tilespmem:s8+$0x2A0] =	vst v8;
	v8 =	vmul.f32 v11, v14;
	v11 =	vld [tilespmem:s8+$0x310]  }
0x108: {  	[tilespmem:s8+$0x2B0] =	vst v9;
	v9 =	vmul.f32 v12, v14;
	v12 =	vld [tilespmem:s8+$0x320]  }
0x109: {  	[tilespmem:s8+$0x2C0] =	vst v8;
	v8 =	vmul.f32 v13, v14;
	v13 =	vbroadcast v1, $0x3;
	v16 =	vld [tilespmem:s8+$0x330]  }
0x10a: {  	[tilespmem:s8+$0x2D0] =	vst v9;
	v9 =	vmul.f32 v10, v14;
	v10 =	vld [tilespmem:s8+$0x340]  }
0x10b: {  	[tilespmem:s8+$0x2E0] =	vst v8;
	v8 =	vmul.f32 v15, v13;
	v14 =	vld [tilespmem:s8+$0x350]  }
0x10c: {  	[tilespmem:s8+$0x2F0] =	vst v9;
	v9 =	vmul.f32 v11, v13;
	v11 =	vld [tilespmem:s8+$0x360]  }
0x10d: {  	[tilespmem:s8+$0x300] =	vst v8;
	v8 =	vmul.f32 v12, v13;
	v12 =	vld [tilespmem:s8+$0x370]  }
0x10e: {  	[tilespmem:s8+$0x310] =	vst v9;
	v9 =	vmul.f32 v16, v13;
	v15 =	vld [tilespmem:s8+$0x380]  }
0x10f: {  	[tilespmem:s8+$0x320] =	vst v8;
	v8 =	vmul.f32 v10, v13;
	v10 =	vld [tilespmem:s8+$0x390]  }
0x110: {  	[tilespmem:s8+$0x330] =	vst v9;
	v9 =	vmul.f32 v14, v13;
	v14 =	vld [tilespmem:s8+$0x3A0]  }
0x111: {  	[tilespmem:s8+$0x340] =	vst v8;
	v8 =	vmul.f32 v11, v13;
	v11 =	vld [tilespmem:s8+$0x3B0]  }
0x112: {  	[tilespmem:s8+$0x350] =	vst v9;
	v9 =	vmul.f32 v12, v13;
	v12 =	vld [tilespmem:s8+$0x3C0]  }
0x113: {  	[tilespmem:s8+$0x360] =	vst v8;
	v8 =	vmul.f32 v15, v7;
	v13 =	vld [tilespmem:s8+$0x3D0]  }
0x114: {  	[tilespmem:s8+$0x370] =	vst v9;
	v9 =	vmul.f32 v10, v7;
	v10 =	vld [tilespmem:s8+$0x3E0]  }
0x115: {  	[tilespmem:s8+$0x380] =	vst v8;
	v8 =	vmul.f32 v14, v7;
	v14 =	vld [tilespmem:s8+$0x3F0]  }
0x116: {  	[tilespmem:s8+$0x390] =	vst v9;
	v9 =	vmul.f32 v11, v7;
	v11 =	vld [tilespmem:s8+$0x400]  }
0x117: {  	[tilespmem:s8+$0x3A0] =	vst v8;
	v8 =	vmul.f32 v12, v7;
	v12 =	vld [tilespmem:s8+$0x410]  }
0x118: {  	[tilespmem:s8+$0x3B0] =	vst v9;
	v9 =	vmul.f32 v13, v7;
	v13 =	vld [tilespmem:s8+$0x420]  }
0x119: {  	[tilespmem:s8+$0x3C0] =	vst v8;
	v8 =	vmul.f32 v10, v7;
	v10 =	vbroadcast v1, $0x5;
	v15 =	vld [tilespmem:s8+$0x430]  }
0x11a: {  	[tilespmem:s8+$0x3D0] =	vst v9;
	v7 =	vmul.f32 v14, v7;
	v9 =	vld [tilespmem:s8+$0x440]  }
0x11b: {  	[tilespmem:s8+$0x3E0] =	vst v8;
	v8 =	vmul.f32 v11, v10;
	v11 =	vld [tilespmem:s8+$0x450]  }
0x11c: {  	[tilespmem:s8+$0x3F0] =	vst v7;
	v7 =	vmul.f32 v12, v10;
	v12 =	vld [tilespmem:s8+$0x460]  }
0x11d: {  	[tilespmem:s8+$0x400] =	vst v8;
	v8 =	vmul.f32 v13, v10;
	v13 =	vld [tilespmem:s8+$0x470]  }
0x11e: {  	[tilespmem:s8+$0x410] =	vst v7;
	v7 =	vmul.f32 v15, v10;
	v14 =	vld [tilespmem:s8+$0x480]  }
0x11f: {  	[tilespmem:s8+$0x420] =	vst v8;
	v8 =	vmul.f32 v9, v10;
	v9 =	vld [tilespmem:s8+$0x490]  }
0x120: {  	[tilespmem:s8+$0x430] =	vst v7;
	v7 =	vmul.f32 v11, v10;
	v11 =	vld [tilespmem:s8+$0x4A0]  }
0x121: {  	[tilespmem:s8+$0x440] =	vst v8;
	v8 =	vmul.f32 v12, v10;
	v12 =	vbroadcast v1, $0x6;
	v15 =	vld [tilespmem:s8+$0x4B0]  }
0x122: {  	[tilespmem:s8+$0x450] =	vst v7;
	v7 =	vmul.f32 v13, v10;
	v10 =	vld [tilespmem:s8+$0x4C0]  }
0x123: {  	[tilespmem:s8+$0x460] =	vst v8;
	v8 =	vmul.f32 v14, v12;
	v13 =	vld [tilespmem:s8+$0x4D0]  }
0x124: {  	[tilespmem:s8+$0x470] =	vst v7;
	v7 =	vmul.f32 v9, v12;
	v9 =	vld [tilespmem:s8+$0x4E0]  }
0x125: {  	[tilespmem:s8+$0x480] =	vst v8;
	v8 =	vmul.f32 v11, v12;
	v11 =	vld [tilespmem:s8+$0x4F0]  }
0x126: {  	[tilespmem:s8+$0x490] =	vst v7;
	v7 =	vmul.f32 v15, v12;
	v14 =	vld [tilespmem:s8+$0x500]  }
0x127: {  	[tilespmem:s8+$0x4A0] =	vst v8;
	v8 =	vmul.f32 v10, v12;
	v10 =	vld [tilespmem:s8+$0x510]  }
0x128: {  	[tilespmem:s8+$0x4B0] =	vst v7;
	v7 =	vmul.f32 v13, v12;
	v13 =	vld [tilespmem:s8+$0x520]  }
0x129: {  	[tilespmem:s8+$0x4C0] =	vst v8;
	v8 =	vmul.f32 v9, v12;
	v9 =	vbroadcast v1, $0x7;
	v15 =	vld [tilespmem:s8+$0x530]  }
0x12a: {  	[tilespmem:s8+$0x4D0] =	vst v7;
	v7 =	vmul.f32 v11, v12;
	v11 =	vld [tilespmem:s8+$0x540]  }
0x12b: {  	[tilespmem:s8+$0x4E0] =	vst v8;
	v8 =	vmul.f32 v14, v9;
	v12 =	vld [tilespmem:s8+$0x550]  }
0x12c: {  	[tilespmem:s8+$0x4F0] =	vst v7;
	v7 =	vmul.f32 v10, v9;
	v10 =	vld [tilespmem:s8+$0x560]  }
0x12d: {  	[tilespmem:s8+$0x500] =	vst v8;
	v8 =	vmul.f32 v13, v9;
	v13 =	vld [tilespmem:s8+$0x570]  }
0x12e: {  	[tilespmem:s8+$0x510] =	vst v7;
	v7 =	vmul.f32 v15, v9;
	v14 =	vld [tilespmem:s8+$0x580]  }
0x12f: {  	[tilespmem:s8+$0x520] =	vst v8;
	v8 =	vmul.f32 v11, v9;
	v11 =	vld [tilespmem:s8+$0x590]  }
0x130: {  	[tilespmem:s8+$0x530] =	vst v7;
	v7 =	vmul.f32 v12, v9;
	v12 =	vld [tilespmem:s8+$0x5A0]  }
0x131: {  	[tilespmem:s8+$0x540] =	vst v8;
	v8 =	vmul.f32 v10, v9;
	v10 =	vbroadcast v1, $0x8;
	v15 =	vld [tilespmem:s8+$0x5B0]  }
0x132: {  	[tilespmem:s8+$0x550] =	vst v7;
	v7 =	vmul.f32 v13, v9;
	v9 =	vld [tilespmem:s8+$0x5C0]  }
0x133: {  	[tilespmem:s8+$0x560] =	vst v8;
	v8 =	vmul.f32 v14, v10;
	v13 =	vld [tilespmem:s8+$0x5D0]  }
0x134: {  	[tilespmem:s8+$0x570] =	vst v7;
	v7 =	vmul.f32 v11, v10;
	v11 =	vld [tilespmem:s8+$0x5E0]  }
0x135: {  	[tilespmem:s8+$0x580] =	vst v8;
	v8 =	vmul.f32 v12, v10;
	v12 =	vld [tilespmem:s8+$0x5F0]  }
0x136: {  	[tilespmem:s8+$0x590] =	vst v7;
	v7 =	vmul.f32 v15, v10;
	v14 =	vld [tilespmem:s8+$0x600]  }
0x137: {  	[tilespmem:s8+$0x5A0] =	vst v8;
	v8 =	vmul.f32 v9, v10;
	v9 =	vld [tilespmem:s8+$0x610]  }
0x138: {  	[tilespmem:s8+$0x5B0] =	vst v7;
	v7 =	vmul.f32 v13, v10;
	v13 =	vld [tilespmem:s8+$0x620]  }
0x139: {  	[tilespmem:s8+$0x5C0] =	vst v8;
	v8 =	vmul.f32 v11, v10;
	v11 =	vbroadcast v1, $0x9;
	v15 =	vld [tilespmem:s8+$0x630]  }
0x13a: {  	[tilespmem:s8+$0x5D0] =	vst v7;
	v7 =	vmul.f32 v12, v10;
	v10 =	vld [tilespmem:s8+$0x640]  }
0x13b: {  	[tilespmem:s8+$0x5E0] =	vst v8;
	v8 =	vmul.f32 v14, v11;
	v12 =	vld [tilespmem:s8+$0x650]  }
0x13c: {  	[tilespmem:s8+$0x5F0] =	vst v7;
	v7 =	vmul.f32 v9, v11;
	v9 =	vld [tilespmem:s8+$0x660]  }
0x13d: {  	[tilespmem:s8+$0x600] =	vst v8;
	v8 =	vmul.f32 v13, v11;
	v13 =	vld [tilespmem:s8+$0x670]  }
0x13e: {  	[tilespmem:s8+$0x610] =	vst v7;
	v7 =	vmul.f32 v15, v11;
	v14 =	vld [tilespmem:s8+$0x680]  }
0x13f: {  	[tilespmem:s8+$0x620] =	vst v8;
	v8 =	vmul.f32 v10, v11;
	v10 =	vld [tilespmem:s8+$0x690]  }
0x140: {  	[tilespmem:s8+$0x630] =	vst v7;
	v7 =	vmul.f32 v12, v11;
	v12 =	vld [tilespmem:s8+$0x6A0]  }
0x141: {  	[tilespmem:s8+$0x640] =	vst v8;
	v8 =	vmul.f32 v9, v11;
	v9 =	vld [tilespmem:s8+$0x6B0]  }
0x142: {  	[tilespmem:s8+$0x650] =	vst v7;
	v7 =	vmul.f32 v13, v11;
	v11 =	vld [tilespmem:s8+$0x6C0]  }
0x143: {  	[tilespmem:s8+$0x660] =	vst v8;
	v8 =	vmul.f32 v14, v4;
	v13 =	vld [tilespmem:s8+$0x6D0]  }
0x144: {  	[tilespmem:s8+$0x670] =	vst v7;
	v7 =	vmul.f32 v10, v4;
	v10 =	vld [tilespmem:s8+$0x6E0]  }
0x145: {  	v14 =	vld [tilespmem:s8+$0x180];
	[tilespmem:s8+$0x680] =	vst v8;
	v8 =	vmul.f32 v12, v4  }
0x146: {  	v12 =	vld [tilespmem:s8+$0x190];
	[tilespmem:s8+$0x690] =	vst v7;
	v7 =	vmul.f32 v9, v4  }
0x147: {  	v9 =	vld [tilespmem:s8+$0x1C0];
	[tilespmem:s8+$0x6A0] =	vst v8;
	v8 =	vmul.f32 v11, v4  }
0x148: {  	v11 =	vld [tilespmem:s8+$0x1D0];
	[tilespmem:s8+$0x6B0] =	vst v7;
	v7 =	vmul.f32 v13, v4  }
0x149: {  	[tilespmem:s8+$0x6C0] =	vst v8;
	v8 =	vmul.f32 v10, v4;
	v10 =	vbroadcast v1, $0xB;
	v13 =	vld [tilespmem:s8+$0x720]  }
0x14a: {  	v4 =	vbroadcast v1, $0xF;
	v14 =	vmul.f32 v2, v14;
	[tilespmem:s8+$0x6D0] =	vst v7;
	v7 =	vld [tilespmem:s8+$0x730]  }
0x14b: {  	v12 =	vmul.f32 v12, v2;
	[tilespmem:s8+$0x6E0] =	vst v8;
	v5 =	vmul.f32 v5, v10;
	v8 =	vld [tilespmem:s8+$0x740]  }
0x14c: {  	v6 =	vmul.f32 v6, v10;
	[tilespmem:s8+$0x180] =	vst v14;
	v9 =	vmul.f32 v9, v2;
	v14 =	vld [tilespmem:s8+$0x750]  }
0x14d: {  	v3 =	vmul.f32 v3, v4;
	v11 =	vmul.f32 v11, v2;
	[tilespmem:s8+$0x700] =	vst v5;
	v2 =	vld [tilespmem:s8+$0x760]  }
0x14e: {  	[tilespmem:s8+$0x710] =	vst v6;
	v5 =	vmul.f32 v13, v10;
	v6 =	vld [tilespmem:s8+$0x770]  }
0x14f: {  	v7 =	vmul.f32 v7, v10;
	v13 =	vld [tilespmem:s8+$0x780];
	[tilespmem:s8+$0x950] =	vst v3  }
0x150: {  	[tilespmem:s8+$0x190] =	vst v12;
	v3 =	vmul.f32 v8, v10;
	v8 =	vld [tilespmem:s8+$0x790]  }
0x151: {  	[tilespmem:s8+$0x1C0] =	vst v9;
	v9 =	vmul.f32 v14, v10;
	v12 =	vld [tilespmem:s8+$0x7A0]  }
0x152: {  	v14 =	vbroadcast v1, $0xC;
	[tilespmem:s8+$0x720] =	vst v5;
	v5 =	vmul.f32 v2, v10;
	v15 =	vld [tilespmem:s8+$0x7B0]  }
0x153: {  	[tilespmem:s8+$0x750] =	vst v9;
	v6 =	vmul.f32 v6, v10;
	v9 =	vld [tilespmem:s8+$0x7C0]  }
0x154: {  	[tilespmem:s8+$0x730] =	vst v7;
	v2 =	vmul.f32 v13, v14;
	v7 =	vld [tilespmem:s8+$0x7D0]  }
0x155: {  	[tilespmem:s8+$0x740] =	vst v3;
	v3 =	vmul.f32 v8, v14;
	v8 =	vld [tilespmem:s8+$0x7E0]  }
0x156: {  	[tilespmem:s8+$0x780] =	vst v2;
	v2 =	vmul.f32 v12, v14;
	v10 =	vld [tilespmem:s8+$0x7F0]  }
0x157: {  	[tilespmem:s8+$0x790] =	vst v3;
	v3 =	vld [tilespmem:s8+$0x800]  }
0x158: {  	[tilespmem:s8+$0x1D0] =	vst v11;
	v9 =	vmul.f32 v9, v14;
	v11 =	vld [tilespmem:s8+$0x810]  }
0x159: {  	[tilespmem:s8+$0x760] =	vst v5;
	v5 =	vmul.f32 v7, v14;
	v7 =	vld [tilespmem:s8+$0x820]  }
0x15a: {  	[tilespmem:s8+$0x7C0] =	vst v9;
	v8 =	vmul.f32 v8, v14;
	v9 =	vbroadcast v1, $0xD;
	v12 =	vld [tilespmem:s8+$0x830]  }
0x15b: {  	[tilespmem:s8+$0x7D0] =	vst v5;
	v5 =	vmul.f32 v10, v14;
	v10 =	vld [tilespmem:s8+$0x840]  }
0x15c: {  	[tilespmem:s8+$0x7E0] =	vst v8;
	v3 =	vmul.f32 v3, v9;
	v8 =	vld [tilespmem:s8+$0x850]  }
0x15d: {  	[tilespmem:s8+$0x7F0] =	vst v5;
	v5 =	vmul.f32 v11, v9;
	v11 =	vld [tilespmem:s8+$0x860]  }
0x15e: {  	[tilespmem:s8+$0x800] =	vst v3;
	v3 =	vmul.f32 v7, v9;
	v7 =	vld [tilespmem:s8+$0x870]  }
0x15f: {  	[tilespmem:s8+$0x810] =	vst v5;
	v5 =	vmul.f32 v12, v9;
	v12 =	vld [tilespmem:s8+$0x880]  }
0x160: {  	[tilespmem:s8+$0x820] =	vst v3;
	v3 =	vmul.f32 v10, v9;
	v10 =	vld [tilespmem:s8+$0x890]  }
0x161: {  	[tilespmem:s8+$0x830] =	vst v5;
	v5 =	vmul.f32 v8, v9;
	v8 =	vld [tilespmem:s8+$0x8A0]  }
0x162: {  	v1 =	vbroadcast v1, $0xE;
	[tilespmem:s8+$0x770] =	vst v6;
	v6 =	vmul.f32 v11, v9;
	v11 =	vld [tilespmem:s8+$0x8B0]  }
0x163: {  	[tilespmem:s8+$0x850] =	vst v5;
	v5 =	vmul.f32 v7, v9;
	v7 =	vld [tilespmem:s8+$0x8C0]  }
0x164: {  	[tilespmem:s8+$0x860] =	vst v6;
	v6 =	vmul.f32 v12, v1;
	v9 =	vld [tilespmem:s8+$0x8D0]  }
0x165: {  	[tilespmem:s8+$0x870] =	vst v5;
	v5 =	vmul.f32 v10, v1;
	v10 =	vld [tilespmem:s8+$0x8E0]  }
0x166: {  	[tilespmem:s8+$0x880] =	vst v6;
	v6 =	vmul.f32 v8, v1;
	v8 =	vld [tilespmem:s8+$0x8F0]  }
0x167: {  	[tilespmem:s8+$0x890] =	vst v5;
	v5 =	vmul.f32 v11, v1;
	v11 =	vld [tilespmem:s8+$0x900]  }
0x168: {  	[tilespmem:s8+$0x8A0] =	vst v6;
	v6 =	vmul.f32 v7, v1;
	v7 =	vld [tilespmem:s8+$0x910]  }
0x169: {  	[tilespmem:s8+$0x8B0] =	vst v5;
	v5 =	vmul.f32 v9, v1;
	v9 =	vld [tilespmem:s8+$0x920]  }
0x16a: {  	[tilespmem:s8+$0x8C0] =	vst v6;
	v6 =	vmul.f32 v10, v1;
	v10 =	vld [tilespmem:s8+$0x930]  }
0x16b: {  	[tilespmem:s8+$0x840] =	vst v3;
	v1 =	vmul.f32 v8, v1;
	v3 =	vld [tilespmem:s8+$0x940]  }
0x16c: {  	[tilespmem:s8+$0x8E0] =	vst v6;
	v6 =	vmul.f32 v11, v4;
	v8 =	vld [tilespmem:s8+$0x960]  }
0x16d: {  	[tilespmem:s8+$0x8F0] =	vst v1;
	v1 =	vmul.f32 v7, v4;
	v7 =	vld [tilespmem:s8+$0x970]  }
0x16e: {  	[tilespmem:s8+$0x900] =	vst v6;
	v6 =	vmul.f32 v9, v4  }
0x16f: {  	[tilespmem:s8+$0x910] =	vst v1;
	v1 =	vmul.f32 v10, v4  }
0x170: {  	v9 =	vmul.f32 v15, v14;
	[tilespmem:s8+$0x920] =	vst v6  }
0x171: {  	[tilespmem:s8+$0x930] =	vst v1;
	v1 =	vmul.f32 v3, v4  }
.Ltmp1:
0x172: {  	[tilespmem:s8+$0x7B0] =	vst v9;
	v3 =	vmul.f32 v7, v4;
	(pc) =	sbr.rel @p0 .LBB2_5-.Ltmp1, $4  }
0x173: {  	[tilespmem:s8+$0x940] =	vst v1  }
0x174: {  	v1 =	vmul.f32 v8, v4;
	[tilespmem:s8+$0x970] =	vst v3  }
0x175: {  	[tilespmem:s8+$0x8D0] =	vst v5  }
0x176: {  	[tilespmem:s8+$0x960] =	vst v1  }
0x177: {  	s7 =	sadd.s32 $0x1, s7  }
0x178: {  	p0 =	sne.s32 s7, $0x7D  }
.Ltmp2:
0x179: {  	[tilespmem:s8+$0x7A0] =	vst v2;
	(pc) =	sbr.rel @p0 .LBB2_4-.Ltmp2, $4  }
0x17a: {  	[spmem:s1] =	stream.indirect.scatter.add.f32 [tilespmem:s26], [sflag:$0x2], $0x80, s29, s31, $0xb8;
	[tilespmem:$0x16980] =	vst v63  }
0x17b: {  	_ =	swait.ge [sflag:s28], $0x2800  }
0x17c: {  	[sflag:s28] =	ssyncset.done $0x0  }
0x17d: {  	[sflag:s28] =	ssyncadd.s32 $0xFFFFD800  }
0x17e: {  	[bflag:$0x0] =	sbarrier.arrive $0xFFFF  }
0x17f: {  	[tilespmem:s26], [sflag:$0x2] =	stream.linear.gather [spmem:s17], $0x2800, $0x38;
	[tilespmem:$0x16980] =	vst v63  }
0x180: {  	_ =	swait.ge [sflag:s28], $0x2800  }
0x181: {  	[sflag:s28] =	ssyncset.done $0x0  }
0x182: {  	s6 =	rddreg [dreg:$0x3];
	[sflag:s28] =	ssyncadd.s32 $0xFFFFD800  }
0x183: {  	[hbm4b:s6+s2] =	stream.linear.scatter [tilespmem:s26], [sflag:$0x2], $0x2800, $0x38;
	[tilespmem:$0x16980] =	vst v63  }
0x184: {  	_ =	swait.ge [sflag:s28], $0x2800  }
0x185: {  	[sflag:s28] =	ssyncset.done $0x0  }
0x186: {  	[sflag:s28] =	ssyncadd.s32 $0xFFFFD800  }
0x187: {  	[tilespmem:s26], [sflag:$0x2] =	stream.linear.gather [spmem:s18], $0x2800, $0x38;
	[tilespmem:$0x16980] =	vst v63  }
0x188: {  	_ =	swait.ge [sflag:s28], $0x2800  }
0x189: {  	[sflag:s28] =	ssyncset.done $0x0  }
0x18a: {  	s7 =	rddreg [dreg:$0x4];
	[sflag:s28] =	ssyncadd.s32 $0xFFFFD800  }
0x18b: {  	[hbm4b:s7+s2] =	stream.linear.scatter [tilespmem:s26], [sflag:$0x2], $0x2800, $0x38;
	[tilespmem:$0x16980] =	vst v63  }
0x18c: {  	_ =	swait.ge [sflag:s28], $0x2800  }
0x18d: {  	[sflag:s28] =	ssyncset.done $0x0  }
0x18e: {  	[sflag:s28] =	ssyncadd.s32 $0xFFFFD800  }
0x18f: {  	[tilespmem:s26], [sflag:$0x2] =	stream.linear.gather [spmem:s19], $0x2800, $0x38;
	[tilespmem:$0x16980] =	vst v63  }
0x190: {  	_ =	swait.ge [sflag:s28], $0x2800  }
0x191: {  	[sflag:s28] =	ssyncset.done $0x0  }
0x192: {  	s8 =	rddreg [dreg:$0x5];
	[sflag:s28] =	ssyncadd.s32 $0xFFFFD800  }
0x193: {  	[hbm4b:s8+s2] =	stream.linear.scatter [tilespmem:s26], [sflag:$0x2], $0x2800, $0x38;
	[tilespmem:$0x16980] =	vst v63  }
0x194: {  	_ =	swait.ge [sflag:s28], $0x2800  }
0x195: {  	[sflag:s28] =	ssyncset.done $0x0  }
0x196: {  	[sflag:s28] =	ssyncadd.s32 $0xFFFFD800  }
0x197: {  	[tilespmem:s26], [sflag:$0x2] =	stream.linear.gather [spmem:s20], $0x2800, $0x38;
	[tilespmem:$0x16980] =	vst v63  }
0x198: {  	_ =	swait.ge [sflag:s28], $0x2800  }
0x199: {  	[sflag:s28] =	ssyncset.done $0x0  }
0x19a: {  	s9 =	rddreg [dreg:$0x6];
	[sflag:s28] =	ssyncadd.s32 $0xFFFFD800  }
0x19b: {  	[hbm4b:s9+s2] =	stream.linear.scatter [tilespmem:s26], [sflag:$0x2], $0x2800, $0x38;
	[tilespmem:$0x16980] =	vst v63  }
0x19c: {  	_ =	swait.ge [sflag:s28], $0x2800  }
0x19d: {  	[sflag:s28] =	ssyncset.done $0x0  }
0x19e: {  	[sflag:s28] =	ssyncadd.s32 $0xFFFFD800  }
0x19f: {  	[tilespmem:s26], [sflag:$0x2] =	stream.linear.gather [spmem:s21], $0x2800, $0x38;
	[tilespmem:$0x16980] =	vst v63  }
0x1a0: {  	_ =	swait.ge [sflag:s28], $0x2800  }
0x1a1: {  	[sflag:s28] =	ssyncset.done $0x0  }
0x1a2: {  	s10 =	rddreg [dreg:$0x7];
	[sflag:s28] =	ssyncadd.s32 $0xFFFFD800  }
0x1a3: {  	[hbm4b:s10+s2] =	stream.linear.scatter [tilespmem:s26], [sflag:$0x2], $0x2800, $0x38;
	[tilespmem:$0x16980] =	vst v63  }
0x1a4: {  	_ =	swait.ge [sflag:s28], $0x2800  }
0x1a5: {  	[sflag:s28] =	ssyncset.done $0x0  }
0x1a6: {  	[sflag:s28] =	ssyncadd.s32 $0xFFFFD800  }
0x1a7: {  	[tilespmem:s26], [sflag:$0x2] =	stream.linear.gather [spmem:s22], $0x2800, $0x38;
	[tilespmem:$0x16980] =	vst v63  }
0x1a8: {  	_ =	swait.ge [sflag:s28], $0x2800  }
0x1a9: {  	[sflag:s28] =	ssyncset.done $0x0  }
0x1aa: {  	[sflag:s28] =	ssyncadd.s32 $0xFFFFD800  }
0x1ab: {  	[hbm4b:s11+s2] =	stream.linear.scatter [tilespmem:s26], [sflag:$0x2], $0x2800, $0x38;
	[tilespmem:$0x16980] =	vst v63  }
0x1ac: {  	_ =	swait.ge [sflag:s28], $0x2800  }
0x1ad: {  	[sflag:s28] =	ssyncset.done $0x0  }
0x1ae: {  	[sflag:s28] =	ssyncadd.s32 $0xFFFFD800  }
0x1af: {  	[tilespmem:s26], [sflag:$0x2] =	stream.linear.gather [spmem:s23], $0x2800, $0x38;
	[tilespmem:$0x16980] =	vst v63  }
0x1b0: {  	_ =	swait.ge [sflag:s28], $0x2800  }
0x1b1: {  	[sflag:s28] =	ssyncset.done $0x0  }
0x1b2: {  	[sflag:s28] =	ssyncadd.s32 $0xFFFFD800  }
0x1b3: {  	[hbm4b:s12+s2] =	stream.linear.scatter [tilespmem:s26], [sflag:$0x2], $0x2800, $0x38;
	[tilespmem:$0x16980] =	vst v63  }
0x1b4: {  	_ =	swait.ge [sflag:s28], $0x2800  }
0x1b5: {  	[sflag:s28] =	ssyncset.done $0x0  }
0x1b6: {  	[sflag:s28] =	ssyncadd.s32 $0xFFFFD800  }
0x1b7: {  	[tilespmem:s26], [sflag:$0x2] =	stream.linear.gather [spmem:s24], $0x2800, $0x38;
	[tilespmem:$0x16980] =	vst v63  }
0x1b8: {  	s3 =	sadd.s32 $0x1, s3;
	_ =	swait.ge [sflag:s28], $0x2800  }
0x1b9: {  	p0 =	sne.s32 s3, s25;
	[sflag:s28] =	ssyncset.done $0x0  }
.Ltmp3:
0x1ba: {  	[sflag:s28] =	ssyncadd.s32 $0xFFFFD800;
	(pc) =	sbr.rel @p0 .LBB2_1-.Ltmp3, $4  }
0x1bb: {  	[hbm4b:s13+s2] =	stream.linear.scatter [tilespmem:s26], [sflag:$0x2], $0x2800, $0x38;
	[tilespmem:$0x16980] =	vst v63  }
0x1bc: {  	_ =	swait.ge [sflag:s28], $0x2800  }
0x1bd: {  	[sflag:s28] =	ssyncset.done $0x0  }
0x1be: {  	[sflag:s28] =	ssyncadd.s32 $0xFFFFD800  }
0x1bf: {  	_ =	sfence.sel $0x180000  }
0x1c0: {  	[bflag:$0x0] =	sbarrier.arrive $0xFFFF  }
0x1c1: {  	_ =	strace $0x9000004A  }
0x1c2: {  	s0 =	stileid.u32;
	[bflag:$0x2] =	sbarrier.arrive $0xFFFF  }
0x1c3: {  	p0 =	sne.s32 s0, $0x0;
	s0 =	rddreg [dreg:$0x2]  }
0x1c4: {  	s0 =	sadd.s32 @!p0 $0x100000, s0  }
0x1c5: {  	[sflag:s0] =	ssyncadd.tile.s32 @!p0 $0x1;
	_ =	shalt  }
.Lfunc_end2:
_tile_overlayer_lowered:
.L_overlay_start_2:
0x1c6: {  	(tag) =	ssettag $0x2  }
0x1c7: {  	s0 =	rddreg [dreg:$0x0];
	s2 =	stileid.u32  }
0x1c8: {  	s1 =	rddreg [dreg:$0x1];
	p0 =	sne.s32 s2, $0x0  }
0x1c9: {  	s3 =	rddreg [dreg:$0x2];
	[bflag:$0x3] =	sbarrier.arrive $0xFFFF;
	s2 =	simm.s32 @!p0 $0x1C02  }
0x1ca: {  	[timem:s3], [sflag:s2] =	dma.local @!p0 [hbm:s0], s1  }
0x1cb: {  	s0 =	simm.s32 @!p0 $0x2  }
0x1cc: {  	_ =	swait.ge @!p0 [sflag:s0], s1  }
0x1cd: {  	s1 =	ssub.s32 @!p0 $0x0, s1;
	[sflag:s0] =	ssyncset.done @!p0 $0x0  }
0x1ce: {  	[sflag:s0] =	ssyncadd.s32 @!p0 s1  }
0x1cf: {  	[bflag:$0x3] =	sbarrier.arrive $0xFFFF  }
0x1d0: {  	_ =	shalt  }

// kernel: kernel.7.cloned.1.call-start
scs
__scs_entry_jumppad:
0x0: {  	(pc) =	sbr.rel $0x88, $3  }
0x1: {  	(tag) =	ssettag $0x0;
	lr =	simm.s32 $0x1  }
0x2: {  	[smem:$0x3F9B] =	sst lr;
	_ =	strace $0xD0000000  }
0x3: {  	_ = 	snop  }
0x4: {  	_ = 	snop  }
0x5: {  	_ = 	snop  }
0x6: {  	_ = 	snop  }
0x7: {  	_ = 	snop  }
__scs_overlays_trampoline_lowered:
0x8: {  	[smem:$0x3FAA] =	sst s0  }
0x9: {  	[smem:$0x3FAB] =	sst s1  }
0xa: {  	[smem:$0x3FAC] =	sst s2  }
0xb: {  	[smem:$0x3FAD] =	sst s3  }
0xc: {  	[smem:$0x3FAE] =	sst s4  }
0xd: {  	[smem:$0x3FAF] =	sst s5  }
0xe: {  	[smem:$0x3FB0] =	sst s6  }
0xf: {  	[smem:$0x3FB1] =	sst s7  }
0x10: {  	[smem:$0x3FB2] =	sst s8  }
0x11: {  	[smem:$0x3FB3] =	sst s9;
	s0 =	simm.s32 @!p0 $0x0  }
0x12: {  	s1 =	sld [smem:$0x3F99];
	s0 =	simm.s32 @p0 $0x1  }
0x13: {  	[smem:$0x3FB4] =	sst s0;
	s0 =	simm.s32 @!p1 $0x0  }
0x14: {  	s2 =	sld [smem:$0x3F98];
	s0 =	simm.s32 @p1 $0x1  }
0x15: {  	[smem:$0x3FB5] =	sst s0;
	s0 =	simm.s32 @!p2 $0x0  }
0x16: {  	s3 =	sld [smem:$0x3FDB];
	s0 =	simm.s32 @p2 $0x1  }
0x17: {  	s4 =	simm.s32 $0x1BF5;
	[smem:$0x3FB7] =	sst s0  }
0x18: {  	s0 =	sld [smem:$0x3F9A];
	_ =	swait.ge [sflag:s4], $0x0  }
0x19: {  	s7 =	sld [smem:$0x3F9B]  }
0x1a: {  	s8 =	sadd.s32 $0xFFFFE003, lr  }
0x1b: {  	s9 =	sadd.s32 $0xFFFFFEF7, lr;
	s5 =	simm.s32 $0xFFFFFFFF;
	p2 =	slt.u32 s8, $0xFFFFF086  }
0x1c: {  	p1 =	slt.u32 s9, $0xF7A;
	s5 =	simm.s32 @!p2 $0x0  }
0x1d: {  	s5 =	simm.s32 @p1 $0x1;
	p0 =	seq.s32 s7, s2  }
0x1e: {  	s7 =	smul.u32 @!p0 $0xF7A, s2;
	p2 =	seq.s32 @!p0 s5, $0x0  }
0x1f: {  	s9 =	smul.u32 $0xF7A, s1;
	s8 =	simm.s32 @!p0 $0x1BF5;
	p2 =	por !p2, p0  }
0x20: {  	[sflag:s8] =	ssyncset.s32 @!p0 $0xFFFFF086;
	s6 =	sadd.s32 @!p0 s3, s7;
	s7 =	simm.s32 @!p0 $0x108  }
0x21: {  	s3 =	sadd.s32 s3, s9;
	s6 =	sadd.s32 @!p0 $0x88, s6;
	s7 =	simm.s32 @p2 $0x1082  }
0x22: {  	[simem:s7], [sflag:s8] =	dma.local @!p0 [hbm:s6], $0xF7A  }
0x23: {  	s9 =	sor.u32 $0xD0000000, s2;
	s6 =	simm.s32 $0x108;
	_ =	swait.ge @!p0 [sflag:s8], $0x0  }
0x24: {  	s3 =	sadd.s32 $0x88, s3;
	s6 =	simm.s32 @!p1 $0x1082;
	[sflag:s4] =	ssyncset.s32 $0xFFFFF086  }
0x25: {  	[simem:s6], [sflag:s4] =	dma.local [hbm:s3], $0xF7A  }
0x26: {  	[smem:$0x3F9B] =	sst s1;
	(tag) =	ssettag s2;
	_ =	strace s9  }
0x27: {  	s1 =	sld [smem:$0x3FAB]  }
0x28: {  	s2 =	sld [smem:$0x3FAC]  }
0x29: {  	s4 =	sld [smem:$0x3FAE]  }
0x2a: {  	p0 =	seq.s32 s5, $0x0;
	s5 =	sld [smem:$0x3FAF]  }
0x2b: {  	s6 =	sld [smem:$0x3FB0]  }
0x2c: {  	s7 =	sld [smem:$0x3FB1]  }
0x2d: {  	s3 =	simm.s32 $0x108;
	s8 =	sld [smem:$0x3FB2]  }
0x2e: {  	s3 =	simm.s32 @!p0 $0x1082;
	s9 =	sld [smem:$0x3FB3]  }
0x2f: {  	lr =	sadd.s32 s0, s3;
	s0 =	sld [smem:$0x3FAA]  }
0x30: {  	s3 =	sld [smem:$0x3FAD]  }
0x31: {  	[smem:$0x3FB6] =	sst s10  }
0x32: {  	s10 =	sld [smem:$0x3FB4];
	_ =	sdelay $0x3  }
0x33: {  	p0 =	seq.s32 s10, $0x1;
	s10 =	sld [smem:$0x3FB6];
	_ =	sdelay $0x3  }
0x34: {  	[smem:$0x3FB6] =	sst s10  }
0x35: {  	s10 =	sld [smem:$0x3FB5];
	_ =	sdelay $0x3  }
0x36: {  	p1 =	seq.s32 s10, $0x1;
	s10 =	sld [smem:$0x3FB6];
	_ =	sdelay $0x3  }
0x37: {  	[smem:$0x3FB6] =	sst s10  }
0x38: {  	s10 =	sld [smem:$0x3FB7]  }
0x39: {  	_ = 	snop;
	(pc) =	sbr.ind lr, $3  }
0x3a: {  	_ = 	snop  }
0x3b: {  	_ = 	snop  }
0x3c: {  	p2 =	seq.s32 s10, $0x1;
	s10 =	sld [smem:$0x3FB6]  }
0x3d: {  	_ =	shalt  }
0x3e: {  	_ =	shalt  }
0x3f: {  	_ =	shalt  }
0x40: {  	_ =	shalt  }
0x41: {  	_ =	shalt  }
0x42: {  	_ =	shalt  }
0x43: {  	_ =	shalt  }
0x44: {  	_ =	shalt  }
0x45: {  	_ =	shalt  }
0x46: {  	_ =	shalt  }
0x47: {  	_ =	shalt  }
0x48: {  	_ =	shalt  }
0x49: {  	_ =	shalt  }
0x4a: {  	_ =	shalt  }
0x4b: {  	_ =	shalt  }
0x4c: {  	_ =	shalt  }
0x4d: {  	_ =	shalt  }
0x4e: {  	_ =	shalt  }
0x4f: {  	_ =	shalt  }
0x50: {  	_ =	shalt  }
0x51: {  	_ =	shalt  }
0x52: {  	_ =	shalt  }
0x53: {  	_ =	shalt  }
0x54: {  	_ =	shalt  }
0x55: {  	_ =	shalt  }
0x56: {  	_ =	shalt  }
0x57: {  	_ =	shalt  }
0x58: {  	_ =	shalt  }
0x59: {  	_ =	shalt  }
0x5a: {  	_ =	shalt  }
0x5b: {  	_ =	shalt  }
0x5c: {  	_ =	shalt  }
0x5d: {  	_ =	shalt  }
0x5e: {  	_ =	shalt  }
0x5f: {  	_ =	shalt  }
0x60: {  	_ =	shalt  }
0x61: {  	_ =	shalt  }
0x62: {  	_ =	shalt  }
0x63: {  	_ =	shalt  }
0x64: {  	_ =	shalt  }
0x65: {  	_ =	shalt  }
0x66: {  	_ =	shalt  }
0x67: {  	_ =	shalt  }
0x68: {  	_ =	shalt  }
0x69: {  	_ =	shalt  }
0x6a: {  	_ =	shalt  }
0x6b: {  	_ =	shalt  }
0x6c: {  	_ =	shalt  }
0x6d: {  	_ =	shalt  }
0x6e: {  	_ =	shalt  }
0x6f: {  	_ =	shalt  }
0x70: {  	_ =	shalt  }
0x71: {  	_ =	shalt  }
0x72: {  	_ =	shalt  }
0x73: {  	_ =	shalt  }
0x74: {  	_ =	shalt  }
0x75: {  	_ =	shalt  }
0x76: {  	_ =	shalt  }
0x77: {  	_ =	shalt  }
0x78: {  	_ =	shalt  }
0x79: {  	_ =	shalt  }
0x7a: {  	_ =	shalt  }
0x7b: {  	_ =	shalt  }
0x7c: {  	_ =	shalt  }
0x7d: {  	_ =	shalt  }
0x7e: {  	_ =	shalt  }
0x7f: {  	_ =	shalt  }
0x80: {  	_ =	shalt  }
0x81: {  	_ =	shalt  }
0x82: {  	_ =	shalt  }
0x83: {  	_ =	shalt  }
0x84: {  	_ =	shalt  }
0x85: {  	_ =	shalt  }
0x86: {  	_ =	shalt  }
0x87: {  	_ =	shalt  }
.Lfunc_end0:
.L_simem_size_0:
called_computation_lowered:
.L_overlay_start_0:
0x88: {  	s2 =	sld [smem:$0x3FD9]  }
0x89: {  	s3 =	sld [smem:$0x3FFE];
	_ =	sdelay $0x1  }
0x8a: {  	s1 =	srdreg.scid  }
0x8b: {  	s0 =	sand.u32 $0x1, s1  }
0x8c: {  	s17 =	sshll.u32 s0, $0xA;
	s2 =	sadd.s32 s3, s2  }
0x8d: {  	s2 =	sadd.s32 s2, s17  }
0x8e: {  	[smem:$0x3FC2] =	sst s2  }
0x8f: {  	_ = 	snop  }
0x90: {  	s2 =	sld [smem:$0x3FD0];
	(tm) =	ssettm $0x1  }
0x91: {  	s18 =	sld [smem:$0x3FFB];
	_ =	sdelay $0x3  }
0x92: {  	_ =	strace s18  }
0x93: {  	s3 =	sld [smem:$0x3FFC];
	_ =	sdelay $0x3  }
0x94: {  	_ =	strace s3  }
0x95: {  	s3 =	sld [smem:$0x3FFD];
	_ =	sdelay $0x3  }
0x96: {  	_ =	strace s3  }
0x97: {  	_ =	strace $0x8FFFFFFF  }
0x98: {  	s19 =	sld [smem:$0x3FDB];
	_ =	sdelay $0x1  }
0x99: {  	s4 =	simm.s32 $_scs_section_size  }
0x9a: {  	s5 =	simm.s32 $_size__tile_overlayer_lowered;
	s6 =	simm.s32 $_tile_overlayer_lowered  }
0x9b: {  	s22 =	simm.s32 $0x1BFF;
	s21 =	sshll.u32 s6, $0x1;
	s3 =	sadd.s32 s4, s19  }
0x9c: {  	s7 =	simm.s32 $0x0;
	s20 =	sshll.u32 s5, $0x1;
	s5 =	sadd.s32 s21, s3  }
0x9d: {  	[timem:s7], [sflag:s22] =	dma.local [hbm:s5], s20  }
0x9e: {  	_ =	swait.ge [sflag:s22], s20  }
0x9f: {  	s4 =	ssub.s32 $0x0, s20;
	[sflag:s22] =	ssyncset.done $0x0  }
0xa0: {  	[sflag:s22] =	ssyncadd.s32 s4;
	_ =	sdelay $0x1  }
0xa1: {  	s23 =	simm.s32 $0x1B8B  }
0xa2: {  	_ =	swait.ge [sflag:s23], $0x1  }
0xa3: {  	[sflag:s23] =	ssyncset.done $0x0  }
0xa4: {  	s25 =	simm.s32 $0x1B8E;
	s24 =	sld [smem:$0x3FFE];
	[sflag:s23] =	ssyncadd.s32 $0xFFFFFFFF  }
0xa5: {  	s26 =	simm.s32 $execute0_lowered;
	[smem:$0x3FD2] =	sst s25  }
0xa6: {  	s5 =	sshll.u32 s26, $0x1;
	_ =	strace $0x80000046;
	[dreg:$0x1] =	wrdreg $0xFFFFFFFF  }
0xa7: {  	s28 =	simm.s32 $_size_execute0_lowered;
	s3 =	sadd.s32 s3, s5;
	[dreg:$0x0] =	wrdreg $0x0  }
0xa8: {  	s5 =	sshll.u32 s28, $0x1;
	[dreg:$0x2] =	wrdreg s3  }
0xa9: {  	[dreg:$0x3] =	wrdreg s5  }
0xaa: {  	[dreg:$0x4] =	wrdreg $0xC0  }
0xab: {  	_ =	task [dreg:s7], $0x5FFFF  }
0xac: {  	[dreg:$0x1] =	wrdreg $0xFFFFFFFF  }
0xad: {  	[dreg:$0x0] =	wrdreg $0x60  }
0xae: {  	[dreg:$0x2] =	wrdreg s24  }
0xaf: {  	[dreg:$0x3] =	wrdreg s2  }
0xb0: {  	[dreg:$0x4] =	wrdreg $0x9  }
0xb1: {  	_ =	task.clear_ibuf [dreg:s7], $0x5FFFF;
	_ =	strace $0x90000046  }
0xb2: {  	s29 =	simm.s32 $0x9;
	_ =	strace $0x80000048  }
0xb3: {  	_ =	swait.ge [sflag:s29], $0x1  }
0xb4: {  	[sflag:s29] =	ssyncadd.s32 $0xFFFFFFFF  }
0xb5: {  	_ =	strace $0x90000048  }
0xb6: {  	_ =	sfence  }
0xb7: {  	s30 =	sld [smem:$0x0];
	_ =	sdelay $0x2  }
0xb8: {  	s31 =	sshll.u32 s1, $0xD;
	s1 =	sshrl.u32 s1, $0x2  }
0xb9: {  	s3 =	sand.u32 $0x4000, s31;
	s1 =	sadd.s32 s1, s30  }
0xba: {  	s0 =	sor.u32 s3, s0;
	s1 =	sshll.u32 s1, $0x11  }
0xbb: {  	s0 =	sor.u32 s1, s0  }
0xbc: {  	s0 =	sadd.s32 $0x8F2B, s0  }
0xbd: {  	[sflag:s0] =	ssyncadd.remote.s32 $0x1  }
0xbe: {  	_ =	sfence.sel $0xFFFF  }
0xbf: {  	[dreg:$0x0] =	wrdreg $0xFFFFFFFF;
	(pc) =	sbr.abs _section_cstart, $3  }
0xc0: {  	[dreg:$0x1] =	wrdreg $0xFFFFFFFF  }
0xc1: {  	_ =	task.clear_ibuf [dreg:s7], $0x2FFFF;
	_ =	strace $0x9FFFFFFF  }
0xc2: {  	(tm) =	ssettm $0x7FFFFFFF  }
0xc3: {  	_ =	shalt  }
tec
execute0_lowered:
.L_overlay_start_1:
0x0: {  	(tag) =	ssettag $0x1  }
0x1: {  	s5 =	rddreg [dreg:$0x0]  }
0x2: {  	s6 =	rddreg [dreg:$0x1]  }
0x3: {  	s0 =	rddreg [dreg:$0x2];
	s3 =	srdreg.scid  }
0x4: {  	s1 =	stileid.u32;
	s2 =	simm.s32 $0x0;
	s12 =	simm.s32 $0x50  }
0x5: {  	s13 =	simm.s32 $0x100;
	s14 =	simm.s32 $0x180;
	s15 =	simm.s32 $0x1  }
0x6: {  	s16 =	simm.s32 $0x2;
	s17 =	simm.s32 $0x280;
	s18 =	simm.s32 $0x200  }
0x7: {  	s19 =	simm.s32 $0x400;
	s20 =	simm.s32 $0x0;
	s7 =	sand.u32 $0x1, s3  }
0x8: {  	s8 =	smul.u32 $0x4E20, s1;
	[smem:$0x7FF] =	sst s2;
	s28 =	sshrl.u32 s1, $0x2  }
0x9: {  	s4 =	sshll.u32 s1, $0x8;
	s3 =	sadd.s32 $0x64600, s5;
	s9 =	smul.u32 $0x2710, s7  }
0xa: {  	s10 =	sshll.u32 s7, $0x7;
	_ =	strace $0x80000047;
	s11 =	smul.u32 $0x14000, s28  }
0xb: {  	s7 =	ssub.s32 $0x2, s7;
	s10 =	sor.u32 s10, s4;
	s4 =	sadd.s32 $0x64000, s5  }
0xc: {  	s30 =	sshrl.u32 s7, $0x1;
	s10 =	sand.u32 $0x380, s10;
	s8 =	sadd.s32 s9, s8  }
0xd: {  	s7 =	ssub.s32 s7, s30;
	s29 =	sor.u32 s11, s10;
	s8 =	sshrl.u32 s8, $0x3  }
0xe: {  	s10 =	simm.s32 $0x3;
	s11 =	simm.s32 $0x80;
	s9 =	sshrl.u32 s29, $0x3  }
0xf: {  	s31 =	sadd.s32 s8, s5;
	s5 =	sadd.s32 s6, s9;
	s6 =	smax.u32 s7, $0x1  }
0x10: {  	v0 =	vimm.f32 $0.0e+00;
	s7 =	sadd.s32 $0x64C00, s31;
	s8 =	sadd.s32 $0x400, s31;
	s9 =	sadd.s32 $0xA200, s31  }
.LBB2_1:
0x11: {  	s21 =	simm.s32 $0x0  }
.LBB2_2:
0x12: {  	p0 =	sne.s32 s21, $0x9FC0  }
.Ltmp0:
0x13: {  	_ = 	snop;
	(pc) =	sbr.rel @p0 .LBB2_2-.Ltmp0, $3  }
0x14: {  	_ =	sdelay $0x1  }
0x15: {  	s22 =	sshra.s32 s21, $0x2  }
0x16: {  	s21 =	sadd.s32 $0x40, s21;
	[tilespmem:s22+$0x280] =	vst v0  }
0x17: {  	s21 =	sadd.s32 $0x0, s9  }
0x18: {  	[tilespmem:s2], [sflag:$0x3] =	stream.linear.gather [hbm4b:s21+s2], $0x50, $0x38;
	[tilespmem:$0x2A80] =	vst v63  }
0x19: {  	_ =	swait.ge [sflag:s10], $0x50  }
0x1a: {  	[sflag:s10] =	ssyncset.done $0x0  }
0x1b: {  	s31 =	sadd.s32 $0x0, s8;
	[sflag:s10] =	ssyncadd.s32 $0xFFFFFFB0  }
0x1c: {  	[tilespmem:s11], [sflag:$0x3] =	stream.linear.gather [hbm4b:s31+s2], $0x50, $0x38;
	[tilespmem:$0x2A80] =	vst v63  }
0x1d: {  	_ =	swait.ge [sflag:s10], $0x50  }
0x1e: {  	[sflag:s10] =	ssyncset.done $0x0  }
0x1f: {  	[sflag:s10] =	ssyncadd.s32 $0xFFFFFFB0  }
0x20: {  	[tilespmem:s13], [sflag:$0x1] =	stream.indirect.gather [hbm4b:s3+s12], $0x1, s2, s12, $0xb8;
	[tilespmem:$0x2A80] =	vst v63  }
0x21: {  	_ = 	snop  }
0x22: {  	[tilespmem:s14], [sflag:$0x2] =	stream.indirect.gather [hbm4b:s4+s12], $0x1, s11, s12, $0xb8;
	[tilespmem:$0x2A80] =	vst v63  }
0x23: {  	_ =	swait.ge [sflag:s15], $0x50  }
0x24: {  	[sflag:s15] =	ssyncset.done $0x0  }
0x25: {  	[sflag:s15] =	ssyncadd.s32 $0xFFFFFFB0  }
0x26: {  	_ =	swait.ge [sflag:s16], $0x50  }
0x27: {  	[sflag:s16] =	ssyncset.done $0x0  }
0x28: {  	[sflag:s16] =	ssyncadd.s32 $0xFFFFFFB0  }
0x29: {  	v1 =	vld [tilespmem:$0x100]  }
0x2a: {  	v2 =	vld [tilespmem:$0x180];
	_ =	sdelay $0x4  }
0x2b: {  	v1 =	vadd.f32 v2, v1;
	_ =	sdelay $0x1  }
0x2c: {  	v1 =	vsub.f32 $0.0e+00, v1;
	_ =	sdelay $0x1  }
0x2d: {  	v1 =	vmul.f32 $1.442695020e+00, v1;
	_ =	sdelay $0x1  }
0x2e: {  	(erf) = vpow2.f32 v1;
	_ =	sdelay $0x8  }
0x2f: {  	v1 =	vpop (erf)  }
0x30: {  	v1 =	vadd.f32 $1.000000000e+00, v1;
	_ =	sdelay $0x1  }
0x31: {  	(erf) = vrcp.f32 v1;
	_ =	sdelay $0x2  }
0x32: {  	v1 =	vld [tilespmem:$0x80];
	_ =	sdelay $0x5  }
0x33: {  	v2 =	vpop (erf)  }
0x34: {  	[tilespmem:$0x200] =	vst v2  }
0x35: {  	[tilespmem:v1+s17+$0x0] =	vst.idx.add.f32.msk $0xffff, v2  }
0x36: {  	v1 =	vld [tilespmem:$0x110]  }
0x37: {  	v2 =	vld [tilespmem:$0x190];
	_ =	sdelay $0x4  }
0x38: {  	v1 =	vadd.f32 v2, v1;
	_ =	sdelay $0x1  }
0x39: {  	v1 =	vsub.f32 $0.0e+00, v1;
	_ =	sdelay $0x1  }
0x3a: {  	v1 =	vmul.f32 $1.442695020e+00, v1;
	_ =	sdelay $0x1  }
0x3b: {  	(erf) = vpow2.f32 v1;
	_ =	sdelay $0x8  }
0x3c: {  	v1 =	vpop (erf)  }
0x3d: {  	v1 =	vadd.f32 $1.000000000e+00, v1;
	_ =	sdelay $0x1  }
0x3e: {  	(erf) = vrcp.f32 v1;
	_ =	sdelay $0x2  }
0x3f: {  	v1 =	vld [tilespmem:$0x90];
	_ =	sdelay $0x5  }
0x40: {  	v2 =	vpop (erf)  }
0x41: {  	[tilespmem:$0x210] =	vst v2  }
0x42: {  	[tilespmem:v1+s17+$0x0] =	vst.idx.add.f32.msk $0xffff, v2  }
0x43: {  	v1 =	vld [tilespmem:$0x120]  }
0x44: {  	v2 =	vld [tilespmem:$0x1A0];
	_ =	sdelay $0x4  }
0x45: {  	v1 =	vadd.f32 v2, v1;
	_ =	sdelay $0x1  }
0x46: {  	v1 =	vsub.f32 $0.0e+00, v1;
	_ =	sdelay $0x1  }
0x47: {  	v1 =	vmul.f32 $1.442695020e+00, v1;
	_ =	sdelay $0x1  }
0x48: {  	(erf) = vpow2.f32 v1;
	_ =	sdelay $0x8  }
0x49: {  	v1 =	vpop (erf)  }
0x4a: {  	v1 =	vadd.f32 $1.000000000e+00, v1;
	_ =	sdelay $0x1  }
0x4b: {  	(erf) = vrcp.f32 v1;
	_ =	sdelay $0x2  }
0x4c: {  	v1 =	vld [tilespmem:$0xA0];
	_ =	sdelay $0x5  }
0x4d: {  	v2 =	vpop (erf)  }
0x4e: {  	[tilespmem:$0x220] =	vst v2  }
0x4f: {  	[tilespmem:v1+s17+$0x0] =	vst.idx.add.f32.msk $0xffff, v2  }
0x50: {  	v1 =	vld [tilespmem:$0x130]  }
0x51: {  	v2 =	vld [tilespmem:$0x1B0];
	_ =	sdelay $0x4  }
0x52: {  	v1 =	vadd.f32 v2, v1;
	_ =	sdelay $0x1  }
0x53: {  	v1 =	vsub.f32 $0.0e+00, v1;
	_ =	sdelay $0x1  }
0x54: {  	v1 =	vmul.f32 $1.442695020e+00, v1;
	_ =	sdelay $0x1  }
0x55: {  	(erf) = vpow2.f32 v1;
	_ =	sdelay $0x8  }
0x56: {  	v1 =	vpop (erf)  }
0x57: {  	v1 =	vadd.f32 $1.000000000e+00, v1;
	_ =	sdelay $0x1  }
0x58: {  	(erf) = vrcp.f32 v1;
	_ =	sdelay $0x2  }
0x59: {  	v1 =	vld [tilespmem:$0xB0];
	_ =	sdelay $0x5  }
0x5a: {  	v2 =	vpop (erf)  }
0x5b: {  	[tilespmem:$0x230] =	vst v2  }
0x5c: {  	[tilespmem:v1+s17+$0x0] =	vst.idx.add.f32.msk $0xffff, v2  }
0x5d: {  	v1 =	vld [tilespmem:$0x140]  }
0x5e: {  	v2 =	vld [tilespmem:$0x1C0];
	_ =	sdelay $0x4  }
0x5f: {  	v1 =	vadd.f32 v2, v1;
	_ =	sdelay $0x1  }
0x60: {  	v1 =	vsub.f32 $0.0e+00, v1;
	_ =	sdelay $0x1  }
0x61: {  	v1 =	vmul.f32 $1.442695020e+00, v1;
	_ =	sdelay $0x1  }
0x62: {  	(erf) = vpow2.f32 v1;
	_ =	sdelay $0x8  }
0x63: {  	v1 =	vpop (erf)  }
0x64: {  	v1 =	vadd.f32 $1.000000000e+00, v1;
	_ =	sdelay $0x1  }
0x65: {  	(erf) = vrcp.f32 v1;
	_ =	sdelay $0x2  }
0x66: {  	v1 =	vld [tilespmem:$0xC0];
	_ =	sdelay $0x5  }
0x67: {  	s23 =	sadd.s32 $0x0, s7;
	s21 =	simm.s32 $0xA;
	v2 =	vpop (erf)  }
.LBB2_4:
0x68: {  	p0 =	sne.s32 s21, $0x4D8;
	[tilespmem:$0x240] =	vst v2;
	s22 =	smov.u32 s21;
	s21 =	sadd.s32 $0xA, s21  }
0x69: {  	[tilespmem:v1+s17+$0x0] =	vst.idx.add.f32.msk $0xffff, v2  }
0x6a: {  	[hbm4b:s23+s2] =	stream.linear.scatter [tilespmem:s18], [sflag:$0x3], $0x50, $0x38;
	[tilespmem:$0x2A80] =	vst v63  }
0x6b: {  	_ =	swait.ge [sflag:s10], $0x50  }
0x6c: {  	[sflag:s10] =	ssyncset.done $0x0  }
0x6d: {  	s23 =	sadd.s32 s22, s9;
	[sflag:s10] =	ssyncadd.s32 $0xFFFFFFB0  }
0x6e: {  	[tilespmem:s2], [sflag:$0x3] =	stream.linear.gather [hbm4b:s23+s2], $0x50, $0x38;
	[tilespmem:$0x2A80] =	vst v63  }
0x6f: {  	_ =	swait.ge [sflag:s10], $0x50  }
0x70: {  	[sflag:s10] =	ssyncset.done $0x0  }
0x71: {  	s23 =	sadd.s32 s22, s8;
	[sflag:s10] =	ssyncadd.s32 $0xFFFFFFB0  }
0x72: {  	[tilespmem:s11], [sflag:$0x3] =	stream.linear.gather [hbm4b:s23+s2], $0x50, $0x38;
	[tilespmem:$0x2A80] =	vst v63  }
0x73: {  	_ =	swait.ge [sflag:s10], $0x50  }
0x74: {  	[sflag:s10] =	ssyncset.done $0x0  }
0x75: {  	[sflag:s10] =	ssyncadd.s32 $0xFFFFFFB0  }
0x76: {  	[tilespmem:s13], [sflag:$0x1] =	stream.indirect.gather [hbm4b:s3+s12], $0x1, s2, s12, $0xb8;
	[tilespmem:$0x2A80] =	vst v63  }
0x77: {  	_ = 	snop  }
0x78: {  	[tilespmem:s14], [sflag:$0x2] =	stream.indirect.gather [hbm4b:s4+s12], $0x1, s11, s12, $0xb8;
	[tilespmem:$0x2A80] =	vst v63  }
0x79: {  	_ =	swait.ge [sflag:s15], $0x50  }
0x7a: {  	[sflag:s15] =	ssyncset.done $0x0  }
0x7b: {  	[sflag:s15] =	ssyncadd.s32 $0xFFFFFFB0  }
0x7c: {  	_ =	swait.ge [sflag:s16], $0x50  }
0x7d: {  	[sflag:s16] =	ssyncset.done $0x0  }
0x7e: {  	[sflag:s16] =	ssyncadd.s32 $0xFFFFFFB0  }
0x7f: {  	v1 =	vld [tilespmem:$0x100]  }
0x80: {  	v2 =	vld [tilespmem:$0x180];
	_ =	sdelay $0x4  }
0x81: {  	v1 =	vadd.f32 v2, v1;
	_ =	sdelay $0x1  }
0x82: {  	v1 =	vsub.f32 $0.0e+00, v1;
	_ =	sdelay $0x1  }
0x83: {  	v1 =	vmul.f32 $1.442695020e+00, v1;
	_ =	sdelay $0x1  }
0x84: {  	(erf) = vpow2.f32 v1;
	_ =	sdelay $0x8  }
0x85: {  	v1 =	vpop (erf)  }
0x86: {  	v1 =	vadd.f32 $1.000000000e+00, v1;
	_ =	sdelay $0x1  }
0x87: {  	(erf) = vrcp.f32 v1;
	_ =	sdelay $0x1  }
0x88: {  	v1 =	vld [tilespmem:$0x80];
	_ =	sdelay $0x6  }
0x89: {  	v2 =	vpop (erf)  }
0x8a: {  	[tilespmem:$0x200] =	vst v2  }
0x8b: {  	[tilespmem:v1+s17+$0x0] =	vst.idx.add.f32.msk $0xffff, v2  }
0x8c: {  	v1 =	vld [tilespmem:$0x110]  }
0x8d: {  	v2 =	vld [tilespmem:$0x190];
	_ =	sdelay $0x4  }
0x8e: {  	v1 =	vadd.f32 v2, v1;
	_ =	sdelay $0x1  }
0x8f: {  	v1 =	vsub.f32 $0.0e+00, v1;
	_ =	sdelay $0x1  }
0x90: {  	v1 =	vmul.f32 $1.442695020e+00, v1;
	_ =	sdelay $0x1  }
0x91: {  	(erf) = vpow2.f32 v1;
	_ =	sdelay $0x8  }
0x92: {  	v1 =	vpop (erf)  }
0x93: {  	v1 =	vadd.f32 $1.000000000e+00, v1;
	_ =	sdelay $0x1  }
0x94: {  	(erf) = vrcp.f32 v1  }
0x95: {  	v1 =	vld [tilespmem:$0x90];
	_ =	sdelay $0x7  }
0x96: {  	v2 =	vpop (erf)  }
0x97: {  	[tilespmem:$0x210] =	vst v2  }
0x98: {  	[tilespmem:v1+s17+$0x0] =	vst.idx.add.f32.msk $0xffff, v2  }
0x99: {  	v1 =	vld [tilespmem:$0x120]  }
0x9a: {  	v2 =	vld [tilespmem:$0x1A0];
	_ =	sdelay $0x4  }
0x9b: {  	v1 =	vadd.f32 v2, v1;
	_ =	sdelay $0x1  }
0x9c: {  	v1 =	vsub.f32 $0.0e+00, v1;
	_ =	sdelay $0x1  }
0x9d: {  	v1 =	vmul.f32 $1.442695020e+00, v1;
	_ =	sdelay $0x1  }
0x9e: {  	(erf) = vpow2.f32 v1;
	_ =	sdelay $0x8  }
0x9f: {  	v1 =	vpop (erf)  }
0xa0: {  	v1 =	vadd.f32 $1.000000000e+00, v1;
	_ =	sdelay $0x1  }
0xa1: {  	v2 =	vld [tilespmem:$0xA0];
	(erf) = vrcp.f32 v1;
	_ =	sdelay $0x8  }
0xa2: {  	v1 =	vpop (erf)  }
0xa3: {  	[tilespmem:$0x220] =	vst v1  }
0xa4: {  	[tilespmem:v2+s17+$0x0] =	vst.idx.add.f32.msk $0xffff, v1  }
0xa5: {  	v1 =	vld [tilespmem:$0x130]  }
0xa6: {  	v2 =	vld [tilespmem:$0x1B0]  }
0xa7: {  	v3 =	vld [tilespmem:$0xB0];
	_ =	sdelay $0x3  }
0xa8: {  	v1 =	vadd.f32 v2, v1;
	_ =	sdelay $0x1  }
0xa9: {  	v1 =	vsub.f32 $0.0e+00, v1;
	_ =	sdelay $0x1  }
0xaa: {  	v1 =	vmul.f32 $1.442695020e+00, v1;
	_ =	sdelay $0x1  }
0xab: {  	(erf) = vpow2.f32 v1;
	_ =	sdelay $0x8  }
0xac: {  	v1 =	vpop (erf)  }
0xad: {  	v1 =	vadd.f32 $1.000000000e+00, v1;
	_ =	sdelay $0x1  }
0xae: {  	(erf) = vrcp.f32 v1;
	_ =	sdelay $0x8  }
0xaf: {  	v1 =	vpop (erf)  }
0xb0: {  	[tilespmem:$0x230] =	vst v1  }
0xb1: {  	[tilespmem:v3+s17+$0x0] =	vst.idx.add.f32.msk $0xffff, v1  }
0xb2: {  	v2 =	vld [tilespmem:$0x140]  }
0xb3: {  	v3 =	vld [tilespmem:$0x1C0]  }
0xb4: {  	v1 =	vld [tilespmem:$0xC0];
	_ =	sdelay $0x3  }
0xb5: {  	v2 =	vadd.f32 v3, v2;
	_ =	sdelay $0x1  }
0xb6: {  	v2 =	vsub.f32 $0.0e+00, v2;
	_ =	sdelay $0x1  }
0xb7: {  	v2 =	vmul.f32 $1.442695020e+00, v2;
	_ =	sdelay $0x1  }
0xb8: {  	(erf) = vpow2.f32 v2;
	_ =	sdelay $0x8  }
0xb9: {  	v2 =	vpop (erf)  }
0xba: {  	v2 =	vadd.f32 $1.000000000e+00, v2;
	_ =	sdelay $0x1  }
0xbb: {  	(erf) = vrcp.f32 v2;
	_ =	sdelay $0x4  }
.Ltmp1:
0xbc: {  	(pc) =	sbr.rel @p0 .LBB2_4-.Ltmp1, $2  }
0xbd: {  	s23 =	sadd.s32 s22, s7;
	_ =	sdelay $0x2  }
0xbe: {  	v2 =	vpop (erf)  }
0xbf: {  	_ =	sdelay $0x2  }
0xc0: {  	[tilespmem:$0x240] =	vst v2  }
0xc1: {  	[tilespmem:v1+s17+$0x0] =	vst.idx.add.f32.msk $0xffff, v2  }
0xc2: {  	[hbm4b:s23+s2] =	stream.linear.scatter [tilespmem:s18], [sflag:$0x3], $0x50, $0x38;
	[tilespmem:$0x2A80] =	vst v63  }
0xc3: {  	s20 =	sadd.s32 $0x1, s20;
	_ =	swait.ge [sflag:s10], $0x50  }
0xc4: {  	p0 =	sne.s32 s20, s6;
	[sflag:s10] =	ssyncset.done $0x0  }
.Ltmp2:
0xc5: {  	[sflag:s10] =	ssyncadd.s32 $0xFFFFFFB0;
	(pc) =	sbr.rel @p0 .LBB2_1-.Ltmp2, $4  }
0xc6: {  	[hbm4b:s5+s11] =	stream.strided.scatter [tilespmem:s17], [sflag:$0x3], $0x2800, s19, s11, $0x38;
	[tilespmem:$0x2A80] =	vst v63  }
0xc7: {  	_ =	swait.ge [sflag:s10], $0x2800  }
0xc8: {  	[sflag:s10] =	ssyncset.done $0x0  }
0xc9: {  	[sflag:s10] =	ssyncadd.s32 $0xFFFFD800  }
0xca: {  	_ =	sfence.sel $0x180000  }
0xcb: {  	[bflag:$0x0] =	sbarrier.arrive $0xFFFF  }
0xcc: {  	p0 =	sne.s32 s1, $0x0;
	_ =	strace $0x90000047  }
0xcd: {  	s0 =	sadd.s32 @!p0 $0x100000, s0;
	[bflag:$0x2] =	sbarrier.arrive $0xFFFF  }
0xce: {  	[sflag:s0] =	ssyncadd.tile.s32 @!p0 $0x1;
	_ =	shalt  }
.Lfunc_end2:
_tile_overlayer_lowered:
.L_overlay_start_2:
0xcf: {  	(tag) =	ssettag $0x2  }
0xd0: {  	s0 =	rddreg [dreg:$0x0];
	s2 =	stileid.u32  }
0xd1: {  	s1 =	rddreg [dreg:$0x1];
	p0 =	sne.s32 s2, $0x0  }
0xd2: {  	s3 =	rddreg [dreg:$0x2];
	[bflag:$0x3] =	sbarrier.arrive $0xFFFF;
	s2 =	simm.s32 @!p0 $0x1C03  }
0xd3: {  	[timem:s3], [sflag:s2] =	dma.local @!p0 [hbm:s0], s1  }
0xd4: {  	s0 =	simm.s32 @!p0 $0x3  }
0xd5: {  	_ =	swait.ge @!p0 [sflag:s0], s1  }
0xd6: {  	s1 =	ssub.s32 @!p0 $0x0, s1;
	[sflag:s0] =	ssyncset.done @!p0 $0x0  }
0xd7: {  	[sflag:s0] =	ssyncadd.s32 @!p0 s1  }
0xd8: {  	[bflag:$0x3] =	sbarrier.arrive $0xFFFF  }
0xd9: {  	_ =	shalt  }

</sc_bundles>
